<compile_context>
chip_gen: v7x
topology: tpu7x:2x2x1
jax: 0.10.2.dev20260603
libtpu: 0.0.44.dev20260713+nightly
codegen_flags: <defaults>
</compile_context>

<pallas_src>
import functools

import jax
import jax.numpy as jnp
from jax import lax
from jax.experimental import pallas as pl
from jax.experimental.pallas import tpu as pltpu
from jax.experimental.pallas import tpu_sc as plsc

B = 16384
S = 200
D = 12
V = 50
N = B * S
NC = 2
NS = 16
NW = NC * NS
PER_W = N // NW
CHUNK = 2560
GROUPS = CHUNK // 16
ROUNDS = PER_W // CHUNK
NBUF = 2
LANES = 16
ROWW = D * LANES

def _make_gather_kernel():
    mesh = plsc.VectorSubcoreMesh(core_axis_name="c", subcore_axis_name="s")

    @functools.partial(
        pl.kernel,
        out_type=jax.ShapeDtypeStruct((N, D), jnp.float32),
        mesh=mesh,
        scratch_types=[
            pltpu.VMEM((V * ROWW,), jnp.float32),
            pltpu.VMEM((CHUNK,), jnp.int32),
            pltpu.VMEM((CHUNK,), jnp.int32),
            pltpu.VMEM((CHUNK, D), jnp.float32),
            pltpu.VMEM((CHUNK, D), jnp.float32),
            pltpu.SemaphoreType.DMA,
            pltpu.SemaphoreType.DMA,
            pltpu.SemaphoreType.DMA,
            pltpu.SemaphoreType.DMA,
            pltpu.SemaphoreType.DMA,
        ],
        compiler_params=pltpu.CompilerParams(
            use_tc_tiling_on_sc=False, needs_layout_passes=False),
    )
    def gather_kernel(idx_hbm, tab_hbm, out_hbm, tab_v, idx_v0, idx_v1,
                      rows_v0, rows_v1, sem_t, sem_i0, sem_i1,
                      sem_o0, sem_o1):
        idx_bufs = (idx_v0, idx_v1)
        rows_bufs = (rows_v0, rows_v1)
        sems_i = (sem_i0, sem_i1)
        sems_o = (sem_o0, sem_o1)

        wid = lax.axis_index("s") * NC + lax.axis_index("c")
        base_w = wid * PER_W

        pltpu.async_copy(tab_hbm, tab_v, sem_t).wait()

        iota16 = lax.iota(jnp.int32, 16)
        pats = [(iota16 + 16 * m) // D for m in range(D)]
        cves = [((iota16 + 16 * m) % D) * LANES + iota16 for m in range(D)]
        cpat = [(iota16 + 16 * m) % D for m in range(D)]

        def start_idx(r, bf):
            rc = jnp.minimum(r, ROUNDS - 1)
            pltpu.async_copy(
                idx_hbm.at[pl.ds(
                    pl.multiple_of(base_w + rc * CHUNK, 8), CHUNK)],
                idx_bufs[bf], sems_i[bf])

        def wait_idx(bf):
            pltpu.make_async_copy(
                idx_hbm.at[pl.ds(0, CHUNK)], idx_bufs[bf], sems_i[bf]).wait()

        def start_out(r, bf):
            dst0 = pl.multiple_of(base_w + r * CHUNK, 8)
            pltpu.async_copy(
                rows_bufs[bf],
                out_hbm.at[pl.ds(dst0, CHUNK)], sems_o[bf])

        def wait_out(bf):
            pltpu.make_async_copy(
                rows_bufs[bf],
                out_hbm.at[pl.ds(0, CHUNK)], sems_o[bf]).wait()

        start_idx(0, 0)
        start_idx(1, 1)

        def round_pair(r2, carry):
            for bf in range(NBUF):
                r = r2 * NBUF + bf
                wait_idx(bf)

                @pl.when(r >= NBUF)
                def _():
                    wait_out(bf)

                idx_buf = idx_bufs[bf]
                rows_buf = rows_bufs[bf]

                @plsc.parallel_loop(0, GROUPS, unroll=2)
                def _grp(g):
                    ivec = idx_buf[pl.ds(g * 16, 16)] * ROWW
                    g16 = g * 16
                    for m in range(D):
                        src = ivec.at[pats[m]].get(mode="promise_in_bounds")
                        vals = plsc.load_gather(tab_v, [src + cves[m]])
                        plsc.store_scatter(
                            rows_buf, [pats[m] + g16, cpat[m]], vals)

                start_out(r, bf)
                start_idx(r + NBUF, bf)
            return carry

        lax.fori_loop(0, ROUNDS // NBUF, round_pair, 0)

        for bf in range(NBUF):
            wait_out(bf)
            wait_idx(bf)

    return gather_kernel


_gather = _make_gather_kernel()


def _linear_body(x_ref, w_ref, b_ref, o_ref):
    o_ref[...] = (
        jnp.dot(x_ref[...], w_ref[...], preferred_element_type=jnp.float32)
        + b_ref[...]
    )


def _linear(linear_in, Wt, b2):
    return pl.pallas_call(
        _linear_body,
        out_shape=jax.ShapeDtypeStruct((B, 5), jnp.float32),
        grid=(8,),
        in_specs=[
            pl.BlockSpec((B // 8, 5), lambda i: (i, 0)),
            pl.BlockSpec((5, 5), lambda i: (0, 0)),
            pl.BlockSpec((1, 5), lambda i: (0, 0)),
        ],
        out_specs=pl.BlockSpec((B // 8, 5), lambda i: (i, 0)),
    )(linear_in, Wt, b2)


def kernel(indices, linear_in, emb_table, W, b):
    idx2 = indices.reshape(N).astype(jnp.int32)
    tab_rep = jnp.repeat(emb_table.reshape(V * D), LANES)
    a = _gather(idx2, tab_rep).reshape(B, S, D)
    q = _linear(linear_in, W.T, b.reshape(1, 5))
    return (a, q)

# --- scband reference (transcript-rebuilt; emitter-appended) ---
"""Pipeline reference for scband-embedding-with-linear-21311627723081 (READ-ONLY COPY).

The authoritative reference and input builder live on the scoring server;
editing this copy changes nothing except your own understanding.
"""

import jax, jax.numpy as jnp
import numpy as np


def setup_inputs(seed: int = 0) -> dict:
    key = jax.random.key(seed)
    k1, k2, k3, k4, k5 = jax.random.split(key, 5)
    indices = jax.random.randint(k1, (16384, 200), 0, 50)
    linear_in = jax.random.normal(k2, (16384, 5), dtype=jnp.float32)
    emb_table = jax.random.normal(k3, (50, 12), dtype=jnp.float32)
    W = jax.random.normal(k4, (5, 5), dtype=jnp.float32) * 0.4
    b = jax.random.normal(k5, (5,), dtype=jnp.float32) * 0.1
    return {"indices": indices, "linear_in": linear_in, "emb_table": emb_table, "W": W, "b": b}


def reference(indices, linear_in, emb_table, W, b):
    # a = self.emb(indices)  -> embedding gather
    a = jnp.take(emb_table, indices, axis=0)
    # QuantStub/DeQuantStub are identity in eager (non-converted) mode,
    # so the linear branch is just fc(linear_in).
    q = linear_in @ W.T + b
    return (a, q)

if __name__ == "__main__":
    import jax
    _d = setup_inputs()
    print(jax.jit(kernel)(*tuple(_d.values())))

</pallas_src>

<mosaic_0001>
#map = affine_map<(d0, d1) -> (0)>
#map1 = affine_map<(d0, d1) -> (0, 0)>
module attributes {stable_mosaic.version = 14 : i64} {
  func.func @gather_kernel(%arg0: i32, %arg1: i32, %arg2: memref<3276800xi32, #tpu.memory_space<hbm>>, %arg3: memref<9600xf32, #tpu.memory_space<hbm>>, %arg4: memref<3276800x12xf32, #tpu.memory_space<hbm>>, %arg5: memref<9600xf32, #tpu.memory_space<vmem>>, %arg6: memref<2560xi32, #tpu.memory_space<vmem>>, %arg7: memref<2560xi32, #tpu.memory_space<vmem>>, %arg8: memref<2560x12xf32, #tpu.memory_space<vmem>>, %arg9: memref<2560x12xf32, #tpu.memory_space<vmem>>, %arg10: memref<!tpu.dma_semaphore, #tpu.memory_space<semaphore_mem>>, %arg11: memref<!tpu.dma_semaphore, #tpu.memory_space<semaphore_mem>>, %arg12: memref<!tpu.dma_semaphore, #tpu.memory_space<semaphore_mem>>, %arg13: memref<!tpu.dma_semaphore, #tpu.memory_space<semaphore_mem>>, %arg14: memref<!tpu.dma_semaphore, #tpu.memory_space<semaphore_mem>>) attributes {dimension_semantics = [#tpu.dimension_semantics<core_parallel>, #tpu.dimension_semantics<subcore_parallel>], iteration_bounds = array<i64: 2, 16>, scalar_prefetch = 0 : i64, scratch_operands = 10 : i64, tpu.core_type = #tpu.core_type<sc_vector_subcore>, window_params = [{transform_indices = #map}, {transform_indices = #map}, {transform_indices = #map1}]} {
    %mul3A = arith.constant 2 : i32
    %mul3A_0 = arith.muli %arg1, %mul3A : i32
    %add3A = arith.addi %mul3A_0, %arg0 : i32
    %mul3A_1 = arith.constant 102400 : i32
    %mul3A_2 = arith.muli %add3A, %mul3A_1 : i32
    tpu.enqueue_dma source(%arg3 : memref<9600xf32, #tpu.memory_space<hbm>>) target(%arg5 : memref<9600xf32, #tpu.memory_space<vmem>>) target_semaphore(%arg10 : memref<!tpu.dma_semaphore, #tpu.memory_space<semaphore_mem>>)
    tpu.wait_dma2 semaphore(%arg10 : memref<!tpu.dma_semaphore, #tpu.memory_space<semaphore_mem>>) src(%arg3 : memref<9600xf32, #tpu.memory_space<hbm>>) dst(%arg5 : memref<9600xf32, #tpu.memory_space<vmem>>)
    %iota3A = tpu.iota {dimensions = array<i32: 0>} : vector<16xi32>
    %add3A_3 = arith.constant 0 : i32
    %add3A_4 = vector.broadcast %add3A_3 : i32 to vector<16xi32>
    %add3A_5 = arith.addi %iota3A, %add3A_4 : vector<16xi32>
    %jit3A = arith.constant 12 : i32
    %div3A = vector.broadcast %jit3A : i32 to vector<16xi32>
    %div3A_6 = arith.divsi %add3A_5, %div3A : vector<16xi32>
    %sign3A = arith.constant 0 : i32
    %sign3A_7 = vector.broadcast %sign3A : i32 to vector<16xi32>
    %sign3A_8 = arith.cmpi sgt, %add3A_5, %sign3A_7 : vector<16xi32>
    %sign3A_9 = arith.extui %sign3A_8 : vector<16xi1> to vector<16xi32>
    %sign3A_10 = arith.constant 0 : i32
    %sign3A_11 = vector.broadcast %sign3A_10 : i32 to vector<16xi32>
    %sign3A_12 = arith.cmpi slt, %add3A_5, %sign3A_11 : vector<16xi32>
    %sign3A_13 = arith.extui %sign3A_12 : vector<16xi1> to vector<16xi32>
    %sign3A_14 = arith.subi %sign3A_9, %sign3A_13 : vector<16xi32>
    %sign3A_15 = arith.constant 0 : i32
    %sign3A_16 = arith.cmpi sgt, %jit3A, %sign3A_15 : i32
    %sign3A_17 = arith.extui %sign3A_16 : i1 to i32
    %sign3A_18 = arith.constant 0 : i32
    %sign3A_19 = arith.cmpi slt, %jit3A, %sign3A_18 : i32
    %sign3A_20 = arith.extui %sign3A_19 : i1 to i32
    %sign3A_21 = arith.subi %sign3A_17, %sign3A_20 : i32
    %ne3A = vector.broadcast %sign3A_21 : i32 to vector<16xi32>
    %ne3A_22 = arith.cmpi ne, %sign3A_14, %ne3A : vector<16xi32>
    %rem3A = vector.broadcast %jit3A : i32 to vector<16xi32>
    %rem3A_23 = arith.remsi %add3A_5, %rem3A : vector<16xi32>
    %ne3A_24 = arith.constant 0 : i32
    %ne3A_25 = vector.broadcast %ne3A_24 : i32 to vector<16xi32>
    %ne3A_26 = arith.cmpi ne, %rem3A_23, %ne3A_25 : vector<16xi32>
    %and3A = arith.andi %ne3A_22, %ne3A_26 : vector<16xi1>
    %sub3A = arith.constant 1 : i32
    %sub3A_27 = vector.broadcast %sub3A : i32 to vector<16xi32>
    %sub3A_28 = arith.subi %div3A_6, %sub3A_27 : vector<16xi32>
    %select_n3A = arith.select %and3A, %sub3A_28, %div3A_6 : vector<16xi1>, vector<16xi32>
    %add3A_29 = arith.constant 16 : i32
    %add3A_30 = vector.broadcast %add3A_29 : i32 to vector<16xi32>
    %add3A_31 = arith.addi %iota3A, %add3A_30 : vector<16xi32>
    %jit3A_32 = arith.constant 12 : i32
    %div3A_33 = vector.broadcast %jit3A_32 : i32 to vector<16xi32>
    %div3A_34 = arith.divsi %add3A_31, %div3A_33 : vector<16xi32>
    %sign3A_35 = arith.constant 0 : i32
    %sign3A_36 = vector.broadcast %sign3A_35 : i32 to vector<16xi32>
    %sign3A_37 = arith.cmpi sgt, %add3A_31, %sign3A_36 : vector<16xi32>
    %sign3A_38 = arith.extui %sign3A_37 : vector<16xi1> to vector<16xi32>
    %sign3A_39 = arith.constant 0 : i32
    %sign3A_40 = vector.broadcast %sign3A_39 : i32 to vector<16xi32>
    %sign3A_41 = arith.cmpi slt, %add3A_31, %sign3A_40 : vector<16xi32>
    %sign3A_42 = arith.extui %sign3A_41 : vector<16xi1> to vector<16xi32>
    %sign3A_43 = arith.subi %sign3A_38, %sign3A_42 : vector<16xi32>
    %sign3A_44 = arith.constant 0 : i32
    %sign3A_45 = arith.cmpi sgt, %jit3A_32, %sign3A_44 : i32
    %sign3A_46 = arith.extui %sign3A_45 : i1 to i32
    %sign3A_47 = arith.constant 0 : i32
    %sign3A_48 = arith.cmpi slt, %jit3A_32, %sign3A_47 : i32
    %sign3A_49 = arith.extui %sign3A_48 : i1 to i32
    %sign3A_50 = arith.subi %sign3A_46, %sign3A_49 : i32
    %ne3A_51 = vector.broadcast %sign3A_50 : i32 to vector<16xi32>
    %ne3A_52 = arith.cmpi ne, %sign3A_43, %ne3A_51 : vector<16xi32>
    %rem3A_53 = vector.broadcast %jit3A_32 : i32 to vector<16xi32>
    %rem3A_54 = arith.remsi %add3A_31, %rem3A_53 : vector<16xi32>
    %ne3A_55 = arith.constant 0 : i32
    %ne3A_56 = vector.broadcast %ne3A_55 : i32 to vector<16xi32>
    %ne3A_57 = arith.cmpi ne, %rem3A_54, %ne3A_56 : vector<16xi32>
    %and3A_58 = arith.andi %ne3A_52, %ne3A_57 : vector<16xi1>
    %sub3A_59 = arith.constant 1 : i32
    %sub3A_60 = vector.broadcast %sub3A_59 : i32 to vector<16xi32>
    %sub3A_61 = arith.subi %div3A_34, %sub3A_60 : vector<16xi32>
    %select_n3A_62 = arith.select %and3A_58, %sub3A_61, %div3A_34 : vector<16xi1>, vector<16xi32>
    %add3A_63 = arith.constant 32 : i32
    %add3A_64 = vector.broadcast %add3A_63 : i32 to vector<16xi32>
    %add3A_65 = arith.addi %iota3A, %add3A_64 : vector<16xi32>
    %jit3A_66 = arith.constant 12 : i32
    %div3A_67 = vector.broadcast %jit3A_66 : i32 to vector<16xi32>
    %div3A_68 = arith.divsi %add3A_65, %div3A_67 : vector<16xi32>
    %sign3A_69 = arith.constant 0 : i32
    %sign3A_70 = vector.broadcast %sign3A_69 : i32 to vector<16xi32>
    %sign3A_71 = arith.cmpi sgt, %add3A_65, %sign3A_70 : vector<16xi32>
    %sign3A_72 = arith.extui %sign3A_71 : vector<16xi1> to vector<16xi32>
    %sign3A_73 = arith.constant 0 : i32
    %sign3A_74 = vector.broadcast %sign3A_73 : i32 to vector<16xi32>
    %sign3A_75 = arith.cmpi slt, %add3A_65, %sign3A_74 : vector<16xi32>
    %sign3A_76 = arith.extui %sign3A_75 : vector<16xi1> to vector<16xi32>
    %sign3A_77 = arith.subi %sign3A_72, %sign3A_76 : vector<16xi32>
    %sign3A_78 = arith.constant 0 : i32
    %sign3A_79 = arith.cmpi sgt, %jit3A_66, %sign3A_78 : i32
    %sign3A_80 = arith.extui %sign3A_79 : i1 to i32
    %sign3A_81 = arith.constant 0 : i32
    %sign3A_82 = arith.cmpi slt, %jit3A_66, %sign3A_81 : i32
    %sign3A_83 = arith.extui %sign3A_82 : i1 to i32
    %sign3A_84 = arith.subi %sign3A_80, %sign3A_83 : i32
    %ne3A_85 = vector.broadcast %sign3A_84 : i32 to vector<16xi32>
    %ne3A_86 = arith.cmpi ne, %sign3A_77, %ne3A_85 : vector<16xi32>
    %rem3A_87 = vector.broadcast %jit3A_66 : i32 to vector<16xi32>
    %rem3A_88 = arith.remsi %add3A_65, %rem3A_87 : vector<16xi32>
    %ne3A_89 = arith.constant 0 : i32
    %ne3A_90 = vector.broadcast %ne3A_89 : i32 to vector<16xi32>
    %ne3A_91 = arith.cmpi ne, %rem3A_88, %ne3A_90 : vector<16xi32>
    %and3A_92 = arith.andi %ne3A_86, %ne3A_91 : vector<16xi1>
    %sub3A_93 = arith.constant 1 : i32
    %sub3A_94 = vector.broadcast %sub3A_93 : i32 to vector<16xi32>
    %sub3A_95 = arith.subi %div3A_68, %sub3A_94 : vector<16xi32>
    %select_n3A_96 = arith.select %and3A_92, %sub3A_95, %div3A_68 : vector<16xi1>, vector<16xi32>
    %add3A_97 = arith.constant 48 : i32
    %add3A_98 = vector.broadcast %add3A_97 : i32 to vector<16xi32>
    %add3A_99 = arith.addi %iota3A, %add3A_98 : vector<16xi32>
    %jit3A_100 = arith.constant 12 : i32
    %div3A_101 = vector.broadcast %jit3A_100 : i32 to vector<16xi32>
    %div3A_102 = arith.divsi %add3A_99, %div3A_101 : vector<16xi32>
    %sign3A_103 = arith.constant 0 : i32
    %sign3A_104 = vector.broadcast %sign3A_103 : i32 to vector<16xi32>
    %sign3A_105 = arith.cmpi sgt, %add3A_99, %sign3A_104 : vector<16xi32>
    %sign3A_106 = arith.extui %sign3A_105 : vector<16xi1> to vector<16xi32>
    %sign3A_107 = arith.constant 0 : i32
    %sign3A_108 = vector.broadcast %sign3A_107 : i32 to vector<16xi32>
    %sign3A_109 = arith.cmpi slt, %add3A_99, %sign3A_108 : vector<16xi32>
    %sign3A_110 = arith.extui %sign3A_109 : vector<16xi1> to vector<16xi32>
    %sign3A_111 = arith.subi %sign3A_106, %sign3A_110 : vector<16xi32>
    %sign3A_112 = arith.constant 0 : i32
    %sign3A_113 = arith.cmpi sgt, %jit3A_100, %sign3A_112 : i32
    %sign3A_114 = arith.extui %sign3A_113 : i1 to i32
    %sign3A_115 = arith.constant 0 : i32
    %sign3A_116 = arith.cmpi slt, %jit3A_100, %sign3A_115 : i32
    %sign3A_117 = arith.extui %sign3A_116 : i1 to i32
    %sign3A_118 = arith.subi %sign3A_114, %sign3A_117 : i32
    %ne3A_119 = vector.broadcast %sign3A_118 : i32 to vector<16xi32>
    %ne3A_120 = arith.cmpi ne, %sign3A_111, %ne3A_119 : vector<16xi32>
    %rem3A_121 = vector.broadcast %jit3A_100 : i32 to vector<16xi32>
    %rem3A_122 = arith.remsi %add3A_99, %rem3A_121 : vector<16xi32>
    %ne3A_123 = arith.constant 0 : i32
    %ne3A_124 = vector.broadcast %ne3A_123 : i32 to vector<16xi32>
    %ne3A_125 = arith.cmpi ne, %rem3A_122, %ne3A_124 : vector<16xi32>
    %and3A_126 = arith.andi %ne3A_120, %ne3A_125 : vector<16xi1>
    %sub3A_127 = arith.constant 1 : i32
    %sub3A_128 = vector.broadcast %sub3A_127 : i32 to vector<16xi32>
    %sub3A_129 = arith.subi %div3A_102, %sub3A_128 : vector<16xi32>
    %select_n3A_130 = arith.select %and3A_126, %sub3A_129, %div3A_102 : vector<16xi1>, vector<16xi32>
    %add3A_131 = arith.constant 64 : i32
    %add3A_132 = vector.broadcast %add3A_131 : i32 to vector<16xi32>
    %add3A_133 = arith.addi %iota3A, %add3A_132 : vector<16xi32>
    %jit3A_134 = arith.constant 12 : i32
    %div3A_135 = vector.broadcast %jit3A_134 : i32 to vector<16xi32>
    %div3A_136 = arith.divsi %add3A_133, %div3A_135 : vector<16xi32>
    %sign3A_137 = arith.constant 0 : i32
    %sign3A_138 = vector.broadcast %sign3A_137 : i32 to vector<16xi32>
    %sign3A_139 = arith.cmpi sgt, %add3A_133, %sign3A_138 : vector<16xi32>
    %sign3A_140 = arith.extui %sign3A_139 : vector<16xi1> to vector<16xi32>
    %sign3A_141 = arith.constant 0 : i32
    %sign3A_142 = vector.broadcast %sign3A_141 : i32 to vector<16xi32>
    %sign3A_143 = arith.cmpi slt, %add3A_133, %sign3A_142 : vector<16xi32>
    %sign3A_144 = arith.extui %sign3A_143 : vector<16xi1> to vector<16xi32>
    %sign3A_145 = arith.subi %sign3A_140, %sign3A_144 : vector<16xi32>
    %sign3A_146 = arith.constant 0 : i32
    %sign3A_147 = arith.cmpi sgt, %jit3A_134, %sign3A_146 : i32
    %sign3A_148 = arith.extui %sign3A_147 : i1 to i32
    %sign3A_149 = arith.constant 0 : i32
    %sign3A_150 = arith.cmpi slt, %jit3A_134, %sign3A_149 : i32
    %sign3A_151 = arith.extui %sign3A_150 : i1 to i32
    %sign3A_152 = arith.subi %sign3A_148, %sign3A_151 : i32
    %ne3A_153 = vector.broadcast %sign3A_152 : i32 to vector<16xi32>
    %ne3A_154 = arith.cmpi ne, %sign3A_145, %ne3A_153 : vector<16xi32>
    %rem3A_155 = vector.broadcast %jit3A_134 : i32 to vector<16xi32>
    %rem3A_156 = arith.remsi %add3A_133, %rem3A_155 : vector<16xi32>
    %ne3A_157 = arith.constant 0 : i32
    %ne3A_158 = vector.broadcast %ne3A_157 : i32 to vector<16xi32>
    %ne3A_159 = arith.cmpi ne, %rem3A_156, %ne3A_158 : vector<16xi32>
    %and3A_160 = arith.andi %ne3A_154, %ne3A_159 : vector<16xi1>
    %sub3A_161 = arith.constant 1 : i32
    %sub3A_162 = vector.broadcast %sub3A_161 : i32 to vector<16xi32>
    %sub3A_163 = arith.subi %div3A_136, %sub3A_162 : vector<16xi32>
    %select_n3A_164 = arith.select %and3A_160, %sub3A_163, %div3A_136 : vector<16xi1>, vector<16xi32>
    %add3A_165 = arith.constant 80 : i32
    %add3A_166 = vector.broadcast %add3A_165 : i32 to vector<16xi32>
    %add3A_167 = arith.addi %iota3A, %add3A_166 : vector<16xi32>
    %jit3A_168 = arith.constant 12 : i32
    %div3A_169 = vector.broadcast %jit3A_168 : i32 to vector<16xi32>
    %div3A_170 = arith.divsi %add3A_167, %div3A_169 : vector<16xi32>
    %sign3A_171 = arith.constant 0 : i32
    %sign3A_172 = vector.broadcast %sign3A_171 : i32 to vector<16xi32>
    %sign3A_173 = arith.cmpi sgt, %add3A_167, %sign3A_172 : vector<16xi32>
    %sign3A_174 = arith.extui %sign3A_173 : vector<16xi1> to vector<16xi32>
    %sign3A_175 = arith.constant 0 : i32
    %sign3A_176 = vector.broadcast %sign3A_175 : i32 to vector<16xi32>
    %sign3A_177 = arith.cmpi slt, %add3A_167, %sign3A_176 : vector<16xi32>
    %sign3A_178 = arith.extui %sign3A_177 : vector<16xi1> to vector<16xi32>
    %sign3A_179 = arith.subi %sign3A_174, %sign3A_178 : vector<16xi32>
    %sign3A_180 = arith.constant 0 : i32
    %sign3A_181 = arith.cmpi sgt, %jit3A_168, %sign3A_180 : i32
    %sign3A_182 = arith.extui %sign3A_181 : i1 to i32
    %sign3A_183 = arith.constant 0 : i32
    %sign3A_184 = arith.cmpi slt, %jit3A_168, %sign3A_183 : i32
    %sign3A_185 = arith.extui %sign3A_184 : i1 to i32
    %sign3A_186 = arith.subi %sign3A_182, %sign3A_185 : i32
    %ne3A_187 = vector.broadcast %sign3A_186 : i32 to vector<16xi32>
    %ne3A_188 = arith.cmpi ne, %sign3A_179, %ne3A_187 : vector<16xi32>
    %rem3A_189 = vector.broadcast %jit3A_168 : i32 to vector<16xi32>
    %rem3A_190 = arith.remsi %add3A_167, %rem3A_189 : vector<16xi32>
    %ne3A_191 = arith.constant 0 : i32
    %ne3A_192 = vector.broadcast %ne3A_191 : i32 to vector<16xi32>
    %ne3A_193 = arith.cmpi ne, %rem3A_190, %ne3A_192 : vector<16xi32>
    %and3A_194 = arith.andi %ne3A_188, %ne3A_193 : vector<16xi1>
    %sub3A_195 = arith.constant 1 : i32
    %sub3A_196 = vector.broadcast %sub3A_195 : i32 to vector<16xi32>
    %sub3A_197 = arith.subi %div3A_170, %sub3A_196 : vector<16xi32>
    %select_n3A_198 = arith.select %and3A_194, %sub3A_197, %div3A_170 : vector<16xi1>, vector<16xi32>
    %add3A_199 = arith.constant 96 : i32
    %add3A_200 = vector.broadcast %add3A_199 : i32 to vector<16xi32>
    %add3A_201 = arith.addi %iota3A, %add3A_200 : vector<16xi32>
    %jit3A_202 = arith.constant 12 : i32
    %div3A_203 = vector.broadcast %jit3A_202 : i32 to vector<16xi32>
    %div3A_204 = arith.divsi %add3A_201, %div3A_203 : vector<16xi32>
    %sign3A_205 = arith.constant 0 : i32
    %sign3A_206 = vector.broadcast %sign3A_205 : i32 to vector<16xi32>
    %sign3A_207 = arith.cmpi sgt, %add3A_201, %sign3A_206 : vector<16xi32>
    %sign3A_208 = arith.extui %sign3A_207 : vector<16xi1> to vector<16xi32>
    %sign3A_209 = arith.constant 0 : i32
    %sign3A_210 = vector.broadcast %sign3A_209 : i32 to vector<16xi32>
    %sign3A_211 = arith.cmpi slt, %add3A_201, %sign3A_210 : vector<16xi32>
    %sign3A_212 = arith.extui %sign3A_211 : vector<16xi1> to vector<16xi32>
    %sign3A_213 = arith.subi %sign3A_208, %sign3A_212 : vector<16xi32>
    %sign3A_214 = arith.constant 0 : i32
    %sign3A_215 = arith.cmpi sgt, %jit3A_202, %sign3A_214 : i32
    %sign3A_216 = arith.extui %sign3A_215 : i1 to i32
    %sign3A_217 = arith.constant 0 : i32
    %sign3A_218 = arith.cmpi slt, %jit3A_202, %sign3A_217 : i32
    %sign3A_219 = arith.extui %sign3A_218 : i1 to i32
    %sign3A_220 = arith.subi %sign3A_216, %sign3A_219 : i32
    %ne3A_221 = vector.broadcast %sign3A_220 : i32 to vector<16xi32>
    %ne3A_222 = arith.cmpi ne, %sign3A_213, %ne3A_221 : vector<16xi32>
    %rem3A_223 = vector.broadcast %jit3A_202 : i32 to vector<16xi32>
    %rem3A_224 = arith.remsi %add3A_201, %rem3A_223 : vector<16xi32>
    %ne3A_225 = arith.constant 0 : i32
    %ne3A_226 = vector.broadcast %ne3A_225 : i32 to vector<16xi32>
    %ne3A_227 = arith.cmpi ne, %rem3A_224, %ne3A_226 : vector<16xi32>
    %and3A_228 = arith.andi %ne3A_222, %ne3A_227 : vector<16xi1>
    %sub3A_229 = arith.constant 1 : i32
    %sub3A_230 = vector.broadcast %sub3A_229 : i32 to vector<16xi32>
    %sub3A_231 = arith.subi %div3A_204, %sub3A_230 : vector<16xi32>
    %select_n3A_232 = arith.select %and3A_228, %sub3A_231, %div3A_204 : vector<16xi1>, vector<16xi32>
    %add3A_233 = arith.constant 112 : i32
    %add3A_234 = vector.broadcast %add3A_233 : i32 to vector<16xi32>
    %add3A_235 = arith.addi %iota3A, %add3A_234 : vector<16xi32>
    %jit3A_236 = arith.constant 12 : i32
    %div3A_237 = vector.broadcast %jit3A_236 : i32 to vector<16xi32>
    %div3A_238 = arith.divsi %add3A_235, %div3A_237 : vector<16xi32>
    %sign3A_239 = arith.constant 0 : i32
    %sign3A_240 = vector.broadcast %sign3A_239 : i32 to vector<16xi32>
    %sign3A_241 = arith.cmpi sgt, %add3A_235, %sign3A_240 : vector<16xi32>
    %sign3A_242 = arith.extui %sign3A_241 : vector<16xi1> to vector<16xi32>
    %sign3A_243 = arith.constant 0 : i32
    %sign3A_244 = vector.broadcast %sign3A_243 : i32 to vector<16xi32>
    %sign3A_245 = arith.cmpi slt, %add3A_235, %sign3A_244 : vector<16xi32>
    %sign3A_246 = arith.extui %sign3A_245 : vector<16xi1> to vector<16xi32>
    %sign3A_247 = arith.subi %sign3A_242, %sign3A_246 : vector<16xi32>
    %sign3A_248 = arith.constant 0 : i32
    %sign3A_249 = arith.cmpi sgt, %jit3A_236, %sign3A_248 : i32
    %sign3A_250 = arith.extui %sign3A_249 : i1 to i32
    %sign3A_251 = arith.constant 0 : i32
    %sign3A_252 = arith.cmpi slt, %jit3A_236, %sign3A_251 : i32
    %sign3A_253 = arith.extui %sign3A_252 : i1 to i32
    %sign3A_254 = arith.subi %sign3A_250, %sign3A_253 : i32
    %ne3A_255 = vector.broadcast %sign3A_254 : i32 to vector<16xi32>
    %ne3A_256 = arith.cmpi ne, %sign3A_247, %ne3A_255 : vector<16xi32>
    %rem3A_257 = vector.broadcast %jit3A_236 : i32 to vector<16xi32>
    %rem3A_258 = arith.remsi %add3A_235, %rem3A_257 : vector<16xi32>
    %ne3A_259 = arith.constant 0 : i32
    %ne3A_260 = vector.broadcast %ne3A_259 : i32 to vector<16xi32>
    %ne3A_261 = arith.cmpi ne, %rem3A_258, %ne3A_260 : vector<16xi32>
    %and3A_262 = arith.andi %ne3A_256, %ne3A_261 : vector<16xi1>
    %sub3A_263 = arith.constant 1 : i32
    %sub3A_264 = vector.broadcast %sub3A_263 : i32 to vector<16xi32>
    %sub3A_265 = arith.subi %div3A_238, %sub3A_264 : vector<16xi32>
    %select_n3A_266 = arith.select %and3A_262, %sub3A_265, %div3A_238 : vector<16xi1>, vector<16xi32>
    %add3A_267 = arith.constant 128 : i32
    %add3A_268 = vector.broadcast %add3A_267 : i32 to vector<16xi32>
    %add3A_269 = arith.addi %iota3A, %add3A_268 : vector<16xi32>
    %jit3A_270 = arith.constant 12 : i32
    %div3A_271 = vector.broadcast %jit3A_270 : i32 to vector<16xi32>
    %div3A_272 = arith.divsi %add3A_269, %div3A_271 : vector<16xi32>
    %sign3A_273 = arith.constant 0 : i32
    %sign3A_274 = vector.broadcast %sign3A_273 : i32 to vector<16xi32>
    %sign3A_275 = arith.cmpi sgt, %add3A_269, %sign3A_274 : vector<16xi32>
    %sign3A_276 = arith.extui %sign3A_275 : vector<16xi1> to vector<16xi32>
    %sign3A_277 = arith.constant 0 : i32
    %sign3A_278 = vector.broadcast %sign3A_277 : i32 to vector<16xi32>
    %sign3A_279 = arith.cmpi slt, %add3A_269, %sign3A_278 : vector<16xi32>
    %sign3A_280 = arith.extui %sign3A_279 : vector<16xi1> to vector<16xi32>
    %sign3A_281 = arith.subi %sign3A_276, %sign3A_280 : vector<16xi32>
    %sign3A_282 = arith.constant 0 : i32
    %sign3A_283 = arith.cmpi sgt, %jit3A_270, %sign3A_282 : i32
    %sign3A_284 = arith.extui %sign3A_283 : i1 to i32
    %sign3A_285 = arith.constant 0 : i32
    %sign3A_286 = arith.cmpi slt, %jit3A_270, %sign3A_285 : i32
    %sign3A_287 = arith.extui %sign3A_286 : i1 to i32
    %sign3A_288 = arith.subi %sign3A_284, %sign3A_287 : i32
    %ne3A_289 = vector.broadcast %sign3A_288 : i32 to vector<16xi32>
    %ne3A_290 = arith.cmpi ne, %sign3A_281, %ne3A_289 : vector<16xi32>
    %rem3A_291 = vector.broadcast %jit3A_270 : i32 to vector<16xi32>
    %rem3A_292 = arith.remsi %add3A_269, %rem3A_291 : vector<16xi32>
    %ne3A_293 = arith.constant 0 : i32
    %ne3A_294 = vector.broadcast %ne3A_293 : i32 to vector<16xi32>
    %ne3A_295 = arith.cmpi ne, %rem3A_292, %ne3A_294 : vector<16xi32>
    %and3A_296 = arith.andi %ne3A_290, %ne3A_295 : vector<16xi1>
    %sub3A_297 = arith.constant 1 : i32
    %sub3A_298 = vector.broadcast %sub3A_297 : i32 to vector<16xi32>
    %sub3A_299 = arith.subi %div3A_272, %sub3A_298 : vector<16xi32>
    %select_n3A_300 = arith.select %and3A_296, %sub3A_299, %div3A_272 : vector<16xi1>, vector<16xi32>
    %add3A_301 = arith.constant 144 : i32
    %add3A_302 = vector.broadcast %add3A_301 : i32 to vector<16xi32>
    %add3A_303 = arith.addi %iota3A, %add3A_302 : vector<16xi32>
    %jit3A_304 = arith.constant 12 : i32
    %div3A_305 = vector.broadcast %jit3A_304 : i32 to vector<16xi32>
    %div3A_306 = arith.divsi %add3A_303, %div3A_305 : vector<16xi32>
    %sign3A_307 = arith.constant 0 : i32
    %sign3A_308 = vector.broadcast %sign3A_307 : i32 to vector<16xi32>
    %sign3A_309 = arith.cmpi sgt, %add3A_303, %sign3A_308 : vector<16xi32>
    %sign3A_310 = arith.extui %sign3A_309 : vector<16xi1> to vector<16xi32>
    %sign3A_311 = arith.constant 0 : i32
    %sign3A_312 = vector.broadcast %sign3A_311 : i32 to vector<16xi32>
    %sign3A_313 = arith.cmpi slt, %add3A_303, %sign3A_312 : vector<16xi32>
    %sign3A_314 = arith.extui %sign3A_313 : vector<16xi1> to vector<16xi32>
    %sign3A_315 = arith.subi %sign3A_310, %sign3A_314 : vector<16xi32>
    %sign3A_316 = arith.constant 0 : i32
    %sign3A_317 = arith.cmpi sgt, %jit3A_304, %sign3A_316 : i32
    %sign3A_318 = arith.extui %sign3A_317 : i1 to i32
    %sign3A_319 = arith.constant 0 : i32
    %sign3A_320 = arith.cmpi slt, %jit3A_304, %sign3A_319 : i32
    %sign3A_321 = arith.extui %sign3A_320 : i1 to i32
    %sign3A_322 = arith.subi %sign3A_318, %sign3A_321 : i32
    %ne3A_323 = vector.broadcast %sign3A_322 : i32 to vector<16xi32>
    %ne3A_324 = arith.cmpi ne, %sign3A_315, %ne3A_323 : vector<16xi32>
    %rem3A_325 = vector.broadcast %jit3A_304 : i32 to vector<16xi32>
    %rem3A_326 = arith.remsi %add3A_303, %rem3A_325 : vector<16xi32>
    %ne3A_327 = arith.constant 0 : i32
    %ne3A_328 = vector.broadcast %ne3A_327 : i32 to vector<16xi32>
    %ne3A_329 = arith.cmpi ne, %rem3A_326, %ne3A_328 : vector<16xi32>
    %and3A_330 = arith.andi %ne3A_324, %ne3A_329 : vector<16xi1>
    %sub3A_331 = arith.constant 1 : i32
    %sub3A_332 = vector.broadcast %sub3A_331 : i32 to vector<16xi32>
    %sub3A_333 = arith.subi %div3A_306, %sub3A_332 : vector<16xi32>
    %select_n3A_334 = arith.select %and3A_330, %sub3A_333, %div3A_306 : vector<16xi1>, vector<16xi32>
    %add3A_335 = arith.constant 160 : i32
    %add3A_336 = vector.broadcast %add3A_335 : i32 to vector<16xi32>
    %add3A_337 = arith.addi %iota3A, %add3A_336 : vector<16xi32>
    %jit3A_338 = arith.constant 12 : i32
    %div3A_339 = vector.broadcast %jit3A_338 : i32 to vector<16xi32>
    %div3A_340 = arith.divsi %add3A_337, %div3A_339 : vector<16xi32>
    %sign3A_341 = arith.constant 0 : i32
    %sign3A_342 = vector.broadcast %sign3A_341 : i32 to vector<16xi32>
    %sign3A_343 = arith.cmpi sgt, %add3A_337, %sign3A_342 : vector<16xi32>
    %sign3A_344 = arith.extui %sign3A_343 : vector<16xi1> to vector<16xi32>
    %sign3A_345 = arith.constant 0 : i32
    %sign3A_346 = vector.broadcast %sign3A_345 : i32 to vector<16xi32>
    %sign3A_347 = arith.cmpi slt, %add3A_337, %sign3A_346 : vector<16xi32>
    %sign3A_348 = arith.extui %sign3A_347 : vector<16xi1> to vector<16xi32>
    %sign3A_349 = arith.subi %sign3A_344, %sign3A_348 : vector<16xi32>
    %sign3A_350 = arith.constant 0 : i32
    %sign3A_351 = arith.cmpi sgt, %jit3A_338, %sign3A_350 : i32
    %sign3A_352 = arith.extui %sign3A_351 : i1 to i32
    %sign3A_353 = arith.constant 0 : i32
    %sign3A_354 = arith.cmpi slt, %jit3A_338, %sign3A_353 : i32
    %sign3A_355 = arith.extui %sign3A_354 : i1 to i32
    %sign3A_356 = arith.subi %sign3A_352, %sign3A_355 : i32
    %ne3A_357 = vector.broadcast %sign3A_356 : i32 to vector<16xi32>
    %ne3A_358 = arith.cmpi ne, %sign3A_349, %ne3A_357 : vector<16xi32>
    %rem3A_359 = vector.broadcast %jit3A_338 : i32 to vector<16xi32>
    %rem3A_360 = arith.remsi %add3A_337, %rem3A_359 : vector<16xi32>
    %ne3A_361 = arith.constant 0 : i32
    %ne3A_362 = vector.broadcast %ne3A_361 : i32 to vector<16xi32>
    %ne3A_363 = arith.cmpi ne, %rem3A_360, %ne3A_362 : vector<16xi32>
    %and3A_364 = arith.andi %ne3A_358, %ne3A_363 : vector<16xi1>
    %sub3A_365 = arith.constant 1 : i32
    %sub3A_366 = vector.broadcast %sub3A_365 : i32 to vector<16xi32>
    %sub3A_367 = arith.subi %div3A_340, %sub3A_366 : vector<16xi32>
    %select_n3A_368 = arith.select %and3A_364, %sub3A_367, %div3A_340 : vector<16xi1>, vector<16xi32>
    %add3A_369 = arith.constant 176 : i32
    %add3A_370 = vector.broadcast %add3A_369 : i32 to vector<16xi32>
    %add3A_371 = arith.addi %iota3A, %add3A_370 : vector<16xi32>
    %jit3A_372 = arith.constant 12 : i32
    %div3A_373 = vector.broadcast %jit3A_372 : i32 to vector<16xi32>
    %div3A_374 = arith.divsi %add3A_371, %div3A_373 : vector<16xi32>
    %sign3A_375 = arith.constant 0 : i32
    %sign3A_376 = vector.broadcast %sign3A_375 : i32 to vector<16xi32>
    %sign3A_377 = arith.cmpi sgt, %add3A_371, %sign3A_376 : vector<16xi32>
    %sign3A_378 = arith.extui %sign3A_377 : vector<16xi1> to vector<16xi32>
    %sign3A_379 = arith.constant 0 : i32
    %sign3A_380 = vector.broadcast %sign3A_379 : i32 to vector<16xi32>
    %sign3A_381 = arith.cmpi slt, %add3A_371, %sign3A_380 : vector<16xi32>
    %sign3A_382 = arith.extui %sign3A_381 : vector<16xi1> to vector<16xi32>
    %sign3A_383 = arith.subi %sign3A_378, %sign3A_382 : vector<16xi32>
    %sign3A_384 = arith.constant 0 : i32
    %sign3A_385 = arith.cmpi sgt, %jit3A_372, %sign3A_384 : i32
    %sign3A_386 = arith.extui %sign3A_385 : i1 to i32
    %sign3A_387 = arith.constant 0 : i32
    %sign3A_388 = arith.cmpi slt, %jit3A_372, %sign3A_387 : i32
    %sign3A_389 = arith.extui %sign3A_388 : i1 to i32
    %sign3A_390 = arith.subi %sign3A_386, %sign3A_389 : i32
    %ne3A_391 = vector.broadcast %sign3A_390 : i32 to vector<16xi32>
    %ne3A_392 = arith.cmpi ne, %sign3A_383, %ne3A_391 : vector<16xi32>
    %rem3A_393 = vector.broadcast %jit3A_372 : i32 to vector<16xi32>
    %rem3A_394 = arith.remsi %add3A_371, %rem3A_393 : vector<16xi32>
    %ne3A_395 = arith.constant 0 : i32
    %ne3A_396 = vector.broadcast %ne3A_395 : i32 to vector<16xi32>
    %ne3A_397 = arith.cmpi ne, %rem3A_394, %ne3A_396 : vector<16xi32>
    %and3A_398 = arith.andi %ne3A_392, %ne3A_397 : vector<16xi1>
    %sub3A_399 = arith.constant 1 : i32
    %sub3A_400 = vector.broadcast %sub3A_399 : i32 to vector<16xi32>
    %sub3A_401 = arith.subi %div3A_374, %sub3A_400 : vector<16xi32>
    %select_n3A_402 = arith.select %and3A_398, %sub3A_401, %div3A_374 : vector<16xi1>, vector<16xi32>
    %add3A_403 = arith.constant 0 : i32
    %add3A_404 = vector.broadcast %add3A_403 : i32 to vector<16xi32>
    %add3A_405 = arith.addi %iota3A, %add3A_404 : vector<16xi32>
    %jit3A_406 = arith.constant 12 : i32
    %eq3A = arith.constant 0 : i32
    %eq3A_407 = arith.cmpi eq, %jit3A_406, %eq3A : i32
    %jit3A_408 = arith.constant 1 : i32
    %select_n3A_409 = arith.select %eq3A_407, %jit3A_408, %jit3A_406 : i32
    %rem3A_410 = vector.broadcast %select_n3A_409 : i32 to vector<16xi32>
    %rem3A_411 = arith.remsi %add3A_405, %rem3A_410 : vector<16xi32>
    %ne3A_412 = arith.constant 0 : i32
    %ne3A_413 = vector.broadcast %ne3A_412 : i32 to vector<16xi32>
    %ne3A_414 = arith.cmpi ne, %rem3A_411, %ne3A_413 : vector<16xi32>
    %lt3A = arith.constant 0 : i32
    %lt3A_415 = vector.broadcast %lt3A : i32 to vector<16xi32>
    %lt3A_416 = arith.cmpi slt, %rem3A_411, %lt3A_415 : vector<16xi32>
    %lt3A_417 = arith.constant 0 : i32
    %lt3A_418 = arith.cmpi slt, %select_n3A_409, %lt3A_417 : i32
    %ne3A_419 = vector.broadcast %lt3A_418 : i1 to vector<16xi1>
    %ne3A_420 = vector.broadcast %ne3A_419 : vector<16xi1> to vector<16xi1>
    %ne3A_421 = arith.xori %lt3A_416, %ne3A_420 : vector<16xi1>
    %and3A_422 = arith.andi %ne3A_421, %ne3A_414 : vector<16xi1>
    %add3A_423 = vector.broadcast %select_n3A_409 : i32 to vector<16xi32>
    %add3A_424 = arith.addi %rem3A_411, %add3A_423 : vector<16xi32>
    %select_n3A_425 = arith.select %and3A_422, %add3A_424, %rem3A_411 : vector<16xi1>, vector<16xi32>
    %mul3A_426 = arith.constant 16 : i32
    %mul3A_427 = vector.broadcast %mul3A_426 : i32 to vector<16xi32>
    %mul3A_428 = arith.muli %select_n3A_425, %mul3A_427 : vector<16xi32>
    %add3A_429 = arith.addi %mul3A_428, %iota3A : vector<16xi32>
    %add3A_430 = arith.constant 16 : i32
    %add3A_431 = vector.broadcast %add3A_430 : i32 to vector<16xi32>
    %add3A_432 = arith.addi %iota3A, %add3A_431 : vector<16xi32>
    %jit3A_433 = arith.constant 12 : i32
    %eq3A_434 = arith.constant 0 : i32
    %eq3A_435 = arith.cmpi eq, %jit3A_433, %eq3A_434 : i32
    %jit3A_436 = arith.constant 1 : i32
    %select_n3A_437 = arith.select %eq3A_435, %jit3A_436, %jit3A_433 : i32
    %rem3A_438 = vector.broadcast %select_n3A_437 : i32 to vector<16xi32>
    %rem3A_439 = arith.remsi %add3A_432, %rem3A_438 : vector<16xi32>
    %ne3A_440 = arith.constant 0 : i32
    %ne3A_441 = vector.broadcast %ne3A_440 : i32 to vector<16xi32>
    %ne3A_442 = arith.cmpi ne, %rem3A_439, %ne3A_441 : vector<16xi32>
    %lt3A_443 = arith.constant 0 : i32
    %lt3A_444 = vector.broadcast %lt3A_443 : i32 to vector<16xi32>
    %lt3A_445 = arith.cmpi slt, %rem3A_439, %lt3A_444 : vector<16xi32>
    %lt3A_446 = arith.constant 0 : i32
    %lt3A_447 = arith.cmpi slt, %select_n3A_437, %lt3A_446 : i32
    %ne3A_448 = vector.broadcast %lt3A_447 : i1 to vector<16xi1>
    %ne3A_449 = vector.broadcast %ne3A_448 : vector<16xi1> to vector<16xi1>
    %ne3A_450 = arith.xori %lt3A_445, %ne3A_449 : vector<16xi1>
    %and3A_451 = arith.andi %ne3A_450, %ne3A_442 : vector<16xi1>
    %add3A_452 = vector.broadcast %select_n3A_437 : i32 to vector<16xi32>
    %add3A_453 = arith.addi %rem3A_439, %add3A_452 : vector<16xi32>
    %select_n3A_454 = arith.select %and3A_451, %add3A_453, %rem3A_439 : vector<16xi1>, vector<16xi32>
    %mul3A_455 = arith.constant 16 : i32
    %mul3A_456 = vector.broadcast %mul3A_455 : i32 to vector<16xi32>
    %mul3A_457 = arith.muli %select_n3A_454, %mul3A_456 : vector<16xi32>
    %add3A_458 = arith.addi %mul3A_457, %iota3A : vector<16xi32>
    %add3A_459 = arith.constant 32 : i32
    %add3A_460 = vector.broadcast %add3A_459 : i32 to vector<16xi32>
    %add3A_461 = arith.addi %iota3A, %add3A_460 : vector<16xi32>
    %jit3A_462 = arith.constant 12 : i32
    %eq3A_463 = arith.constant 0 : i32
    %eq3A_464 = arith.cmpi eq, %jit3A_462, %eq3A_463 : i32
    %jit3A_465 = arith.constant 1 : i32
    %select_n3A_466 = arith.select %eq3A_464, %jit3A_465, %jit3A_462 : i32
    %rem3A_467 = vector.broadcast %select_n3A_466 : i32 to vector<16xi32>
    %rem3A_468 = arith.remsi %add3A_461, %rem3A_467 : vector<16xi32>
    %ne3A_469 = arith.constant 0 : i32
    %ne3A_470 = vector.broadcast %ne3A_469 : i32 to vector<16xi32>
    %ne3A_471 = arith.cmpi ne, %rem3A_468, %ne3A_470 : vector<16xi32>
    %lt3A_472 = arith.constant 0 : i32
    %lt3A_473 = vector.broadcast %lt3A_472 : i32 to vector<16xi32>
    %lt3A_474 = arith.cmpi slt, %rem3A_468, %lt3A_473 : vector<16xi32>
    %lt3A_475 = arith.constant 0 : i32
    %lt3A_476 = arith.cmpi slt, %select_n3A_466, %lt3A_475 : i32
    %ne3A_477 = vector.broadcast %lt3A_476 : i1 to vector<16xi1>
    %ne3A_478 = vector.broadcast %ne3A_477 : vector<16xi1> to vector<16xi1>
    %ne3A_479 = arith.xori %lt3A_474, %ne3A_478 : vector<16xi1>
    %and3A_480 = arith.andi %ne3A_479, %ne3A_471 : vector<16xi1>
    %add3A_481 = vector.broadcast %select_n3A_466 : i32 to vector<16xi32>
    %add3A_482 = arith.addi %rem3A_468, %add3A_481 : vector<16xi32>
    %select_n3A_483 = arith.select %and3A_480, %add3A_482, %rem3A_468 : vector<16xi1>, vector<16xi32>
    %mul3A_484 = arith.constant 16 : i32
    %mul3A_485 = vector.broadcast %mul3A_484 : i32 to vector<16xi32>
    %mul3A_486 = arith.muli %select_n3A_483, %mul3A_485 : vector<16xi32>
    %add3A_487 = arith.addi %mul3A_486, %iota3A : vector<16xi32>
    %add3A_488 = arith.constant 48 : i32
    %add3A_489 = vector.broadcast %add3A_488 : i32 to vector<16xi32>
    %add3A_490 = arith.addi %iota3A, %add3A_489 : vector<16xi32>
    %jit3A_491 = arith.constant 12 : i32
    %eq3A_492 = arith.constant 0 : i32
    %eq3A_493 = arith.cmpi eq, %jit3A_491, %eq3A_492 : i32
    %jit3A_494 = arith.constant 1 : i32
    %select_n3A_495 = arith.select %eq3A_493, %jit3A_494, %jit3A_491 : i32
    %rem3A_496 = vector.broadcast %select_n3A_495 : i32 to vector<16xi32>
    %rem3A_497 = arith.remsi %add3A_490, %rem3A_496 : vector<16xi32>
    %ne3A_498 = arith.constant 0 : i32
    %ne3A_499 = vector.broadcast %ne3A_498 : i32 to vector<16xi32>
    %ne3A_500 = arith.cmpi ne, %rem3A_497, %ne3A_499 : vector<16xi32>
    %lt3A_501 = arith.constant 0 : i32
    %lt3A_502 = vector.broadcast %lt3A_501 : i32 to vector<16xi32>
    %lt3A_503 = arith.cmpi slt, %rem3A_497, %lt3A_502 : vector<16xi32>
    %lt3A_504 = arith.constant 0 : i32
    %lt3A_505 = arith.cmpi slt, %select_n3A_495, %lt3A_504 : i32
    %ne3A_506 = vector.broadcast %lt3A_505 : i1 to vector<16xi1>
    %ne3A_507 = vector.broadcast %ne3A_506 : vector<16xi1> to vector<16xi1>
    %ne3A_508 = arith.xori %lt3A_503, %ne3A_507 : vector<16xi1>
    %and3A_509 = arith.andi %ne3A_508, %ne3A_500 : vector<16xi1>
    %add3A_510 = vector.broadcast %select_n3A_495 : i32 to vector<16xi32>
    %add3A_511 = arith.addi %rem3A_497, %add3A_510 : vector<16xi32>
    %select_n3A_512 = arith.select %and3A_509, %add3A_511, %rem3A_497 : vector<16xi1>, vector<16xi32>
    %mul3A_513 = arith.constant 16 : i32
    %mul3A_514 = vector.broadcast %mul3A_513 : i32 to vector<16xi32>
    %mul3A_515 = arith.muli %select_n3A_512, %mul3A_514 : vector<16xi32>
    %add3A_516 = arith.addi %mul3A_515, %iota3A : vector<16xi32>
    %add3A_517 = arith.constant 64 : i32
    %add3A_518 = vector.broadcast %add3A_517 : i32 to vector<16xi32>
    %add3A_519 = arith.addi %iota3A, %add3A_518 : vector<16xi32>
    %jit3A_520 = arith.constant 12 : i32
    %eq3A_521 = arith.constant 0 : i32
    %eq3A_522 = arith.cmpi eq, %jit3A_520, %eq3A_521 : i32
    %jit3A_523 = arith.constant 1 : i32
    %select_n3A_524 = arith.select %eq3A_522, %jit3A_523, %jit3A_520 : i32
    %rem3A_525 = vector.broadcast %select_n3A_524 : i32 to vector<16xi32>
    %rem3A_526 = arith.remsi %add3A_519, %rem3A_525 : vector<16xi32>
    %ne3A_527 = arith.constant 0 : i32
    %ne3A_528 = vector.broadcast %ne3A_527 : i32 to vector<16xi32>
    %ne3A_529 = arith.cmpi ne, %rem3A_526, %ne3A_528 : vector<16xi32>
    %lt3A_530 = arith.constant 0 : i32
    %lt3A_531 = vector.broadcast %lt3A_530 : i32 to vector<16xi32>
    %lt3A_532 = arith.cmpi slt, %rem3A_526, %lt3A_531 : vector<16xi32>
    %lt3A_533 = arith.constant 0 : i32
    %lt3A_534 = arith.cmpi slt, %select_n3A_524, %lt3A_533 : i32
    %ne3A_535 = vector.broadcast %lt3A_534 : i1 to vector<16xi1>
    %ne3A_536 = vector.broadcast %ne3A_535 : vector<16xi1> to vector<16xi1>
    %ne3A_537 = arith.xori %lt3A_532, %ne3A_536 : vector<16xi1>
    %and3A_538 = arith.andi %ne3A_537, %ne3A_529 : vector<16xi1>
    %add3A_539 = vector.broadcast %select_n3A_524 : i32 to vector<16xi32>
    %add3A_540 = arith.addi %rem3A_526, %add3A_539 : vector<16xi32>
    %select_n3A_541 = arith.select %and3A_538, %add3A_540, %rem3A_526 : vector<16xi1>, vector<16xi32>
    %mul3A_542 = arith.constant 16 : i32
    %mul3A_543 = vector.broadcast %mul3A_542 : i32 to vector<16xi32>
    %mul3A_544 = arith.muli %select_n3A_541, %mul3A_543 : vector<16xi32>
    %add3A_545 = arith.addi %mul3A_544, %iota3A : vector<16xi32>
    %add3A_546 = arith.constant 80 : i32
    %add3A_547 = vector.broadcast %add3A_546 : i32 to vector<16xi32>
    %add3A_548 = arith.addi %iota3A, %add3A_547 : vector<16xi32>
    %jit3A_549 = arith.constant 12 : i32
    %eq3A_550 = arith.constant 0 : i32
    %eq3A_551 = arith.cmpi eq, %jit3A_549, %eq3A_550 : i32
    %jit3A_552 = arith.constant 1 : i32
    %select_n3A_553 = arith.select %eq3A_551, %jit3A_552, %jit3A_549 : i32
    %rem3A_554 = vector.broadcast %select_n3A_553 : i32 to vector<16xi32>
    %rem3A_555 = arith.remsi %add3A_548, %rem3A_554 : vector<16xi32>
    %ne3A_556 = arith.constant 0 : i32
    %ne3A_557 = vector.broadcast %ne3A_556 : i32 to vector<16xi32>
    %ne3A_558 = arith.cmpi ne, %rem3A_555, %ne3A_557 : vector<16xi32>
    %lt3A_559 = arith.constant 0 : i32
    %lt3A_560 = vector.broadcast %lt3A_559 : i32 to vector<16xi32>
    %lt3A_561 = arith.cmpi slt, %rem3A_555, %lt3A_560 : vector<16xi32>
    %lt3A_562 = arith.constant 0 : i32
    %lt3A_563 = arith.cmpi slt, %select_n3A_553, %lt3A_562 : i32
    %ne3A_564 = vector.broadcast %lt3A_563 : i1 to vector<16xi1>
    %ne3A_565 = vector.broadcast %ne3A_564 : vector<16xi1> to vector<16xi1>
    %ne3A_566 = arith.xori %lt3A_561, %ne3A_565 : vector<16xi1>
    %and3A_567 = arith.andi %ne3A_566, %ne3A_558 : vector<16xi1>
    %add3A_568 = vector.broadcast %select_n3A_553 : i32 to vector<16xi32>
    %add3A_569 = arith.addi %rem3A_555, %add3A_568 : vector<16xi32>
    %select_n3A_570 = arith.select %and3A_567, %add3A_569, %rem3A_555 : vector<16xi1>, vector<16xi32>
    %mul3A_571 = arith.constant 16 : i32
    %mul3A_572 = vector.broadcast %mul3A_571 : i32 to vector<16xi32>
    %mul3A_573 = arith.muli %select_n3A_570, %mul3A_572 : vector<16xi32>
    %add3A_574 = arith.addi %mul3A_573, %iota3A : vector<16xi32>
    %add3A_575 = arith.constant 96 : i32
    %add3A_576 = vector.broadcast %add3A_575 : i32 to vector<16xi32>
    %add3A_577 = arith.addi %iota3A, %add3A_576 : vector<16xi32>
    %jit3A_578 = arith.constant 12 : i32
    %eq3A_579 = arith.constant 0 : i32
    %eq3A_580 = arith.cmpi eq, %jit3A_578, %eq3A_579 : i32
    %jit3A_581 = arith.constant 1 : i32
    %select_n3A_582 = arith.select %eq3A_580, %jit3A_581, %jit3A_578 : i32
    %rem3A_583 = vector.broadcast %select_n3A_582 : i32 to vector<16xi32>
    %rem3A_584 = arith.remsi %add3A_577, %rem3A_583 : vector<16xi32>
    %ne3A_585 = arith.constant 0 : i32
    %ne3A_586 = vector.broadcast %ne3A_585 : i32 to vector<16xi32>
    %ne3A_587 = arith.cmpi ne, %rem3A_584, %ne3A_586 : vector<16xi32>
    %lt3A_588 = arith.constant 0 : i32
    %lt3A_589 = vector.broadcast %lt3A_588 : i32 to vector<16xi32>
    %lt3A_590 = arith.cmpi slt, %rem3A_584, %lt3A_589 : vector<16xi32>
    %lt3A_591 = arith.constant 0 : i32
    %lt3A_592 = arith.cmpi slt, %select_n3A_582, %lt3A_591 : i32
    %ne3A_593 = vector.broadcast %lt3A_592 : i1 to vector<16xi1>
    %ne3A_594 = vector.broadcast %ne3A_593 : vector<16xi1> to vector<16xi1>
    %ne3A_595 = arith.xori %lt3A_590, %ne3A_594 : vector<16xi1>
    %and3A_596 = arith.andi %ne3A_595, %ne3A_587 : vector<16xi1>
    %add3A_597 = vector.broadcast %select_n3A_582 : i32 to vector<16xi32>
    %add3A_598 = arith.addi %rem3A_584, %add3A_597 : vector<16xi32>
    %select_n3A_599 = arith.select %and3A_596, %add3A_598, %rem3A_584 : vector<16xi1>, vector<16xi32>
    %mul3A_600 = arith.constant 16 : i32
    %mul3A_601 = vector.broadcast %mul3A_600 : i32 to vector<16xi32>
    %mul3A_602 = arith.muli %select_n3A_599, %mul3A_601 : vector<16xi32>
    %add3A_603 = arith.addi %mul3A_602, %iota3A : vector<16xi32>
    %add3A_604 = arith.constant 112 : i32
    %add3A_605 = vector.broadcast %add3A_604 : i32 to vector<16xi32>
    %add3A_606 = arith.addi %iota3A, %add3A_605 : vector<16xi32>
    %jit3A_607 = arith.constant 12 : i32
    %eq3A_608 = arith.constant 0 : i32
    %eq3A_609 = arith.cmpi eq, %jit3A_607, %eq3A_608 : i32
    %jit3A_610 = arith.constant 1 : i32
    %select_n3A_611 = arith.select %eq3A_609, %jit3A_610, %jit3A_607 : i32
    %rem3A_612 = vector.broadcast %select_n3A_611 : i32 to vector<16xi32>
    %rem3A_613 = arith.remsi %add3A_606, %rem3A_612 : vector<16xi32>
    %ne3A_614 = arith.constant 0 : i32
    %ne3A_615 = vector.broadcast %ne3A_614 : i32 to vector<16xi32>
    %ne3A_616 = arith.cmpi ne, %rem3A_613, %ne3A_615 : vector<16xi32>
    %lt3A_617 = arith.constant 0 : i32
    %lt3A_618 = vector.broadcast %lt3A_617 : i32 to vector<16xi32>
    %lt3A_619 = arith.cmpi slt, %rem3A_613, %lt3A_618 : vector<16xi32>
    %lt3A_620 = arith.constant 0 : i32
    %lt3A_621 = arith.cmpi slt, %select_n3A_611, %lt3A_620 : i32
    %ne3A_622 = vector.broadcast %lt3A_621 : i1 to vector<16xi1>
    %ne3A_623 = vector.broadcast %ne3A_622 : vector<16xi1> to vector<16xi1>
    %ne3A_624 = arith.xori %lt3A_619, %ne3A_623 : vector<16xi1>
    %and3A_625 = arith.andi %ne3A_624, %ne3A_616 : vector<16xi1>
    %add3A_626 = vector.broadcast %select_n3A_611 : i32 to vector<16xi32>
    %add3A_627 = arith.addi %rem3A_613, %add3A_626 : vector<16xi32>
    %select_n3A_628 = arith.select %and3A_625, %add3A_627, %rem3A_613 : vector<16xi1>, vector<16xi32>
    %mul3A_629 = arith.constant 16 : i32
    %mul3A_630 = vector.broadcast %mul3A_629 : i32 to vector<16xi32>
    %mul3A_631 = arith.muli %select_n3A_628, %mul3A_630 : vector<16xi32>
    %add3A_632 = arith.addi %mul3A_631, %iota3A : vector<16xi32>
    %add3A_633 = arith.constant 128 : i32
    %add3A_634 = vector.broadcast %add3A_633 : i32 to vector<16xi32>
    %add3A_635 = arith.addi %iota3A, %add3A_634 : vector<16xi32>
    %jit3A_636 = arith.constant 12 : i32
    %eq3A_637 = arith.constant 0 : i32
    %eq3A_638 = arith.cmpi eq, %jit3A_636, %eq3A_637 : i32
    %jit3A_639 = arith.constant 1 : i32
    %select_n3A_640 = arith.select %eq3A_638, %jit3A_639, %jit3A_636 : i32
    %rem3A_641 = vector.broadcast %select_n3A_640 : i32 to vector<16xi32>
    %rem3A_642 = arith.remsi %add3A_635, %rem3A_641 : vector<16xi32>
    %ne3A_643 = arith.constant 0 : i32
    %ne3A_644 = vector.broadcast %ne3A_643 : i32 to vector<16xi32>
    %ne3A_645 = arith.cmpi ne, %rem3A_642, %ne3A_644 : vector<16xi32>
    %lt3A_646 = arith.constant 0 : i32
    %lt3A_647 = vector.broadcast %lt3A_646 : i32 to vector<16xi32>
    %lt3A_648 = arith.cmpi slt, %rem3A_642, %lt3A_647 : vector<16xi32>
    %lt3A_649 = arith.constant 0 : i32
    %lt3A_650 = arith.cmpi slt, %select_n3A_640, %lt3A_649 : i32
    %ne3A_651 = vector.broadcast %lt3A_650 : i1 to vector<16xi1>
    %ne3A_652 = vector.broadcast %ne3A_651 : vector<16xi1> to vector<16xi1>
    %ne3A_653 = arith.xori %lt3A_648, %ne3A_652 : vector<16xi1>
    %and3A_654 = arith.andi %ne3A_653, %ne3A_645 : vector<16xi1>
    %add3A_655 = vector.broadcast %select_n3A_640 : i32 to vector<16xi32>
    %add3A_656 = arith.addi %rem3A_642, %add3A_655 : vector<16xi32>
    %select_n3A_657 = arith.select %and3A_654, %add3A_656, %rem3A_642 : vector<16xi1>, vector<16xi32>
    %mul3A_658 = arith.constant 16 : i32
    %mul3A_659 = vector.broadcast %mul3A_658 : i32 to vector<16xi32>
    %mul3A_660 = arith.muli %select_n3A_657, %mul3A_659 : vector<16xi32>
    %add3A_661 = arith.addi %mul3A_660, %iota3A : vector<16xi32>
    %add3A_662 = arith.constant 144 : i32
    %add3A_663 = vector.broadcast %add3A_662 : i32 to vector<16xi32>
    %add3A_664 = arith.addi %iota3A, %add3A_663 : vector<16xi32>
    %jit3A_665 = arith.constant 12 : i32
    %eq3A_666 = arith.constant 0 : i32
    %eq3A_667 = arith.cmpi eq, %jit3A_665, %eq3A_666 : i32
    %jit3A_668 = arith.constant 1 : i32
    %select_n3A_669 = arith.select %eq3A_667, %jit3A_668, %jit3A_665 : i32
    %rem3A_670 = vector.broadcast %select_n3A_669 : i32 to vector<16xi32>
    %rem3A_671 = arith.remsi %add3A_664, %rem3A_670 : vector<16xi32>
    %ne3A_672 = arith.constant 0 : i32
    %ne3A_673 = vector.broadcast %ne3A_672 : i32 to vector<16xi32>
    %ne3A_674 = arith.cmpi ne, %rem3A_671, %ne3A_673 : vector<16xi32>
    %lt3A_675 = arith.constant 0 : i32
    %lt3A_676 = vector.broadcast %lt3A_675 : i32 to vector<16xi32>
    %lt3A_677 = arith.cmpi slt, %rem3A_671, %lt3A_676 : vector<16xi32>
    %lt3A_678 = arith.constant 0 : i32
    %lt3A_679 = arith.cmpi slt, %select_n3A_669, %lt3A_678 : i32
    %ne3A_680 = vector.broadcast %lt3A_679 : i1 to vector<16xi1>
    %ne3A_681 = vector.broadcast %ne3A_680 : vector<16xi1> to vector<16xi1>
    %ne3A_682 = arith.xori %lt3A_677, %ne3A_681 : vector<16xi1>
    %and3A_683 = arith.andi %ne3A_682, %ne3A_674 : vector<16xi1>
    %add3A_684 = vector.broadcast %select_n3A_669 : i32 to vector<16xi32>
    %add3A_685 = arith.addi %rem3A_671, %add3A_684 : vector<16xi32>
    %select_n3A_686 = arith.select %and3A_683, %add3A_685, %rem3A_671 : vector<16xi1>, vector<16xi32>
    %mul3A_687 = arith.constant 16 : i32
    %mul3A_688 = vector.broadcast %mul3A_687 : i32 to vector<16xi32>
    %mul3A_689 = arith.muli %select_n3A_686, %mul3A_688 : vector<16xi32>
    %add3A_690 = arith.addi %mul3A_689, %iota3A : vector<16xi32>
    %add3A_691 = arith.constant 160 : i32
    %add3A_692 = vector.broadcast %add3A_691 : i32 to vector<16xi32>
    %add3A_693 = arith.addi %iota3A, %add3A_692 : vector<16xi32>
    %jit3A_694 = arith.constant 12 : i32
    %eq3A_695 = arith.constant 0 : i32
    %eq3A_696 = arith.cmpi eq, %jit3A_694, %eq3A_695 : i32
    %jit3A_697 = arith.constant 1 : i32
    %select_n3A_698 = arith.select %eq3A_696, %jit3A_697, %jit3A_694 : i32
    %rem3A_699 = vector.broadcast %select_n3A_698 : i32 to vector<16xi32>
    %rem3A_700 = arith.remsi %add3A_693, %rem3A_699 : vector<16xi32>
    %ne3A_701 = arith.constant 0 : i32
    %ne3A_702 = vector.broadcast %ne3A_701 : i32 to vector<16xi32>
    %ne3A_703 = arith.cmpi ne, %rem3A_700, %ne3A_702 : vector<16xi32>
    %lt3A_704 = arith.constant 0 : i32
    %lt3A_705 = vector.broadcast %lt3A_704 : i32 to vector<16xi32>
    %lt3A_706 = arith.cmpi slt, %rem3A_700, %lt3A_705 : vector<16xi32>
    %lt3A_707 = arith.constant 0 : i32
    %lt3A_708 = arith.cmpi slt, %select_n3A_698, %lt3A_707 : i32
    %ne3A_709 = vector.broadcast %lt3A_708 : i1 to vector<16xi1>
    %ne3A_710 = vector.broadcast %ne3A_709 : vector<16xi1> to vector<16xi1>
    %ne3A_711 = arith.xori %lt3A_706, %ne3A_710 : vector<16xi1>
    %and3A_712 = arith.andi %ne3A_711, %ne3A_703 : vector<16xi1>
    %add3A_713 = vector.broadcast %select_n3A_698 : i32 to vector<16xi32>
    %add3A_714 = arith.addi %rem3A_700, %add3A_713 : vector<16xi32>
    %select_n3A_715 = arith.select %and3A_712, %add3A_714, %rem3A_700 : vector<16xi1>, vector<16xi32>
    %mul3A_716 = arith.constant 16 : i32
    %mul3A_717 = vector.broadcast %mul3A_716 : i32 to vector<16xi32>
    %mul3A_718 = arith.muli %select_n3A_715, %mul3A_717 : vector<16xi32>
    %add3A_719 = arith.addi %mul3A_718, %iota3A : vector<16xi32>
    %add3A_720 = arith.constant 176 : i32
    %add3A_721 = vector.broadcast %add3A_720 : i32 to vector<16xi32>
    %add3A_722 = arith.addi %iota3A, %add3A_721 : vector<16xi32>
    %jit3A_723 = arith.constant 12 : i32
    %eq3A_724 = arith.constant 0 : i32
    %eq3A_725 = arith.cmpi eq, %jit3A_723, %eq3A_724 : i32
    %jit3A_726 = arith.constant 1 : i32
    %select_n3A_727 = arith.select %eq3A_725, %jit3A_726, %jit3A_723 : i32
    %rem3A_728 = vector.broadcast %select_n3A_727 : i32 to vector<16xi32>
    %rem3A_729 = arith.remsi %add3A_722, %rem3A_728 : vector<16xi32>
    %ne3A_730 = arith.constant 0 : i32
    %ne3A_731 = vector.broadcast %ne3A_730 : i32 to vector<16xi32>
    %ne3A_732 = arith.cmpi ne, %rem3A_729, %ne3A_731 : vector<16xi32>
    %lt3A_733 = arith.constant 0 : i32
    %lt3A_734 = vector.broadcast %lt3A_733 : i32 to vector<16xi32>
    %lt3A_735 = arith.cmpi slt, %rem3A_729, %lt3A_734 : vector<16xi32>
    %lt3A_736 = arith.constant 0 : i32
    %lt3A_737 = arith.cmpi slt, %select_n3A_727, %lt3A_736 : i32
    %ne3A_738 = vector.broadcast %lt3A_737 : i1 to vector<16xi1>
    %ne3A_739 = vector.broadcast %ne3A_738 : vector<16xi1> to vector<16xi1>
    %ne3A_740 = arith.xori %lt3A_735, %ne3A_739 : vector<16xi1>
    %and3A_741 = arith.andi %ne3A_740, %ne3A_732 : vector<16xi1>
    %add3A_742 = vector.broadcast %select_n3A_727 : i32 to vector<16xi32>
    %add3A_743 = arith.addi %rem3A_729, %add3A_742 : vector<16xi32>
    %select_n3A_744 = arith.select %and3A_741, %add3A_743, %rem3A_729 : vector<16xi1>, vector<16xi32>
    %mul3A_745 = arith.constant 16 : i32
    %mul3A_746 = vector.broadcast %mul3A_745 : i32 to vector<16xi32>
    %mul3A_747 = arith.muli %select_n3A_744, %mul3A_746 : vector<16xi32>
    %add3A_748 = arith.addi %mul3A_747, %iota3A : vector<16xi32>
    %add3A_749 = arith.constant 0 : i32
    %add3A_750 = vector.broadcast %add3A_749 : i32 to vector<16xi32>
    %add3A_751 = arith.addi %iota3A, %add3A_750 : vector<16xi32>
    %jit3A_752 = arith.constant 12 : i32
    %eq3A_753 = arith.constant 0 : i32
    %eq3A_754 = arith.cmpi eq, %jit3A_752, %eq3A_753 : i32
    %jit3A_755 = arith.constant 1 : i32
    %select_n3A_756 = arith.select %eq3A_754, %jit3A_755, %jit3A_752 : i32
    %rem3A_757 = vector.broadcast %select_n3A_756 : i32 to vector<16xi32>
    %rem3A_758 = arith.remsi %add3A_751, %rem3A_757 : vector<16xi32>
    %ne3A_759 = arith.constant 0 : i32
    %ne3A_760 = vector.broadcast %ne3A_759 : i32 to vector<16xi32>
    %ne3A_761 = arith.cmpi ne, %rem3A_758, %ne3A_760 : vector<16xi32>
    %lt3A_762 = arith.constant 0 : i32
    %lt3A_763 = vector.broadcast %lt3A_762 : i32 to vector<16xi32>
    %lt3A_764 = arith.cmpi slt, %rem3A_758, %lt3A_763 : vector<16xi32>
    %lt3A_765 = arith.constant 0 : i32
    %lt3A_766 = arith.cmpi slt, %select_n3A_756, %lt3A_765 : i32
    %ne3A_767 = vector.broadcast %lt3A_766 : i1 to vector<16xi1>
    %ne3A_768 = vector.broadcast %ne3A_767 : vector<16xi1> to vector<16xi1>
    %ne3A_769 = arith.xori %lt3A_764, %ne3A_768 : vector<16xi1>
    %and3A_770 = arith.andi %ne3A_769, %ne3A_761 : vector<16xi1>
    %add3A_771 = vector.broadcast %select_n3A_756 : i32 to vector<16xi32>
    %add3A_772 = arith.addi %rem3A_758, %add3A_771 : vector<16xi32>
    %select_n3A_773 = arith.select %and3A_770, %add3A_772, %rem3A_758 : vector<16xi1>, vector<16xi32>
    %add3A_774 = arith.constant 16 : i32
    %add3A_775 = vector.broadcast %add3A_774 : i32 to vector<16xi32>
    %add3A_776 = arith.addi %iota3A, %add3A_775 : vector<16xi32>
    %jit3A_777 = arith.constant 12 : i32
    %eq3A_778 = arith.constant 0 : i32
    %eq3A_779 = arith.cmpi eq, %jit3A_777, %eq3A_778 : i32
    %jit3A_780 = arith.constant 1 : i32
    %select_n3A_781 = arith.select %eq3A_779, %jit3A_780, %jit3A_777 : i32
    %rem3A_782 = vector.broadcast %select_n3A_781 : i32 to vector<16xi32>
    %rem3A_783 = arith.remsi %add3A_776, %rem3A_782 : vector<16xi32>
    %ne3A_784 = arith.constant 0 : i32
    %ne3A_785 = vector.broadcast %ne3A_784 : i32 to vector<16xi32>
    %ne3A_786 = arith.cmpi ne, %rem3A_783, %ne3A_785 : vector<16xi32>
    %lt3A_787 = arith.constant 0 : i32
    %lt3A_788 = vector.broadcast %lt3A_787 : i32 to vector<16xi32>
    %lt3A_789 = arith.cmpi slt, %rem3A_783, %lt3A_788 : vector<16xi32>
    %lt3A_790 = arith.constant 0 : i32
    %lt3A_791 = arith.cmpi slt, %select_n3A_781, %lt3A_790 : i32
    %ne3A_792 = vector.broadcast %lt3A_791 : i1 to vector<16xi1>
    %ne3A_793 = vector.broadcast %ne3A_792 : vector<16xi1> to vector<16xi1>
    %ne3A_794 = arith.xori %lt3A_789, %ne3A_793 : vector<16xi1>
    %and3A_795 = arith.andi %ne3A_794, %ne3A_786 : vector<16xi1>
    %add3A_796 = vector.broadcast %select_n3A_781 : i32 to vector<16xi32>
    %add3A_797 = arith.addi %rem3A_783, %add3A_796 : vector<16xi32>
    %select_n3A_798 = arith.select %and3A_795, %add3A_797, %rem3A_783 : vector<16xi1>, vector<16xi32>
    %add3A_799 = arith.constant 32 : i32
    %add3A_800 = vector.broadcast %add3A_799 : i32 to vector<16xi32>
    %add3A_801 = arith.addi %iota3A, %add3A_800 : vector<16xi32>
    %jit3A_802 = arith.constant 12 : i32
    %eq3A_803 = arith.constant 0 : i32
    %eq3A_804 = arith.cmpi eq, %jit3A_802, %eq3A_803 : i32
    %jit3A_805 = arith.constant 1 : i32
    %select_n3A_806 = arith.select %eq3A_804, %jit3A_805, %jit3A_802 : i32
    %rem3A_807 = vector.broadcast %select_n3A_806 : i32 to vector<16xi32>
    %rem3A_808 = arith.remsi %add3A_801, %rem3A_807 : vector<16xi32>
    %ne3A_809 = arith.constant 0 : i32
    %ne3A_810 = vector.broadcast %ne3A_809 : i32 to vector<16xi32>
    %ne3A_811 = arith.cmpi ne, %rem3A_808, %ne3A_810 : vector<16xi32>
    %lt3A_812 = arith.constant 0 : i32
    %lt3A_813 = vector.broadcast %lt3A_812 : i32 to vector<16xi32>
    %lt3A_814 = arith.cmpi slt, %rem3A_808, %lt3A_813 : vector<16xi32>
    %lt3A_815 = arith.constant 0 : i32
    %lt3A_816 = arith.cmpi slt, %select_n3A_806, %lt3A_815 : i32
    %ne3A_817 = vector.broadcast %lt3A_816 : i1 to vector<16xi1>
    %ne3A_818 = vector.broadcast %ne3A_817 : vector<16xi1> to vector<16xi1>
    %ne3A_819 = arith.xori %lt3A_814, %ne3A_818 : vector<16xi1>
    %and3A_820 = arith.andi %ne3A_819, %ne3A_811 : vector<16xi1>
    %add3A_821 = vector.broadcast %select_n3A_806 : i32 to vector<16xi32>
    %add3A_822 = arith.addi %rem3A_808, %add3A_821 : vector<16xi32>
    %select_n3A_823 = arith.select %and3A_820, %add3A_822, %rem3A_808 : vector<16xi1>, vector<16xi32>
    %add3A_824 = arith.constant 48 : i32
    %add3A_825 = vector.broadcast %add3A_824 : i32 to vector<16xi32>
    %add3A_826 = arith.addi %iota3A, %add3A_825 : vector<16xi32>
    %jit3A_827 = arith.constant 12 : i32
    %eq3A_828 = arith.constant 0 : i32
    %eq3A_829 = arith.cmpi eq, %jit3A_827, %eq3A_828 : i32
    %jit3A_830 = arith.constant 1 : i32
    %select_n3A_831 = arith.select %eq3A_829, %jit3A_830, %jit3A_827 : i32
    %rem3A_832 = vector.broadcast %select_n3A_831 : i32 to vector<16xi32>
    %rem3A_833 = arith.remsi %add3A_826, %rem3A_832 : vector<16xi32>
    %ne3A_834 = arith.constant 0 : i32
    %ne3A_835 = vector.broadcast %ne3A_834 : i32 to vector<16xi32>
    %ne3A_836 = arith.cmpi ne, %rem3A_833, %ne3A_835 : vector<16xi32>
    %lt3A_837 = arith.constant 0 : i32
    %lt3A_838 = vector.broadcast %lt3A_837 : i32 to vector<16xi32>
    %lt3A_839 = arith.cmpi slt, %rem3A_833, %lt3A_838 : vector<16xi32>
    %lt3A_840 = arith.constant 0 : i32
    %lt3A_841 = arith.cmpi slt, %select_n3A_831, %lt3A_840 : i32
    %ne3A_842 = vector.broadcast %lt3A_841 : i1 to vector<16xi1>
    %ne3A_843 = vector.broadcast %ne3A_842 : vector<16xi1> to vector<16xi1>
    %ne3A_844 = arith.xori %lt3A_839, %ne3A_843 : vector<16xi1>
    %and3A_845 = arith.andi %ne3A_844, %ne3A_836 : vector<16xi1>
    %add3A_846 = vector.broadcast %select_n3A_831 : i32 to vector<16xi32>
    %add3A_847 = arith.addi %rem3A_833, %add3A_846 : vector<16xi32>
    %select_n3A_848 = arith.select %and3A_845, %add3A_847, %rem3A_833 : vector<16xi1>, vector<16xi32>
    %add3A_849 = arith.constant 64 : i32
    %add3A_850 = vector.broadcast %add3A_849 : i32 to vector<16xi32>
    %add3A_851 = arith.addi %iota3A, %add3A_850 : vector<16xi32>
    %jit3A_852 = arith.constant 12 : i32
    %eq3A_853 = arith.constant 0 : i32
    %eq3A_854 = arith.cmpi eq, %jit3A_852, %eq3A_853 : i32
    %jit3A_855 = arith.constant 1 : i32
    %select_n3A_856 = arith.select %eq3A_854, %jit3A_855, %jit3A_852 : i32
    %rem3A_857 = vector.broadcast %select_n3A_856 : i32 to vector<16xi32>
    %rem3A_858 = arith.remsi %add3A_851, %rem3A_857 : vector<16xi32>
    %ne3A_859 = arith.constant 0 : i32
    %ne3A_860 = vector.broadcast %ne3A_859 : i32 to vector<16xi32>
    %ne3A_861 = arith.cmpi ne, %rem3A_858, %ne3A_860 : vector<16xi32>
    %lt3A_862 = arith.constant 0 : i32
    %lt3A_863 = vector.broadcast %lt3A_862 : i32 to vector<16xi32>
    %lt3A_864 = arith.cmpi slt, %rem3A_858, %lt3A_863 : vector<16xi32>
    %lt3A_865 = arith.constant 0 : i32
    %lt3A_866 = arith.cmpi slt, %select_n3A_856, %lt3A_865 : i32
    %ne3A_867 = vector.broadcast %lt3A_866 : i1 to vector<16xi1>
    %ne3A_868 = vector.broadcast %ne3A_867 : vector<16xi1> to vector<16xi1>
    %ne3A_869 = arith.xori %lt3A_864, %ne3A_868 : vector<16xi1>
    %and3A_870 = arith.andi %ne3A_869, %ne3A_861 : vector<16xi1>
    %add3A_871 = vector.broadcast %select_n3A_856 : i32 to vector<16xi32>
    %add3A_872 = arith.addi %rem3A_858, %add3A_871 : vector<16xi32>
    %select_n3A_873 = arith.select %and3A_870, %add3A_872, %rem3A_858 : vector<16xi1>, vector<16xi32>
    %add3A_874 = arith.constant 80 : i32
    %add3A_875 = vector.broadcast %add3A_874 : i32 to vector<16xi32>
    %add3A_876 = arith.addi %iota3A, %add3A_875 : vector<16xi32>
    %jit3A_877 = arith.constant 12 : i32
    %eq3A_878 = arith.constant 0 : i32
    %eq3A_879 = arith.cmpi eq, %jit3A_877, %eq3A_878 : i32
    %jit3A_880 = arith.constant 1 : i32
    %select_n3A_881 = arith.select %eq3A_879, %jit3A_880, %jit3A_877 : i32
    %rem3A_882 = vector.broadcast %select_n3A_881 : i32 to vector<16xi32>
    %rem3A_883 = arith.remsi %add3A_876, %rem3A_882 : vector<16xi32>
    %ne3A_884 = arith.constant 0 : i32
    %ne3A_885 = vector.broadcast %ne3A_884 : i32 to vector<16xi32>
    %ne3A_886 = arith.cmpi ne, %rem3A_883, %ne3A_885 : vector<16xi32>
    %lt3A_887 = arith.constant 0 : i32
    %lt3A_888 = vector.broadcast %lt3A_887 : i32 to vector<16xi32>
    %lt3A_889 = arith.cmpi slt, %rem3A_883, %lt3A_888 : vector<16xi32>
    %lt3A_890 = arith.constant 0 : i32
    %lt3A_891 = arith.cmpi slt, %select_n3A_881, %lt3A_890 : i32
    %ne3A_892 = vector.broadcast %lt3A_891 : i1 to vector<16xi1>
    %ne3A_893 = vector.broadcast %ne3A_892 : vector<16xi1> to vector<16xi1>
    %ne3A_894 = arith.xori %lt3A_889, %ne3A_893 : vector<16xi1>
    %and3A_895 = arith.andi %ne3A_894, %ne3A_886 : vector<16xi1>
    %add3A_896 = vector.broadcast %select_n3A_881 : i32 to vector<16xi32>
    %add3A_897 = arith.addi %rem3A_883, %add3A_896 : vector<16xi32>
    %select_n3A_898 = arith.select %and3A_895, %add3A_897, %rem3A_883 : vector<16xi1>, vector<16xi32>
    %add3A_899 = arith.constant 96 : i32
    %add3A_900 = vector.broadcast %add3A_899 : i32 to vector<16xi32>
    %add3A_901 = arith.addi %iota3A, %add3A_900 : vector<16xi32>
    %jit3A_902 = arith.constant 12 : i32
    %eq3A_903 = arith.constant 0 : i32
    %eq3A_904 = arith.cmpi eq, %jit3A_902, %eq3A_903 : i32
    %jit3A_905 = arith.constant 1 : i32
    %select_n3A_906 = arith.select %eq3A_904, %jit3A_905, %jit3A_902 : i32
    %rem3A_907 = vector.broadcast %select_n3A_906 : i32 to vector<16xi32>
    %rem3A_908 = arith.remsi %add3A_901, %rem3A_907 : vector<16xi32>
    %ne3A_909 = arith.constant 0 : i32
    %ne3A_910 = vector.broadcast %ne3A_909 : i32 to vector<16xi32>
    %ne3A_911 = arith.cmpi ne, %rem3A_908, %ne3A_910 : vector<16xi32>
    %lt3A_912 = arith.constant 0 : i32
    %lt3A_913 = vector.broadcast %lt3A_912 : i32 to vector<16xi32>
    %lt3A_914 = arith.cmpi slt, %rem3A_908, %lt3A_913 : vector<16xi32>
    %lt3A_915 = arith.constant 0 : i32
    %lt3A_916 = arith.cmpi slt, %select_n3A_906, %lt3A_915 : i32
    %ne3A_917 = vector.broadcast %lt3A_916 : i1 to vector<16xi1>
    %ne3A_918 = vector.broadcast %ne3A_917 : vector<16xi1> to vector<16xi1>
    %ne3A_919 = arith.xori %lt3A_914, %ne3A_918 : vector<16xi1>
    %and3A_920 = arith.andi %ne3A_919, %ne3A_911 : vector<16xi1>
    %add3A_921 = vector.broadcast %select_n3A_906 : i32 to vector<16xi32>
    %add3A_922 = arith.addi %rem3A_908, %add3A_921 : vector<16xi32>
    %select_n3A_923 = arith.select %and3A_920, %add3A_922, %rem3A_908 : vector<16xi1>, vector<16xi32>
    %add3A_924 = arith.constant 112 : i32
    %add3A_925 = vector.broadcast %add3A_924 : i32 to vector<16xi32>
    %add3A_926 = arith.addi %iota3A, %add3A_925 : vector<16xi32>
    %jit3A_927 = arith.constant 12 : i32
    %eq3A_928 = arith.constant 0 : i32
    %eq3A_929 = arith.cmpi eq, %jit3A_927, %eq3A_928 : i32
    %jit3A_930 = arith.constant 1 : i32
    %select_n3A_931 = arith.select %eq3A_929, %jit3A_930, %jit3A_927 : i32
    %rem3A_932 = vector.broadcast %select_n3A_931 : i32 to vector<16xi32>
    %rem3A_933 = arith.remsi %add3A_926, %rem3A_932 : vector<16xi32>
    %ne3A_934 = arith.constant 0 : i32
    %ne3A_935 = vector.broadcast %ne3A_934 : i32 to vector<16xi32>
    %ne3A_936 = arith.cmpi ne, %rem3A_933, %ne3A_935 : vector<16xi32>
    %lt3A_937 = arith.constant 0 : i32
    %lt3A_938 = vector.broadcast %lt3A_937 : i32 to vector<16xi32>
    %lt3A_939 = arith.cmpi slt, %rem3A_933, %lt3A_938 : vector<16xi32>
    %lt3A_940 = arith.constant 0 : i32
    %lt3A_941 = arith.cmpi slt, %select_n3A_931, %lt3A_940 : i32
    %ne3A_942 = vector.broadcast %lt3A_941 : i1 to vector<16xi1>
    %ne3A_943 = vector.broadcast %ne3A_942 : vector<16xi1> to vector<16xi1>
    %ne3A_944 = arith.xori %lt3A_939, %ne3A_943 : vector<16xi1>
    %and3A_945 = arith.andi %ne3A_944, %ne3A_936 : vector<16xi1>
    %add3A_946 = vector.broadcast %select_n3A_931 : i32 to vector<16xi32>
    %add3A_947 = arith.addi %rem3A_933, %add3A_946 : vector<16xi32>
    %select_n3A_948 = arith.select %and3A_945, %add3A_947, %rem3A_933 : vector<16xi1>, vector<16xi32>
    %add3A_949 = arith.constant 128 : i32
    %add3A_950 = vector.broadcast %add3A_949 : i32 to vector<16xi32>
    %add3A_951 = arith.addi %iota3A, %add3A_950 : vector<16xi32>
    %jit3A_952 = arith.constant 12 : i32
    %eq3A_953 = arith.constant 0 : i32
    %eq3A_954 = arith.cmpi eq, %jit3A_952, %eq3A_953 : i32
    %jit3A_955 = arith.constant 1 : i32
    %select_n3A_956 = arith.select %eq3A_954, %jit3A_955, %jit3A_952 : i32
    %rem3A_957 = vector.broadcast %select_n3A_956 : i32 to vector<16xi32>
    %rem3A_958 = arith.remsi %add3A_951, %rem3A_957 : vector<16xi32>
    %ne3A_959 = arith.constant 0 : i32
    %ne3A_960 = vector.broadcast %ne3A_959 : i32 to vector<16xi32>
    %ne3A_961 = arith.cmpi ne, %rem3A_958, %ne3A_960 : vector<16xi32>
    %lt3A_962 = arith.constant 0 : i32
    %lt3A_963 = vector.broadcast %lt3A_962 : i32 to vector<16xi32>
    %lt3A_964 = arith.cmpi slt, %rem3A_958, %lt3A_963 : vector<16xi32>
    %lt3A_965 = arith.constant 0 : i32
    %lt3A_966 = arith.cmpi slt, %select_n3A_956, %lt3A_965 : i32
    %ne3A_967 = vector.broadcast %lt3A_966 : i1 to vector<16xi1>
    %ne3A_968 = vector.broadcast %ne3A_967 : vector<16xi1> to vector<16xi1>
    %ne3A_969 = arith.xori %lt3A_964, %ne3A_968 : vector<16xi1>
    %and3A_970 = arith.andi %ne3A_969, %ne3A_961 : vector<16xi1>
    %add3A_971 = vector.broadcast %select_n3A_956 : i32 to vector<16xi32>
    %add3A_972 = arith.addi %rem3A_958, %add3A_971 : vector<16xi32>
    %select_n3A_973 = arith.select %and3A_970, %add3A_972, %rem3A_958 : vector<16xi1>, vector<16xi32>
    %add3A_974 = arith.constant 144 : i32
    %add3A_975 = vector.broadcast %add3A_974 : i32 to vector<16xi32>
    %add3A_976 = arith.addi %iota3A, %add3A_975 : vector<16xi32>
    %jit3A_977 = arith.constant 12 : i32
    %eq3A_978 = arith.constant 0 : i32
    %eq3A_979 = arith.cmpi eq, %jit3A_977, %eq3A_978 : i32
    %jit3A_980 = arith.constant 1 : i32
    %select_n3A_981 = arith.select %eq3A_979, %jit3A_980, %jit3A_977 : i32
    %rem3A_982 = vector.broadcast %select_n3A_981 : i32 to vector<16xi32>
    %rem3A_983 = arith.remsi %add3A_976, %rem3A_982 : vector<16xi32>
    %ne3A_984 = arith.constant 0 : i32
    %ne3A_985 = vector.broadcast %ne3A_984 : i32 to vector<16xi32>
    %ne3A_986 = arith.cmpi ne, %rem3A_983, %ne3A_985 : vector<16xi32>
    %lt3A_987 = arith.constant 0 : i32
    %lt3A_988 = vector.broadcast %lt3A_987 : i32 to vector<16xi32>
    %lt3A_989 = arith.cmpi slt, %rem3A_983, %lt3A_988 : vector<16xi32>
    %lt3A_990 = arith.constant 0 : i32
    %lt3A_991 = arith.cmpi slt, %select_n3A_981, %lt3A_990 : i32
    %ne3A_992 = vector.broadcast %lt3A_991 : i1 to vector<16xi1>
    %ne3A_993 = vector.broadcast %ne3A_992 : vector<16xi1> to vector<16xi1>
    %ne3A_994 = arith.xori %lt3A_989, %ne3A_993 : vector<16xi1>
    %and3A_995 = arith.andi %ne3A_994, %ne3A_986 : vector<16xi1>
    %add3A_996 = vector.broadcast %select_n3A_981 : i32 to vector<16xi32>
    %add3A_997 = arith.addi %rem3A_983, %add3A_996 : vector<16xi32>
    %select_n3A_998 = arith.select %and3A_995, %add3A_997, %rem3A_983 : vector<16xi1>, vector<16xi32>
    %add3A_999 = arith.constant 160 : i32
    %add3A_1000 = vector.broadcast %add3A_999 : i32 to vector<16xi32>
    %add3A_1001 = arith.addi %iota3A, %add3A_1000 : vector<16xi32>
    %jit3A_1002 = arith.constant 12 : i32
    %eq3A_1003 = arith.constant 0 : i32
    %eq3A_1004 = arith.cmpi eq, %jit3A_1002, %eq3A_1003 : i32
    %jit3A_1005 = arith.constant 1 : i32
    %select_n3A_1006 = arith.select %eq3A_1004, %jit3A_1005, %jit3A_1002 : i32
    %rem3A_1007 = vector.broadcast %select_n3A_1006 : i32 to vector<16xi32>
    %rem3A_1008 = arith.remsi %add3A_1001, %rem3A_1007 : vector<16xi32>
    %ne3A_1009 = arith.constant 0 : i32
    %ne3A_1010 = vector.broadcast %ne3A_1009 : i32 to vector<16xi32>
    %ne3A_1011 = arith.cmpi ne, %rem3A_1008, %ne3A_1010 : vector<16xi32>
    %lt3A_1012 = arith.constant 0 : i32
    %lt3A_1013 = vector.broadcast %lt3A_1012 : i32 to vector<16xi32>
    %lt3A_1014 = arith.cmpi slt, %rem3A_1008, %lt3A_1013 : vector<16xi32>
    %lt3A_1015 = arith.constant 0 : i32
    %lt3A_1016 = arith.cmpi slt, %select_n3A_1006, %lt3A_1015 : i32
    %ne3A_1017 = vector.broadcast %lt3A_1016 : i1 to vector<16xi1>
    %ne3A_1018 = vector.broadcast %ne3A_1017 : vector<16xi1> to vector<16xi1>
    %ne3A_1019 = arith.xori %lt3A_1014, %ne3A_1018 : vector<16xi1>
    %and3A_1020 = arith.andi %ne3A_1019, %ne3A_1011 : vector<16xi1>
    %add3A_1021 = vector.broadcast %select_n3A_1006 : i32 to vector<16xi32>
    %add3A_1022 = arith.addi %rem3A_1008, %add3A_1021 : vector<16xi32>
    %select_n3A_1023 = arith.select %and3A_1020, %add3A_1022, %rem3A_1008 : vector<16xi1>, vector<16xi32>
    %add3A_1024 = arith.constant 176 : i32
    %add3A_1025 = vector.broadcast %add3A_1024 : i32 to vector<16xi32>
    %add3A_1026 = arith.addi %iota3A, %add3A_1025 : vector<16xi32>
    %jit3A_1027 = arith.constant 12 : i32
    %eq3A_1028 = arith.constant 0 : i32
    %eq3A_1029 = arith.cmpi eq, %jit3A_1027, %eq3A_1028 : i32
    %jit3A_1030 = arith.constant 1 : i32
    %select_n3A_1031 = arith.select %eq3A_1029, %jit3A_1030, %jit3A_1027 : i32
    %rem3A_1032 = vector.broadcast %select_n3A_1031 : i32 to vector<16xi32>
    %rem3A_1033 = arith.remsi %add3A_1026, %rem3A_1032 : vector<16xi32>
    %ne3A_1034 = arith.constant 0 : i32
    %ne3A_1035 = vector.broadcast %ne3A_1034 : i32 to vector<16xi32>
    %ne3A_1036 = arith.cmpi ne, %rem3A_1033, %ne3A_1035 : vector<16xi32>
    %lt3A_1037 = arith.constant 0 : i32
    %lt3A_1038 = vector.broadcast %lt3A_1037 : i32 to vector<16xi32>
    %lt3A_1039 = arith.cmpi slt, %rem3A_1033, %lt3A_1038 : vector<16xi32>
    %lt3A_1040 = arith.constant 0 : i32
    %lt3A_1041 = arith.cmpi slt, %select_n3A_1031, %lt3A_1040 : i32
    %ne3A_1042 = vector.broadcast %lt3A_1041 : i1 to vector<16xi1>
    %ne3A_1043 = vector.broadcast %ne3A_1042 : vector<16xi1> to vector<16xi1>
    %ne3A_1044 = arith.xori %lt3A_1039, %ne3A_1043 : vector<16xi1>
    %and3A_1045 = arith.andi %ne3A_1044, %ne3A_1036 : vector<16xi1>
    %add3A_1046 = vector.broadcast %select_n3A_1031 : i32 to vector<16xi32>
    %add3A_1047 = arith.addi %rem3A_1033, %add3A_1046 : vector<16xi32>
    %select_n3A_1048 = arith.select %and3A_1045, %add3A_1047, %rem3A_1033 : vector<16xi1>, vector<16xi32>
    %min3A = arith.constant 0 : i32
    %min3A_1049 = arith.constant 39 : i32
    %min3A_1050 = arith.minsi %min3A, %min3A_1049 : i32
    %mul3A_1051 = arith.constant 2560 : i32
    %mul3A_1052 = arith.muli %min3A_1050, %mul3A_1051 : i32
    %add3A_1053 = arith.addi %mul3A_2, %mul3A_1052 : i32
    %multiple_of3A = tpu.assume_multiple %add3A_1053, 8 : i32
    %dma_start3A = tpu.memref_slice %arg2[%multiple_of3A] : memref<3276800xi32, #tpu.memory_space<hbm>> -> memref<2560xi32, #tpu.memory_space<hbm>>
    %dma_start3A_1054 = tpu.memref_slice %arg2[%multiple_of3A] : memref<3276800xi32, #tpu.memory_space<hbm>> -> memref<2560xi32, #tpu.memory_space<hbm>>
    tpu.enqueue_dma source(%dma_start3A_1054 : memref<2560xi32, #tpu.memory_space<hbm>>) target(%arg6 : memref<2560xi32, #tpu.memory_space<vmem>>) target_semaphore(%arg11 : memref<!tpu.dma_semaphore, #tpu.memory_space<semaphore_mem>>)
    %min3A_1055 = arith.constant 1 : i32
    %min3A_1056 = arith.constant 39 : i32
    %min3A_1057 = arith.minsi %min3A_1055, %min3A_1056 : i32
    %mul3A_1058 = arith.constant 2560 : i32
    %mul3A_1059 = arith.muli %min3A_1057, %mul3A_1058 : i32
    %add3A_1060 = arith.addi %mul3A_2, %mul3A_1059 : i32
    %multiple_of3A_1061 = tpu.assume_multiple %add3A_1060, 8 : i32
    %dma_start3A_1062 = tpu.memref_slice %arg2[%multiple_of3A_1061] : memref<3276800xi32, #tpu.memory_space<hbm>> -> memref<2560xi32, #tpu.memory_space<hbm>>
    %dma_start3A_1063 = tpu.memref_slice %arg2[%multiple_of3A_1061] : memref<3276800xi32, #tpu.memory_space<hbm>> -> memref<2560xi32, #tpu.memory_space<hbm>>
    tpu.enqueue_dma source(%dma_start3A_1063 : memref<2560xi32, #tpu.memory_space<hbm>>) target(%arg7 : memref<2560xi32, #tpu.memory_space<vmem>>) target_semaphore(%arg12 : memref<!tpu.dma_semaphore, #tpu.memory_space<semaphore_mem>>)
    %scan3A = arith.constant 0 : i32
    %scan3A_1064 = arith.constant 0 : i32
    %scan3A_1065 = arith.constant 20 : i32
    %scan3A_1066 = arith.addi %scan3A_1064, %scan3A_1065 : i32
    %scan3A_1067 = arith.constant 1 : i32
    scf.for %scan3A_1088 = %scan3A_1064 to %scan3A_1066 step %scan3A_1067  : i32 {
      %mul3A_1089 = arith.constant 2 : i32
      %mul3A_1090 = arith.muli %scan3A_1088, %mul3A_1089 : i32
      %add3A_1091 = arith.constant 0 : i32
      %add3A_1092 = arith.addi %mul3A_1090, %add3A_1091 : i32
      %dma_wait3A_1093 = arith.constant 0 : i32
      %dma_wait3A_1094 = tpu.memref_slice %arg2[%dma_wait3A_1093] : memref<3276800xi32, #tpu.memory_space<hbm>> -> memref<2560xi32, #tpu.memory_space<hbm>>
      %dma_wait3A_1095 = arith.constant 0 : i32
      %dma_wait3A_1096 = tpu.memref_slice %arg2[%dma_wait3A_1095] : memref<3276800xi32, #tpu.memory_space<hbm>> -> memref<2560xi32, #tpu.memory_space<hbm>>
      tpu.wait_dma2 semaphore(%arg11 : memref<!tpu.dma_semaphore, #tpu.memory_space<semaphore_mem>>) src(%dma_wait3A_1096 : memref<2560xi32, #tpu.memory_space<hbm>>) dst(%arg6 : memref<2560xi32, #tpu.memory_space<vmem>>)
      %ge3A = arith.constant 2 : i32
      %ge3A_1097 = arith.cmpi sge, %add3A_1092, %ge3A : i32
      %convert_element_type3A = arith.extui %ge3A_1097 : i1 to i32
      %cond3A = arith.constant 0 : i32
      %cond3A_1098 = arith.cmpi ne, %convert_element_type3A, %cond3A : i32
      scf.if %cond3A_1098 {
        %dma_wait3A_1153 = arith.constant 0 : i32
        %dma_wait3A_1154 = arith.constant 0 : i32
        %dma_wait3A_1155 = tpu.memref_slice %arg4[%dma_wait3A_1153, %dma_wait3A_1154] : memref<3276800x12xf32, #tpu.memory_space<hbm>> -> memref<2560x12xf32, #tpu.memory_space<hbm>>
        %dma_wait3A_1156 = arith.constant 0 : i32
        %dma_wait3A_1157 = arith.constant 0 : i32
        %dma_wait3A_1158 = tpu.memref_slice %arg4[%dma_wait3A_1156, %dma_wait3A_1157] : memref<3276800x12xf32, #tpu.memory_space<hbm>> -> memref<2560x12xf32, #tpu.memory_space<hbm>>
        tpu.wait_dma2 semaphore(%arg13 : memref<!tpu.dma_semaphore, #tpu.memory_space<semaphore_mem>>) src(%arg8 : memref<2560x12xf32, #tpu.memory_space<vmem>>) dst(%dma_wait3A_1158 : memref<2560x12xf32, #tpu.memory_space<hbm>>)
      } else {
      }
      %parallel_loop3A = arith.constant 0 : i32
      %parallel_loop3A_1099 = arith.constant 160 : i32
      %parallel_loop3A_1100 = arith.constant 1 : i32
      scf.for %parallel_loop3A_1153 = %parallel_loop3A to %parallel_loop3A_1099 step %parallel_loop3A_1100  : i32 {
        %parallel_loop3A_1154 = arith.constant 16 : i32
        %parallel_loop3A_1155 = arith.muli %parallel_loop3A_1153, %parallel_loop3A_1154 : i32
        %parallel_loop3A_1156 = arith.index_cast %parallel_loop3A_1155 : i32 to index
        %parallel_loop3A_1157 = tpu.vector_load %arg6[%parallel_loop3A_1156] {strides = array<i32>} : memref<2560xi32, #tpu.memory_space<vmem>>, vector<16xi32>,
        %parallel_loop3A_1158 = arith.constant 192 : i32
        %parallel_loop3A_1159 = vector.broadcast %parallel_loop3A_1158 : i32 to vector<16xi32>
        %parallel_loop3A_1160 = arith.muli %parallel_loop3A_1157, %parallel_loop3A_1159 : vector<16xi32>
        %parallel_loop3A_1161 = arith.constant 16 : i32
        %parallel_loop3A_1162 = arith.muli %parallel_loop3A_1153, %parallel_loop3A_1161 : i32
        %parallel_loop3A_1163 = arith.constant 0 : i32
        %parallel_loop3A_1164 = vector.broadcast %parallel_loop3A_1163 : i32 to vector<16xi32>
        %parallel_loop3A_1165 = arith.cmpi slt, %select_n3A, %parallel_loop3A_1164 : vector<16xi32>
        %parallel_loop3A_1166 = arith.constant 16 : i32
        %parallel_loop3A_1167 = vector.broadcast %parallel_loop3A_1166 : i32 to vector<16xi32>
        %parallel_loop3A_1168 = arith.addi %select_n3A, %parallel_loop3A_1167 : vector<16xi32>
        %parallel_loop3A_1169 = arith.select %parallel_loop3A_1165, %parallel_loop3A_1168, %select_n3A : vector<16xi1>, vector<16xi32>
        %parallel_loop3A_1170 = vector.shape_cast %parallel_loop3A_1169 : vector<16xi32> to vector<16x1xi32>
        %parallel_loop3A_1171 = vector.shape_cast %parallel_loop3A_1170 : vector<16x1xi32> to vector<16xi32>
        %parallel_loop3A_1172 = tpu.dynamic_gather %parallel_loop3A_1160[%parallel_loop3A_1171] in [0] : vector<16xi32>, vector<16xi32> -> vector<16xi32>
        %parallel_loop3A_1173 = arith.addi %parallel_loop3A_1172, %add3A_429 : vector<16xi32>
        %parallel_loop3A_1174 = tpu.vector_load_idx %arg5[%parallel_loop3A_1173] : memref<9600xf32, #tpu.memory_space<vmem>>[vector<16xi32>], vector<16xf32>,
        %parallel_loop3A_1175 = vector.broadcast %parallel_loop3A_1162 : i32 to vector<16xi32>
        %parallel_loop3A_1176 = arith.addi %select_n3A, %parallel_loop3A_1175 : vector<16xi32>
        tpu.vector_store_idx %arg8[%parallel_loop3A_1176, %select_n3A_773], %parallel_loop3A_1174 : memref<2560x12xf32, #tpu.memory_space<vmem>>[vector<16xi32>, vector<16xi32>], vector<16xf32>,
        %parallel_loop3A_1177 = arith.constant 0 : i32
        %parallel_loop3A_1178 = vector.broadcast %parallel_loop3A_1177 : i32 to vector<16xi32>
        %parallel_loop3A_1179 = arith.cmpi slt, %select_n3A_62, %parallel_loop3A_1178 : vector<16xi32>
        %parallel_loop3A_1180 = arith.constant 16 : i32
        %parallel_loop3A_1181 = vector.broadcast %parallel_loop3A_1180 : i32 to vector<16xi32>
        %parallel_loop3A_1182 = arith.addi %select_n3A_62, %parallel_loop3A_1181 : vector<16xi32>
        %parallel_loop3A_1183 = arith.select %parallel_loop3A_1179, %parallel_loop3A_1182, %select_n3A_62 : vector<16xi1>, vector<16xi32>
        %parallel_loop3A_1184 = vector.shape_cast %parallel_loop3A_1183 : vector<16xi32> to vector<16x1xi32>
        %parallel_loop3A_1185 = vector.shape_cast %parallel_loop3A_1184 : vector<16x1xi32> to vector<16xi32>
        %parallel_loop3A_1186 = tpu.dynamic_gather %parallel_loop3A_1160[%parallel_loop3A_1185] in [0] : vector<16xi32>, vector<16xi32> -> vector<16xi32>
        %parallel_loop3A_1187 = arith.addi %parallel_loop3A_1186, %add3A_458 : vector<16xi32>
        %parallel_loop3A_1188 = tpu.vector_load_idx %arg5[%parallel_loop3A_1187] : memref<9600xf32, #tpu.memory_space<vmem>>[vector<16xi32>], vector<16xf32>,
        %parallel_loop3A_1189 = vector.broadcast %parallel_loop3A_1162 : i32 to vector<16xi32>
        %parallel_loop3A_1190 = arith.addi %select_n3A_62, %parallel_loop3A_1189 : vector<16xi32>
        tpu.vector_store_idx %arg8[%parallel_loop3A_1190, %select_n3A_798], %parallel_loop3A_1188 : memref<2560x12xf32, #tpu.memory_space<vmem>>[vector<16xi32>, vector<16xi32>], vector<16xf32>,
        %parallel_loop3A_1191 = arith.constant 0 : i32
        %parallel_loop3A_1192 = vector.broadcast %parallel_loop3A_1191 : i32 to vector<16xi32>
        %parallel_loop3A_1193 = arith.cmpi slt, %select_n3A_96, %parallel_loop3A_1192 : vector<16xi32>
        %parallel_loop3A_1194 = arith.constant 16 : i32
        %parallel_loop3A_1195 = vector.broadcast %parallel_loop3A_1194 : i32 to vector<16xi32>
        %parallel_loop3A_1196 = arith.addi %select_n3A_96, %parallel_loop3A_1195 : vector<16xi32>
        %parallel_loop3A_1197 = arith.select %parallel_loop3A_1193, %parallel_loop3A_1196, %select_n3A_96 : vector<16xi1>, vector<16xi32>
        %parallel_loop3A_1198 = vector.shape_cast %parallel_loop3A_1197 : vector<16xi32> to vector<16x1xi32>
        %parallel_loop3A_1199 = vector.shape_cast %parallel_loop3A_1198 : vector<16x1xi32> to vector<16xi32>
        %parallel_loop3A_1200 = tpu.dynamic_gather %parallel_loop3A_1160[%parallel_loop3A_1199] in [0] : vector<16xi32>, vector<16xi32> -> vector<16xi32>
        %parallel_loop3A_1201 = arith.addi %parallel_loop3A_1200, %add3A_487 : vector<16xi32>
        %parallel_loop3A_1202 = tpu.vector_load_idx %arg5[%parallel_loop3A_1201] : memref<9600xf32, #tpu.memory_space<vmem>>[vector<16xi32>], vector<16xf32>,
        %parallel_loop3A_1203 = vector.broadcast %parallel_loop3A_1162 : i32 to vector<16xi32>
        %parallel_loop3A_1204 = arith.addi %select_n3A_96, %parallel_loop3A_1203 : vector<16xi32>
        tpu.vector_store_idx %arg8[%parallel_loop3A_1204, %select_n3A_823], %parallel_loop3A_1202 : memref<2560x12xf32, #tpu.memory_space<vmem>>[vector<16xi32>, vector<16xi32>], vector<16xf32>,
        %parallel_loop3A_1205 = arith.constant 0 : i32
        %parallel_loop3A_1206 = vector.broadcast %parallel_loop3A_1205 : i32 to vector<16xi32>
        %parallel_loop3A_1207 = arith.cmpi slt, %select_n3A_130, %parallel_loop3A_1206 : vector<16xi32>
        %parallel_loop3A_1208 = arith.constant 16 : i32
        %parallel_loop3A_1209 = vector.broadcast %parallel_loop3A_1208 : i32 to vector<16xi32>
        %parallel_loop3A_1210 = arith.addi %select_n3A_130, %parallel_loop3A_1209 : vector<16xi32>
        %parallel_loop3A_1211 = arith.select %parallel_loop3A_1207, %parallel_loop3A_1210, %select_n3A_130 : vector<16xi1>, vector<16xi32>
        %parallel_loop3A_1212 = vector.shape_cast %parallel_loop3A_1211 : vector<16xi32> to vector<16x1xi32>
        %parallel_loop3A_1213 = vector.shape_cast %parallel_loop3A_1212 : vector<16x1xi32> to vector<16xi32>
        %parallel_loop3A_1214 = tpu.dynamic_gather %parallel_loop3A_1160[%parallel_loop3A_1213] in [0] : vector<16xi32>, vector<16xi32> -> vector<16xi32>
        %parallel_loop3A_1215 = arith.addi %parallel_loop3A_1214, %add3A_516 : vector<16xi32>
        %parallel_loop3A_1216 = tpu.vector_load_idx %arg5[%parallel_loop3A_1215] : memref<9600xf32, #tpu.memory_space<vmem>>[vector<16xi32>], vector<16xf32>,
        %parallel_loop3A_1217 = vector.broadcast %parallel_loop3A_1162 : i32 to vector<16xi32>
        %parallel_loop3A_1218 = arith.addi %select_n3A_130, %parallel_loop3A_1217 : vector<16xi32>
        tpu.vector_store_idx %arg8[%parallel_loop3A_1218, %select_n3A_848], %parallel_loop3A_1216 : memref<2560x12xf32, #tpu.memory_space<vmem>>[vector<16xi32>, vector<16xi32>], vector<16xf32>,
        %parallel_loop3A_1219 = arith.constant 0 : i32
        %parallel_loop3A_1220 = vector.broadcast %parallel_loop3A_1219 : i32 to vector<16xi32>
        %parallel_loop3A_1221 = arith.cmpi slt, %select_n3A_164, %parallel_loop3A_1220 : vector<16xi32>
        %parallel_loop3A_1222 = arith.constant 16 : i32
        %parallel_loop3A_1223 = vector.broadcast %parallel_loop3A_1222 : i32 to vector<16xi32>
        %parallel_loop3A_1224 = arith.addi %select_n3A_164, %parallel_loop3A_1223 : vector<16xi32>
        %parallel_loop3A_1225 = arith.select %parallel_loop3A_1221, %parallel_loop3A_1224, %select_n3A_164 : vector<16xi1>, vector<16xi32>
        %parallel_loop3A_1226 = vector.shape_cast %parallel_loop3A_1225 : vector<16xi32> to vector<16x1xi32>
        %parallel_loop3A_1227 = vector.shape_cast %parallel_loop3A_1226 : vector<16x1xi32> to vector<16xi32>
        %parallel_loop3A_1228 = tpu.dynamic_gather %parallel_loop3A_1160[%parallel_loop3A_1227] in [0] : vector<16xi32>, vector<16xi32> -> vector<16xi32>
        %parallel_loop3A_1229 = arith.addi %parallel_loop3A_1228, %add3A_545 : vector<16xi32>
        %parallel_loop3A_1230 = tpu.vector_load_idx %arg5[%parallel_loop3A_1229] : memref<9600xf32, #tpu.memory_space<vmem>>[vector<16xi32>], vector<16xf32>,
        %parallel_loop3A_1231 = vector.broadcast %parallel_loop3A_1162 : i32 to vector<16xi32>
        %parallel_loop3A_1232 = arith.addi %select_n3A_164, %parallel_loop3A_1231 : vector<16xi32>
        tpu.vector_store_idx %arg8[%parallel_loop3A_1232, %select_n3A_873], %parallel_loop3A_1230 : memref<2560x12xf32, #tpu.memory_space<vmem>>[vector<16xi32>, vector<16xi32>], vector<16xf32>,
        %parallel_loop3A_1233 = arith.constant 0 : i32
        %parallel_loop3A_1234 = vector.broadcast %parallel_loop3A_1233 : i32 to vector<16xi32>
        %parallel_loop3A_1235 = arith.cmpi slt, %select_n3A_198, %parallel_loop3A_1234 : vector<16xi32>
        %parallel_loop3A_1236 = arith.constant 16 : i32
        %parallel_loop3A_1237 = vector.broadcast %parallel_loop3A_1236 : i32 to vector<16xi32>
        %parallel_loop3A_1238 = arith.addi %select_n3A_198, %parallel_loop3A_1237 : vector<16xi32>
        %parallel_loop3A_1239 = arith.select %parallel_loop3A_1235, %parallel_loop3A_1238, %select_n3A_198 : vector<16xi1>, vector<16xi32>
        %parallel_loop3A_1240 = vector.shape_cast %parallel_loop3A_1239 : vector<16xi32> to vector<16x1xi32>
        %parallel_loop3A_1241 = vector.shape_cast %parallel_loop3A_1240 : vector<16x1xi32> to vector<16xi32>
        %parallel_loop3A_1242 = tpu.dynamic_gather %parallel_loop3A_1160[%parallel_loop3A_1241] in [0] : vector<16xi32>, vector<16xi32> -> vector<16xi32>
        %parallel_loop3A_1243 = arith.addi %parallel_loop3A_1242, %add3A_574 : vector<16xi32>
        %parallel_loop3A_1244 = tpu.vector_load_idx %arg5[%parallel_loop3A_1243] : memref<9600xf32, #tpu.memory_space<vmem>>[vector<16xi32>], vector<16xf32>,
        %parallel_loop3A_1245 = vector.broadcast %parallel_loop3A_1162 : i32 to vector<16xi32>
        %parallel_loop3A_1246 = arith.addi %select_n3A_198, %parallel_loop3A_1245 : vector<16xi32>
        tpu.vector_store_idx %arg8[%parallel_loop3A_1246, %select_n3A_898], %parallel_loop3A_1244 : memref<2560x12xf32, #tpu.memory_space<vmem>>[vector<16xi32>, vector<16xi32>], vector<16xf32>,
        %parallel_loop3A_1247 = arith.constant 0 : i32
        %parallel_loop3A_1248 = vector.broadcast %parallel_loop3A_1247 : i32 to vector<16xi32>
        %parallel_loop3A_1249 = arith.cmpi slt, %select_n3A_232, %parallel_loop3A_1248 : vector<16xi32>
        %parallel_loop3A_1250 = arith.constant 16 : i32
        %parallel_loop3A_1251 = vector.broadcast %parallel_loop3A_1250 : i32 to vector<16xi32>
        %parallel_loop3A_1252 = arith.addi %select_n3A_232, %parallel_loop3A_1251 : vector<16xi32>
        %parallel_loop3A_1253 = arith.select %parallel_loop3A_1249, %parallel_loop3A_1252, %select_n3A_232 : vector<16xi1>, vector<16xi32>
        %parallel_loop3A_1254 = vector.shape_cast %parallel_loop3A_1253 : vector<16xi32> to vector<16x1xi32>
        %parallel_loop3A_1255 = vector.shape_cast %parallel_loop3A_1254 : vector<16x1xi32> to vector<16xi32>
        %parallel_loop3A_1256 = tpu.dynamic_gather %parallel_loop3A_1160[%parallel_loop3A_1255] in [0] : vector<16xi32>, vector<16xi32> -> vector<16xi32>
        %parallel_loop3A_1257 = arith.addi %parallel_loop3A_1256, %add3A_603 : vector<16xi32>
        %parallel_loop3A_1258 = tpu.vector_load_idx %arg5[%parallel_loop3A_1257] : memref<9600xf32, #tpu.memory_space<vmem>>[vector<16xi32>], vector<16xf32>,
        %parallel_loop3A_1259 = vector.broadcast %parallel_loop3A_1162 : i32 to vector<16xi32>
        %parallel_loop3A_1260 = arith.addi %select_n3A_232, %parallel_loop3A_1259 : vector<16xi32>
        tpu.vector_store_idx %arg8[%parallel_loop3A_1260, %select_n3A_923], %parallel_loop3A_1258 : memref<2560x12xf32, #tpu.memory_space<vmem>>[vector<16xi32>, vector<16xi32>], vector<16xf32>,
        %parallel_loop3A_1261 = arith.constant 0 : i32
        %parallel_loop3A_1262 = vector.broadcast %parallel_loop3A_1261 : i32 to vector<16xi32>
        %parallel_loop3A_1263 = arith.cmpi slt, %select_n3A_266, %parallel_loop3A_1262 : vector<16xi32>
        %parallel_loop3A_1264 = arith.constant 16 : i32
        %parallel_loop3A_1265 = vector.broadcast %parallel_loop3A_1264 : i32 to vector<16xi32>
        %parallel_loop3A_1266 = arith.addi %select_n3A_266, %parallel_loop3A_1265 : vector<16xi32>
        %parallel_loop3A_1267 = arith.select %parallel_loop3A_1263, %parallel_loop3A_1266, %select_n3A_266 : vector<16xi1>, vector<16xi32>
        %parallel_loop3A_1268 = vector.shape_cast %parallel_loop3A_1267 : vector<16xi32> to vector<16x1xi32>
        %parallel_loop3A_1269 = vector.shape_cast %parallel_loop3A_1268 : vector<16x1xi32> to vector<16xi32>
        %parallel_loop3A_1270 = tpu.dynamic_gather %parallel_loop3A_1160[%parallel_loop3A_1269] in [0] : vector<16xi32>, vector<16xi32> -> vector<16xi32>
        %parallel_loop3A_1271 = arith.addi %parallel_loop3A_1270, %add3A_632 : vector<16xi32>
        %parallel_loop3A_1272 = tpu.vector_load_idx %arg5[%parallel_loop3A_1271] : memref<9600xf32, #tpu.memory_space<vmem>>[vector<16xi32>], vector<16xf32>,
        %parallel_loop3A_1273 = vector.broadcast %parallel_loop3A_1162 : i32 to vector<16xi32>
        %parallel_loop3A_1274 = arith.addi %select_n3A_266, %parallel_loop3A_1273 : vector<16xi32>
        tpu.vector_store_idx %arg8[%parallel_loop3A_1274, %select_n3A_948], %parallel_loop3A_1272 : memref<2560x12xf32, #tpu.memory_space<vmem>>[vector<16xi32>, vector<16xi32>], vector<16xf32>,
        %parallel_loop3A_1275 = arith.constant 0 : i32
        %parallel_loop3A_1276 = vector.broadcast %parallel_loop3A_1275 : i32 to vector<16xi32>
        %parallel_loop3A_1277 = arith.cmpi slt, %select_n3A_300, %parallel_loop3A_1276 : vector<16xi32>
        %parallel_loop3A_1278 = arith.constant 16 : i32
        %parallel_loop3A_1279 = vector.broadcast %parallel_loop3A_1278 : i32 to vector<16xi32>
        %parallel_loop3A_1280 = arith.addi %select_n3A_300, %parallel_loop3A_1279 : vector<16xi32>
        %parallel_loop3A_1281 = arith.select %parallel_loop3A_1277, %parallel_loop3A_1280, %select_n3A_300 : vector<16xi1>, vector<16xi32>
        %parallel_loop3A_1282 = vector.shape_cast %parallel_loop3A_1281 : vector<16xi32> to vector<16x1xi32>
        %parallel_loop3A_1283 = vector.shape_cast %parallel_loop3A_1282 : vector<16x1xi32> to vector<16xi32>
        %parallel_loop3A_1284 = tpu.dynamic_gather %parallel_loop3A_1160[%parallel_loop3A_1283] in [0] : vector<16xi32>, vector<16xi32> -> vector<16xi32>
        %parallel_loop3A_1285 = arith.addi %parallel_loop3A_1284, %add3A_661 : vector<16xi32>
        %parallel_loop3A_1286 = tpu.vector_load_idx %arg5[%parallel_loop3A_1285] : memref<9600xf32, #tpu.memory_space<vmem>>[vector<16xi32>], vector<16xf32>,
        %parallel_loop3A_1287 = vector.broadcast %parallel_loop3A_1162 : i32 to vector<16xi32>
        %parallel_loop3A_1288 = arith.addi %select_n3A_300, %parallel_loop3A_1287 : vector<16xi32>
        tpu.vector_store_idx %arg8[%parallel_loop3A_1288, %select_n3A_973], %parallel_loop3A_1286 : memref<2560x12xf32, #tpu.memory_space<vmem>>[vector<16xi32>, vector<16xi32>], vector<16xf32>,
        %parallel_loop3A_1289 = arith.constant 0 : i32
        %parallel_loop3A_1290 = vector.broadcast %parallel_loop3A_1289 : i32 to vector<16xi32>
        %parallel_loop3A_1291 = arith.cmpi slt, %select_n3A_334, %parallel_loop3A_1290 : vector<16xi32>
        %parallel_loop3A_1292 = arith.constant 16 : i32
        %parallel_loop3A_1293 = vector.broadcast %parallel_loop3A_1292 : i32 to vector<16xi32>
        %parallel_loop3A_1294 = arith.addi %select_n3A_334, %parallel_loop3A_1293 : vector<16xi32>
        %parallel_loop3A_1295 = arith.select %parallel_loop3A_1291, %parallel_loop3A_1294, %select_n3A_334 : vector<16xi1>, vector<16xi32>
        %parallel_loop3A_1296 = vector.shape_cast %parallel_loop3A_1295 : vector<16xi32> to vector<16x1xi32>
        %parallel_loop3A_1297 = vector.shape_cast %parallel_loop3A_1296 : vector<16x1xi32> to vector<16xi32>
        %parallel_loop3A_1298 = tpu.dynamic_gather %parallel_loop3A_1160[%parallel_loop3A_1297] in [0] : vector<16xi32>, vector<16xi32> -> vector<16xi32>
        %parallel_loop3A_1299 = arith.addi %parallel_loop3A_1298, %add3A_690 : vector<16xi32>
        %parallel_loop3A_1300 = tpu.vector_load_idx %arg5[%parallel_loop3A_1299] : memref<9600xf32, #tpu.memory_space<vmem>>[vector<16xi32>], vector<16xf32>,
        %parallel_loop3A_1301 = vector.broadcast %parallel_loop3A_1162 : i32 to vector<16xi32>
        %parallel_loop3A_1302 = arith.addi %select_n3A_334, %parallel_loop3A_1301 : vector<16xi32>
        tpu.vector_store_idx %arg8[%parallel_loop3A_1302, %select_n3A_998], %parallel_loop3A_1300 : memref<2560x12xf32, #tpu.memory_space<vmem>>[vector<16xi32>, vector<16xi32>], vector<16xf32>,
        %parallel_loop3A_1303 = arith.constant 0 : i32
        %parallel_loop3A_1304 = vector.broadcast %parallel_loop3A_1303 : i32 to vector<16xi32>
        %parallel_loop3A_1305 = arith.cmpi slt, %select_n3A_368, %parallel_loop3A_1304 : vector<16xi32>
        %parallel_loop3A_1306 = arith.constant 16 : i32
        %parallel_loop3A_1307 = vector.broadcast %parallel_loop3A_1306 : i32 to vector<16xi32>
        %parallel_loop3A_1308 = arith.addi %select_n3A_368, %parallel_loop3A_1307 : vector<16xi32>
        %parallel_loop3A_1309 = arith.select %parallel_loop3A_1305, %parallel_loop3A_1308, %select_n3A_368 : vector<16xi1>, vector<16xi32>
        %parallel_loop3A_1310 = vector.shape_cast %parallel_loop3A_1309 : vector<16xi32> to vector<16x1xi32>
        %parallel_loop3A_1311 = vector.shape_cast %parallel_loop3A_1310 : vector<16x1xi32> to vector<16xi32>
        %parallel_loop3A_1312 = tpu.dynamic_gather %parallel_loop3A_1160[%parallel_loop3A_1311] in [0] : vector<16xi32>, vector<16xi32> -> vector<16xi32>
        %parallel_loop3A_1313 = arith.addi %parallel_loop3A_1312, %add3A_719 : vector<16xi32>
        %parallel_loop3A_1314 = tpu.vector_load_idx %arg5[%parallel_loop3A_1313] : memref<9600xf32, #tpu.memory_space<vmem>>[vector<16xi32>], vector<16xf32>,
        %parallel_loop3A_1315 = vector.broadcast %parallel_loop3A_1162 : i32 to vector<16xi32>
        %parallel_loop3A_1316 = arith.addi %select_n3A_368, %parallel_loop3A_1315 : vector<16xi32>
        tpu.vector_store_idx %arg8[%parallel_loop3A_1316, %select_n3A_1023], %parallel_loop3A_1314 : memref<2560x12xf32, #tpu.memory_space<vmem>>[vector<16xi32>, vector<16xi32>], vector<16xf32>,
        %parallel_loop3A_1317 = arith.constant 0 : i32
        %parallel_loop3A_1318 = vector.broadcast %parallel_loop3A_1317 : i32 to vector<16xi32>
        %parallel_loop3A_1319 = arith.cmpi slt, %select_n3A_402, %parallel_loop3A_1318 : vector<16xi32>
        %parallel_loop3A_1320 = arith.constant 16 : i32
        %parallel_loop3A_1321 = vector.broadcast %parallel_loop3A_1320 : i32 to vector<16xi32>
        %parallel_loop3A_1322 = arith.addi %select_n3A_402, %parallel_loop3A_1321 : vector<16xi32>
        %parallel_loop3A_1323 = arith.select %parallel_loop3A_1319, %parallel_loop3A_1322, %select_n3A_402 : vector<16xi1>, vector<16xi32>
        %parallel_loop3A_1324 = vector.shape_cast %parallel_loop3A_1323 : vector<16xi32> to vector<16x1xi32>
        %parallel_loop3A_1325 = vector.shape_cast %parallel_loop3A_1324 : vector<16x1xi32> to vector<16xi32>
        %parallel_loop3A_1326 = tpu.dynamic_gather %parallel_loop3A_1160[%parallel_loop3A_1325] in [0] : vector<16xi32>, vector<16xi32> -> vector<16xi32>
        %parallel_loop3A_1327 = arith.addi %parallel_loop3A_1326, %add3A_748 : vector<16xi32>
        %parallel_loop3A_1328 = tpu.vector_load_idx %arg5[%parallel_loop3A_1327] : memref<9600xf32, #tpu.memory_space<vmem>>[vector<16xi32>], vector<16xf32>,
        %parallel_loop3A_1329 = vector.broadcast %parallel_loop3A_1162 : i32 to vector<16xi32>
        %parallel_loop3A_1330 = arith.addi %select_n3A_402, %parallel_loop3A_1329 : vector<16xi32>
        tpu.vector_store_idx %arg8[%parallel_loop3A_1330, %select_n3A_1048], %parallel_loop3A_1328 : memref<2560x12xf32, #tpu.memory_space<vmem>>[vector<16xi32>, vector<16xi32>], vector<16xf32>,
      } {sc.loop_unroll_factor = 2 : i64, sc.parallel_access}
      %mul3A_1101 = arith.constant 2560 : i32
      %mul3A_1102 = arith.muli %add3A_1092, %mul3A_1101 : i32
      %add3A_1103 = arith.addi %mul3A_2, %mul3A_1102 : i32
      %multiple_of3A_1104 = tpu.assume_multiple %add3A_1103, 8 : i32
      %dma_start3A_1105 = arith.constant 0 : i32
      %dma_start3A_1106 = tpu.memref_slice %arg4[%multiple_of3A_1104, %dma_start3A_1105] : memref<3276800x12xf32, #tpu.memory_space<hbm>> -> memref<2560x12xf32, #tpu.memory_space<hbm>>
      %dma_start3A_1107 = arith.constant 0 : i32
      %dma_start3A_1108 = tpu.memref_slice %arg4[%multiple_of3A_1104, %dma_start3A_1107] : memref<3276800x12xf32, #tpu.memory_space<hbm>> -> memref<2560x12xf32, #tpu.memory_space<hbm>>
      tpu.enqueue_dma source(%arg8 : memref<2560x12xf32, #tpu.memory_space<vmem>>) target(%dma_start3A_1108 : memref<2560x12xf32, #tpu.memory_space<hbm>>) target_semaphore(%arg13 : memref<!tpu.dma_semaphore, #tpu.memory_space<semaphore_mem>>)
      %add3A_1109 = arith.constant 2 : i32
      %add3A_1110 = arith.addi %add3A_1092, %add3A_1109 : i32
      %min3A_1111 = arith.constant 39 : i32
      %min3A_1112 = arith.minsi %add3A_1110, %min3A_1111 : i32
      %mul3A_1113 = arith.constant 2560 : i32
      %mul3A_1114 = arith.muli %min3A_1112, %mul3A_1113 : i32
      %add3A_1115 = arith.addi %mul3A_2, %mul3A_1114 : i32
      %multiple_of3A_1116 = tpu.assume_multiple %add3A_1115, 8 : i32
      %dma_start3A_1117 = tpu.memref_slice %arg2[%multiple_of3A_1116] : memref<3276800xi32, #tpu.memory_space<hbm>> -> memref<2560xi32, #tpu.memory_space<hbm>>
      %dma_start3A_1118 = tpu.memref_slice %arg2[%multiple_of3A_1116] : memref<3276800xi32, #tpu.memory_space<hbm>> -> memref<2560xi32, #tpu.memory_space<hbm>>
      tpu.enqueue_dma source(%dma_start3A_1118 : memref<2560xi32, #tpu.memory_space<hbm>>) target(%arg6 : memref<2560xi32, #tpu.memory_space<vmem>>) target_semaphore(%arg11 : memref<!tpu.dma_semaphore, #tpu.memory_space<semaphore_mem>>)
      %mul3A_1119 = arith.constant 2 : i32
      %mul3A_1120 = arith.muli %scan3A_1088, %mul3A_1119 : i32
      %add3A_1121 = arith.constant 1 : i32
      %add3A_1122 = arith.addi %mul3A_1120, %add3A_1121 : i32
      %dma_wait3A_1123 = arith.constant 0 : i32
      %dma_wait3A_1124 = tpu.memref_slice %arg2[%dma_wait3A_1123] : memref<3276800xi32, #tpu.memory_space<hbm>> -> memref<2560xi32, #tpu.memory_space<hbm>>
      %dma_wait3A_1125 = arith.constant 0 : i32
      %dma_wait3A_1126 = tpu.memref_slice %arg2[%dma_wait3A_1125] : memref<3276800xi32, #tpu.memory_space<hbm>> -> memref<2560xi32, #tpu.memory_space<hbm>>
      tpu.wait_dma2 semaphore(%arg12 : memref<!tpu.dma_semaphore, #tpu.memory_space<semaphore_mem>>) src(%dma_wait3A_1126 : memref<2560xi32, #tpu.memory_space<hbm>>) dst(%arg7 : memref<2560xi32, #tpu.memory_space<vmem>>)
      %ge3A_1127 = arith.constant 2 : i32
      %ge3A_1128 = arith.cmpi sge, %add3A_1122, %ge3A_1127 : i32
      %convert_element_type3A_1129 = arith.extui %ge3A_1128 : i1 to i32
      %cond3A_1130 = arith.constant 0 : i32
      %cond3A_1131 = arith.cmpi ne, %convert_element_type3A_1129, %cond3A_1130 : i32
      scf.if %cond3A_1131 {
        %dma_wait3A_1153 = arith.constant 0 : i32
        %dma_wait3A_1154 = arith.constant 0 : i32
        %dma_wait3A_1155 = tpu.memref_slice %arg4[%dma_wait3A_1153, %dma_wait3A_1154] : memref<3276800x12xf32, #tpu.memory_space<hbm>> -> memref<2560x12xf32, #tpu.memory_space<hbm>>
        %dma_wait3A_1156 = arith.constant 0 : i32
        %dma_wait3A_1157 = arith.constant 0 : i32
        %dma_wait3A_1158 = tpu.memref_slice %arg4[%dma_wait3A_1156, %dma_wait3A_1157] : memref<3276800x12xf32, #tpu.memory_space<hbm>> -> memref<2560x12xf32, #tpu.memory_space<hbm>>
        tpu.wait_dma2 semaphore(%arg14 : memref<!tpu.dma_semaphore, #tpu.memory_space<semaphore_mem>>) src(%arg9 : memref<2560x12xf32, #tpu.memory_space<vmem>>) dst(%dma_wait3A_1158 : memref<2560x12xf32, #tpu.memory_space<hbm>>)
      } else {
      }
      %parallel_loop3A_1132 = arith.constant 0 : i32
      %parallel_loop3A_1133 = arith.constant 160 : i32
      %parallel_loop3A_1134 = arith.constant 1 : i32
      scf.for %parallel_loop3A_1153 = %parallel_loop3A_1132 to %parallel_loop3A_1133 step %parallel_loop3A_1134  : i32 {
        %parallel_loop3A_1154 = arith.constant 16 : i32
        %parallel_loop3A_1155 = arith.muli %parallel_loop3A_1153, %parallel_loop3A_1154 : i32
        %parallel_loop3A_1156 = arith.index_cast %parallel_loop3A_1155 : i32 to index
        %parallel_loop3A_1157 = tpu.vector_load %arg7[%parallel_loop3A_1156] {strides = array<i32>} : memref<2560xi32, #tpu.memory_space<vmem>>, vector<16xi32>,
        %parallel_loop3A_1158 = arith.constant 192 : i32
        %parallel_loop3A_1159 = vector.broadcast %parallel_loop3A_1158 : i32 to vector<16xi32>
        %parallel_loop3A_1160 = arith.muli %parallel_loop3A_1157, %parallel_loop3A_1159 : vector<16xi32>
        %parallel_loop3A_1161 = arith.constant 16 : i32
        %parallel_loop3A_1162 = arith.muli %parallel_loop3A_1153, %parallel_loop3A_1161 : i32
        %parallel_loop3A_1163 = arith.constant 0 : i32
        %parallel_loop3A_1164 = vector.broadcast %parallel_loop3A_1163 : i32 to vector<16xi32>
        %parallel_loop3A_1165 = arith.cmpi slt, %select_n3A, %parallel_loop3A_1164 : vector<16xi32>
        %parallel_loop3A_1166 = arith.constant 16 : i32
        %parallel_loop3A_1167 = vector.broadcast %parallel_loop3A_1166 : i32 to vector<16xi32>
        %parallel_loop3A_1168 = arith.addi %select_n3A, %parallel_loop3A_1167 : vector<16xi32>
        %parallel_loop3A_1169 = arith.select %parallel_loop3A_1165, %parallel_loop3A_1168, %select_n3A : vector<16xi1>, vector<16xi32>
        %parallel_loop3A_1170 = vector.shape_cast %parallel_loop3A_1169 : vector<16xi32> to vector<16x1xi32>
        %parallel_loop3A_1171 = vector.shape_cast %parallel_loop3A_1170 : vector<16x1xi32> to vector<16xi32>
        %parallel_loop3A_1172 = tpu.dynamic_gather %parallel_loop3A_1160[%parallel_loop3A_1171] in [0] : vector<16xi32>, vector<16xi32> -> vector<16xi32>
        %parallel_loop3A_1173 = arith.addi %parallel_loop3A_1172, %add3A_429 : vector<16xi32>
        %parallel_loop3A_1174 = tpu.vector_load_idx %arg5[%parallel_loop3A_1173] : memref<9600xf32, #tpu.memory_space<vmem>>[vector<16xi32>], vector<16xf32>,
        %parallel_loop3A_1175 = vector.broadcast %parallel_loop3A_1162 : i32 to vector<16xi32>
        %parallel_loop3A_1176 = arith.addi %select_n3A, %parallel_loop3A_1175 : vector<16xi32>
        tpu.vector_store_idx %arg9[%parallel_loop3A_1176, %select_n3A_773], %parallel_loop3A_1174 : memref<2560x12xf32, #tpu.memory_space<vmem>>[vector<16xi32>, vector<16xi32>], vector<16xf32>,
        %parallel_loop3A_1177 = arith.constant 0 : i32
        %parallel_loop3A_1178 = vector.broadcast %parallel_loop3A_1177 : i32 to vector<16xi32>
        %parallel_loop3A_1179 = arith.cmpi slt, %select_n3A_62, %parallel_loop3A_1178 : vector<16xi32>
        %parallel_loop3A_1180 = arith.constant 16 : i32
        %parallel_loop3A_1181 = vector.broadcast %parallel_loop3A_1180 : i32 to vector<16xi32>
        %parallel_loop3A_1182 = arith.addi %select_n3A_62, %parallel_loop3A_1181 : vector<16xi32>
        %parallel_loop3A_1183 = arith.select %parallel_loop3A_1179, %parallel_loop3A_1182, %select_n3A_62 : vector<16xi1>, vector<16xi32>
        %parallel_loop3A_1184 = vector.shape_cast %parallel_loop3A_1183 : vector<16xi32> to vector<16x1xi32>
        %parallel_loop3A_1185 = vector.shape_cast %parallel_loop3A_1184 : vector<16x1xi32> to vector<16xi32>
        %parallel_loop3A_1186 = tpu.dynamic_gather %parallel_loop3A_1160[%parallel_loop3A_1185] in [0] : vector<16xi32>, vector<16xi32> -> vector<16xi32>
        %parallel_loop3A_1187 = arith.addi %parallel_loop3A_1186, %add3A_458 : vector<16xi32>
        %parallel_loop3A_1188 = tpu.vector_load_idx %arg5[%parallel_loop3A_1187] : memref<9600xf32, #tpu.memory_space<vmem>>[vector<16xi32>], vector<16xf32>,
        %parallel_loop3A_1189 = vector.broadcast %parallel_loop3A_1162 : i32 to vector<16xi32>
        %parallel_loop3A_1190 = arith.addi %select_n3A_62, %parallel_loop3A_1189 : vector<16xi32>
        tpu.vector_store_idx %arg9[%parallel_loop3A_1190, %select_n3A_798], %parallel_loop3A_1188 : memref<2560x12xf32, #tpu.memory_space<vmem>>[vector<16xi32>, vector<16xi32>], vector<16xf32>,
        %parallel_loop3A_1191 = arith.constant 0 : i32
        %parallel_loop3A_1192 = vector.broadcast %parallel_loop3A_1191 : i32 to vector<16xi32>
        %parallel_loop3A_1193 = arith.cmpi slt, %select_n3A_96, %parallel_loop3A_1192 : vector<16xi32>
        %parallel_loop3A_1194 = arith.constant 16 : i32
        %parallel_loop3A_1195 = vector.broadcast %parallel_loop3A_1194 : i32 to vector<16xi32>
        %parallel_loop3A_1196 = arith.addi %select_n3A_96, %parallel_loop3A_1195 : vector<16xi32>
        %parallel_loop3A_1197 = arith.select %parallel_loop3A_1193, %parallel_loop3A_1196, %select_n3A_96 : vector<16xi1>, vector<16xi32>
        %parallel_loop3A_1198 = vector.shape_cast %parallel_loop3A_1197 : vector<16xi32> to vector<16x1xi32>
        %parallel_loop3A_1199 = vector.shape_cast %parallel_loop3A_1198 : vector<16x1xi32> to vector<16xi32>
        %parallel_loop3A_1200 = tpu.dynamic_gather %parallel_loop3A_1160[%parallel_loop3A_1199] in [0] : vector<16xi32>, vector<16xi32> -> vector<16xi32>
        %parallel_loop3A_1201 = arith.addi %parallel_loop3A_1200, %add3A_487 : vector<16xi32>
        %parallel_loop3A_1202 = tpu.vector_load_idx %arg5[%parallel_loop3A_1201] : memref<9600xf32, #tpu.memory_space<vmem>>[vector<16xi32>], vector<16xf32>,
        %parallel_loop3A_1203 = vector.broadcast %parallel_loop3A_1162 : i32 to vector<16xi32>
        %parallel_loop3A_1204 = arith.addi %select_n3A_96, %parallel_loop3A_1203 : vector<16xi32>
        tpu.vector_store_idx %arg9[%parallel_loop3A_1204, %select_n3A_823], %parallel_loop3A_1202 : memref<2560x12xf32, #tpu.memory_space<vmem>>[vector<16xi32>, vector<16xi32>], vector<16xf32>,
        %parallel_loop3A_1205 = arith.constant 0 : i32
        %parallel_loop3A_1206 = vector.broadcast %parallel_loop3A_1205 : i32 to vector<16xi32>
        %parallel_loop3A_1207 = arith.cmpi slt, %select_n3A_130, %parallel_loop3A_1206 : vector<16xi32>
        %parallel_loop3A_1208 = arith.constant 16 : i32
        %parallel_loop3A_1209 = vector.broadcast %parallel_loop3A_1208 : i32 to vector<16xi32>
        %parallel_loop3A_1210 = arith.addi %select_n3A_130, %parallel_loop3A_1209 : vector<16xi32>
        %parallel_loop3A_1211 = arith.select %parallel_loop3A_1207, %parallel_loop3A_1210, %select_n3A_130 : vector<16xi1>, vector<16xi32>
        %parallel_loop3A_1212 = vector.shape_cast %parallel_loop3A_1211 : vector<16xi32> to vector<16x1xi32>
        %parallel_loop3A_1213 = vector.shape_cast %parallel_loop3A_1212 : vector<16x1xi32> to vector<16xi32>
        %parallel_loop3A_1214 = tpu.dynamic_gather %parallel_loop3A_1160[%parallel_loop3A_1213] in [0] : vector<16xi32>, vector<16xi32> -> vector<16xi32>
        %parallel_loop3A_1215 = arith.addi %parallel_loop3A_1214, %add3A_516 : vector<16xi32>
        %parallel_loop3A_1216 = tpu.vector_load_idx %arg5[%parallel_loop3A_1215] : memref<9600xf32, #tpu.memory_space<vmem>>[vector<16xi32>], vector<16xf32>,
        %parallel_loop3A_1217 = vector.broadcast %parallel_loop3A_1162 : i32 to vector<16xi32>
        %parallel_loop3A_1218 = arith.addi %select_n3A_130, %parallel_loop3A_1217 : vector<16xi32>
        tpu.vector_store_idx %arg9[%parallel_loop3A_1218, %select_n3A_848], %parallel_loop3A_1216 : memref<2560x12xf32, #tpu.memory_space<vmem>>[vector<16xi32>, vector<16xi32>], vector<16xf32>,
        %parallel_loop3A_1219 = arith.constant 0 : i32
        %parallel_loop3A_1220 = vector.broadcast %parallel_loop3A_1219 : i32 to vector<16xi32>
        %parallel_loop3A_1221 = arith.cmpi slt, %select_n3A_164, %parallel_loop3A_1220 : vector<16xi32>
        %parallel_loop3A_1222 = arith.constant 16 : i32
        %parallel_loop3A_1223 = vector.broadcast %parallel_loop3A_1222 : i32 to vector<16xi32>
        %parallel_loop3A_1224 = arith.addi %select_n3A_164, %parallel_loop3A_1223 : vector<16xi32>
        %parallel_loop3A_1225 = arith.select %parallel_loop3A_1221, %parallel_loop3A_1224, %select_n3A_164 : vector<16xi1>, vector<16xi32>
        %parallel_loop3A_1226 = vector.shape_cast %parallel_loop3A_1225 : vector<16xi32> to vector<16x1xi32>
        %parallel_loop3A_1227 = vector.shape_cast %parallel_loop3A_1226 : vector<16x1xi32> to vector<16xi32>
        %parallel_loop3A_1228 = tpu.dynamic_gather %parallel_loop3A_1160[%parallel_loop3A_1227] in [0] : vector<16xi32>, vector<16xi32> -> vector<16xi32>
        %parallel_loop3A_1229 = arith.addi %parallel_loop3A_1228, %add3A_545 : vector<16xi32>
        %parallel_loop3A_1230 = tpu.vector_load_idx %arg5[%parallel_loop3A_1229] : memref<9600xf32, #tpu.memory_space<vmem>>[vector<16xi32>], vector<16xf32>,
        %parallel_loop3A_1231 = vector.broadcast %parallel_loop3A_1162 : i32 to vector<16xi32>
        %parallel_loop3A_1232 = arith.addi %select_n3A_164, %parallel_loop3A_1231 : vector<16xi32>
        tpu.vector_store_idx %arg9[%parallel_loop3A_1232, %select_n3A_873], %parallel_loop3A_1230 : memref<2560x12xf32, #tpu.memory_space<vmem>>[vector<16xi32>, vector<16xi32>], vector<16xf32>,
        %parallel_loop3A_1233 = arith.constant 0 : i32
        %parallel_loop3A_1234 = vector.broadcast %parallel_loop3A_1233 : i32 to vector<16xi32>
        %parallel_loop3A_1235 = arith.cmpi slt, %select_n3A_198, %parallel_loop3A_1234 : vector<16xi32>
        %parallel_loop3A_1236 = arith.constant 16 : i32
        %parallel_loop3A_1237 = vector.broadcast %parallel_loop3A_1236 : i32 to vector<16xi32>
        %parallel_loop3A_1238 = arith.addi %select_n3A_198, %parallel_loop3A_1237 : vector<16xi32>
        %parallel_loop3A_1239 = arith.select %parallel_loop3A_1235, %parallel_loop3A_1238, %select_n3A_198 : vector<16xi1>, vector<16xi32>
        %parallel_loop3A_1240 = vector.shape_cast %parallel_loop3A_1239 : vector<16xi32> to vector<16x1xi32>
        %parallel_loop3A_1241 = vector.shape_cast %parallel_loop3A_1240 : vector<16x1xi32> to vector<16xi32>
        %parallel_loop3A_1242 = tpu.dynamic_gather %parallel_loop3A_1160[%parallel_loop3A_1241] in [0] : vector<16xi32>, vector<16xi32> -> vector<16xi32>
        %parallel_loop3A_1243 = arith.addi %parallel_loop3A_1242, %add3A_574 : vector<16xi32>
        %parallel_loop3A_1244 = tpu.vector_load_idx %arg5[%parallel_loop3A_1243] : memref<9600xf32, #tpu.memory_space<vmem>>[vector<16xi32>], vector<16xf32>,
        %parallel_loop3A_1245 = vector.broadcast %parallel_loop3A_1162 : i32 to vector<16xi32>
        %parallel_loop3A_1246 = arith.addi %select_n3A_198, %parallel_loop3A_1245 : vector<16xi32>
        tpu.vector_store_idx %arg9[%parallel_loop3A_1246, %select_n3A_898], %parallel_loop3A_1244 : memref<2560x12xf32, #tpu.memory_space<vmem>>[vector<16xi32>, vector<16xi32>], vector<16xf32>,
        %parallel_loop3A_1247 = arith.constant 0 : i32
        %parallel_loop3A_1248 = vector.broadcast %parallel_loop3A_1247 : i32 to vector<16xi32>
        %parallel_loop3A_1249 = arith.cmpi slt, %select_n3A_232, %parallel_loop3A_1248 : vector<16xi32>
        %parallel_loop3A_1250 = arith.constant 16 : i32
        %parallel_loop3A_1251 = vector.broadcast %parallel_loop3A_1250 : i32 to vector<16xi32>
        %parallel_loop3A_1252 = arith.addi %select_n3A_232, %parallel_loop3A_1251 : vector<16xi32>
        %parallel_loop3A_1253 = arith.select %parallel_loop3A_1249, %parallel_loop3A_1252, %select_n3A_232 : vector<16xi1>, vector<16xi32>
        %parallel_loop3A_1254 = vector.shape_cast %parallel_loop3A_1253 : vector<16xi32> to vector<16x1xi32>
        %parallel_loop3A_1255 = vector.shape_cast %parallel_loop3A_1254 : vector<16x1xi32> to vector<16xi32>
        %parallel_loop3A_1256 = tpu.dynamic_gather %parallel_loop3A_1160[%parallel_loop3A_1255] in [0] : vector<16xi32>, vector<16xi32> -> vector<16xi32>
        %parallel_loop3A_1257 = arith.addi %parallel_loop3A_1256, %add3A_603 : vector<16xi32>
        %parallel_loop3A_1258 = tpu.vector_load_idx %arg5[%parallel_loop3A_1257] : memref<9600xf32, #tpu.memory_space<vmem>>[vector<16xi32>], vector<16xf32>,
        %parallel_loop3A_1259 = vector.broadcast %parallel_loop3A_1162 : i32 to vector<16xi32>
        %parallel_loop3A_1260 = arith.addi %select_n3A_232, %parallel_loop3A_1259 : vector<16xi32>
        tpu.vector_store_idx %arg9[%parallel_loop3A_1260, %select_n3A_923], %parallel_loop3A_1258 : memref<2560x12xf32, #tpu.memory_space<vmem>>[vector<16xi32>, vector<16xi32>], vector<16xf32>,
        %parallel_loop3A_1261 = arith.constant 0 : i32
        %parallel_loop3A_1262 = vector.broadcast %parallel_loop3A_1261 : i32 to vector<16xi32>
        %parallel_loop3A_1263 = arith.cmpi slt, %select_n3A_266, %parallel_loop3A_1262 : vector<16xi32>
        %parallel_loop3A_1264 = arith.constant 16 : i32
        %parallel_loop3A_1265 = vector.broadcast %parallel_loop3A_1264 : i32 to vector<16xi32>
        %parallel_loop3A_1266 = arith.addi %select_n3A_266, %parallel_loop3A_1265 : vector<16xi32>
        %parallel_loop3A_1267 = arith.select %parallel_loop3A_1263, %parallel_loop3A_1266, %select_n3A_266 : vector<16xi1>, vector<16xi32>
        %parallel_loop3A_1268 = vector.shape_cast %parallel_loop3A_1267 : vector<16xi32> to vector<16x1xi32>
        %parallel_loop3A_1269 = vector.shape_cast %parallel_loop3A_1268 : vector<16x1xi32> to vector<16xi32>
        %parallel_loop3A_1270 = tpu.dynamic_gather %parallel_loop3A_1160[%parallel_loop3A_1269] in [0] : vector<16xi32>, vector<16xi32> -> vector<16xi32>
        %parallel_loop3A_1271 = arith.addi %parallel_loop3A_1270, %add3A_632 : vector<16xi32>
        %parallel_loop3A_1272 = tpu.vector_load_idx %arg5[%parallel_loop3A_1271] : memref<9600xf32, #tpu.memory_space<vmem>>[vector<16xi32>], vector<16xf32>,
        %parallel_loop3A_1273 = vector.broadcast %parallel_loop3A_1162 : i32 to vector<16xi32>
        %parallel_loop3A_1274 = arith.addi %select_n3A_266, %parallel_loop3A_1273 : vector<16xi32>
        tpu.vector_store_idx %arg9[%parallel_loop3A_1274, %select_n3A_948], %parallel_loop3A_1272 : memref<2560x12xf32, #tpu.memory_space<vmem>>[vector<16xi32>, vector<16xi32>], vector<16xf32>,
        %parallel_loop3A_1275 = arith.constant 0 : i32
        %parallel_loop3A_1276 = vector.broadcast %parallel_loop3A_1275 : i32 to vector<16xi32>
        %parallel_loop3A_1277 = arith.cmpi slt, %select_n3A_300, %parallel_loop3A_1276 : vector<16xi32>
        %parallel_loop3A_1278 = arith.constant 16 : i32
        %parallel_loop3A_1279 = vector.broadcast %parallel_loop3A_1278 : i32 to vector<16xi32>
        %parallel_loop3A_1280 = arith.addi %select_n3A_300, %parallel_loop3A_1279 : vector<16xi32>
        %parallel_loop3A_1281 = arith.select %parallel_loop3A_1277, %parallel_loop3A_1280, %select_n3A_300 : vector<16xi1>, vector<16xi32>
        %parallel_loop3A_1282 = vector.shape_cast %parallel_loop3A_1281 : vector<16xi32> to vector<16x1xi32>
        %parallel_loop3A_1283 = vector.shape_cast %parallel_loop3A_1282 : vector<16x1xi32> to vector<16xi32>
        %parallel_loop3A_1284 = tpu.dynamic_gather %parallel_loop3A_1160[%parallel_loop3A_1283] in [0] : vector<16xi32>, vector<16xi32> -> vector<16xi32>
        %parallel_loop3A_1285 = arith.addi %parallel_loop3A_1284, %add3A_661 : vector<16xi32>
        %parallel_loop3A_1286 = tpu.vector_load_idx %arg5[%parallel_loop3A_1285] : memref<9600xf32, #tpu.memory_space<vmem>>[vector<16xi32>], vector<16xf32>,
        %parallel_loop3A_1287 = vector.broadcast %parallel_loop3A_1162 : i32 to vector<16xi32>
        %parallel_loop3A_1288 = arith.addi %select_n3A_300, %parallel_loop3A_1287 : vector<16xi32>
        tpu.vector_store_idx %arg9[%parallel_loop3A_1288, %select_n3A_973], %parallel_loop3A_1286 : memref<2560x12xf32, #tpu.memory_space<vmem>>[vector<16xi32>, vector<16xi32>], vector<16xf32>,
        %parallel_loop3A_1289 = arith.constant 0 : i32
        %parallel_loop3A_1290 = vector.broadcast %parallel_loop3A_1289 : i32 to vector<16xi32>
        %parallel_loop3A_1291 = arith.cmpi slt, %select_n3A_334, %parallel_loop3A_1290 : vector<16xi32>
        %parallel_loop3A_1292 = arith.constant 16 : i32
        %parallel_loop3A_1293 = vector.broadcast %parallel_loop3A_1292 : i32 to vector<16xi32>
        %parallel_loop3A_1294 = arith.addi %select_n3A_334, %parallel_loop3A_1293 : vector<16xi32>
        %parallel_loop3A_1295 = arith.select %parallel_loop3A_1291, %parallel_loop3A_1294, %select_n3A_334 : vector<16xi1>, vector<16xi32>
        %parallel_loop3A_1296 = vector.shape_cast %parallel_loop3A_1295 : vector<16xi32> to vector<16x1xi32>
        %parallel_loop3A_1297 = vector.shape_cast %parallel_loop3A_1296 : vector<16x1xi32> to vector<16xi32>
        %parallel_loop3A_1298 = tpu.dynamic_gather %parallel_loop3A_1160[%parallel_loop3A_1297] in [0] : vector<16xi32>, vector<16xi32> -> vector<16xi32>
        %parallel_loop3A_1299 = arith.addi %parallel_loop3A_1298, %add3A_690 : vector<16xi32>
        %parallel_loop3A_1300 = tpu.vector_load_idx %arg5[%parallel_loop3A_1299] : memref<9600xf32, #tpu.memory_space<vmem>>[vector<16xi32>], vector<16xf32>,
        %parallel_loop3A_1301 = vector.broadcast %parallel_loop3A_1162 : i32 to vector<16xi32>
        %parallel_loop3A_1302 = arith.addi %select_n3A_334, %parallel_loop3A_1301 : vector<16xi32>
        tpu.vector_store_idx %arg9[%parallel_loop3A_1302, %select_n3A_998], %parallel_loop3A_1300 : memref<2560x12xf32, #tpu.memory_space<vmem>>[vector<16xi32>, vector<16xi32>], vector<16xf32>,
        %parallel_loop3A_1303 = arith.constant 0 : i32
        %parallel_loop3A_1304 = vector.broadcast %parallel_loop3A_1303 : i32 to vector<16xi32>
        %parallel_loop3A_1305 = arith.cmpi slt, %select_n3A_368, %parallel_loop3A_1304 : vector<16xi32>
        %parallel_loop3A_1306 = arith.constant 16 : i32
        %parallel_loop3A_1307 = vector.broadcast %parallel_loop3A_1306 : i32 to vector<16xi32>
        %parallel_loop3A_1308 = arith.addi %select_n3A_368, %parallel_loop3A_1307 : vector<16xi32>
        %parallel_loop3A_1309 = arith.select %parallel_loop3A_1305, %parallel_loop3A_1308, %select_n3A_368 : vector<16xi1>, vector<16xi32>
        %parallel_loop3A_1310 = vector.shape_cast %parallel_loop3A_1309 : vector<16xi32> to vector<16x1xi32>
        %parallel_loop3A_1311 = vector.shape_cast %parallel_loop3A_1310 : vector<16x1xi32> to vector<16xi32>
        %parallel_loop3A_1312 = tpu.dynamic_gather %parallel_loop3A_1160[%parallel_loop3A_1311] in [0] : vector<16xi32>, vector<16xi32> -> vector<16xi32>
        %parallel_loop3A_1313 = arith.addi %parallel_loop3A_1312, %add3A_719 : vector<16xi32>
        %parallel_loop3A_1314 = tpu.vector_load_idx %arg5[%parallel_loop3A_1313] : memref<9600xf32, #tpu.memory_space<vmem>>[vector<16xi32>], vector<16xf32>,
        %parallel_loop3A_1315 = vector.broadcast %parallel_loop3A_1162 : i32 to vector<16xi32>
        %parallel_loop3A_1316 = arith.addi %select_n3A_368, %parallel_loop3A_1315 : vector<16xi32>
        tpu.vector_store_idx %arg9[%parallel_loop3A_1316, %select_n3A_1023], %parallel_loop3A_1314 : memref<2560x12xf32, #tpu.memory_space<vmem>>[vector<16xi32>, vector<16xi32>], vector<16xf32>,
        %parallel_loop3A_1317 = arith.constant 0 : i32
        %parallel_loop3A_1318 = vector.broadcast %parallel_loop3A_1317 : i32 to vector<16xi32>
        %parallel_loop3A_1319 = arith.cmpi slt, %select_n3A_402, %parallel_loop3A_1318 : vector<16xi32>
        %parallel_loop3A_1320 = arith.constant 16 : i32
        %parallel_loop3A_1321 = vector.broadcast %parallel_loop3A_1320 : i32 to vector<16xi32>
        %parallel_loop3A_1322 = arith.addi %select_n3A_402, %parallel_loop3A_1321 : vector<16xi32>
        %parallel_loop3A_1323 = arith.select %parallel_loop3A_1319, %parallel_loop3A_1322, %select_n3A_402 : vector<16xi1>, vector<16xi32>
        %parallel_loop3A_1324 = vector.shape_cast %parallel_loop3A_1323 : vector<16xi32> to vector<16x1xi32>
        %parallel_loop3A_1325 = vector.shape_cast %parallel_loop3A_1324 : vector<16x1xi32> to vector<16xi32>
        %parallel_loop3A_1326 = tpu.dynamic_gather %parallel_loop3A_1160[%parallel_loop3A_1325] in [0] : vector<16xi32>, vector<16xi32> -> vector<16xi32>
        %parallel_loop3A_1327 = arith.addi %parallel_loop3A_1326, %add3A_748 : vector<16xi32>
        %parallel_loop3A_1328 = tpu.vector_load_idx %arg5[%parallel_loop3A_1327] : memref<9600xf32, #tpu.memory_space<vmem>>[vector<16xi32>], vector<16xf32>,
        %parallel_loop3A_1329 = vector.broadcast %parallel_loop3A_1162 : i32 to vector<16xi32>
        %parallel_loop3A_1330 = arith.addi %select_n3A_402, %parallel_loop3A_1329 : vector<16xi32>
        tpu.vector_store_idx %arg9[%parallel_loop3A_1330, %select_n3A_1048], %parallel_loop3A_1328 : memref<2560x12xf32, #tpu.memory_space<vmem>>[vector<16xi32>, vector<16xi32>], vector<16xf32>,
      } {sc.loop_unroll_factor = 2 : i64, sc.parallel_access}
      %mul3A_1135 = arith.constant 2560 : i32
      %mul3A_1136 = arith.muli %add3A_1122, %mul3A_1135 : i32
      %add3A_1137 = arith.addi %mul3A_2, %mul3A_1136 : i32
      %multiple_of3A_1138 = tpu.assume_multiple %add3A_1137, 8 : i32
      %dma_start3A_1139 = arith.constant 0 : i32
      %dma_start3A_1140 = tpu.memref_slice %arg4[%multiple_of3A_1138, %dma_start3A_1139] : memref<3276800x12xf32, #tpu.memory_space<hbm>> -> memref<2560x12xf32, #tpu.memory_space<hbm>>
      %dma_start3A_1141 = arith.constant 0 : i32
      %dma_start3A_1142 = tpu.memref_slice %arg4[%multiple_of3A_1138, %dma_start3A_1141] : memref<3276800x12xf32, #tpu.memory_space<hbm>> -> memref<2560x12xf32, #tpu.memory_space<hbm>>
      tpu.enqueue_dma source(%arg9 : memref<2560x12xf32, #tpu.memory_space<vmem>>) target(%dma_start3A_1142 : memref<2560x12xf32, #tpu.memory_space<hbm>>) target_semaphore(%arg14 : memref<!tpu.dma_semaphore, #tpu.memory_space<semaphore_mem>>)
      %add3A_1143 = arith.constant 2 : i32
      %add3A_1144 = arith.addi %add3A_1122, %add3A_1143 : i32
      %min3A_1145 = arith.constant 39 : i32
      %min3A_1146 = arith.minsi %add3A_1144, %min3A_1145 : i32
      %mul3A_1147 = arith.constant 2560 : i32
      %mul3A_1148 = arith.muli %min3A_1146, %mul3A_1147 : i32
      %add3A_1149 = arith.addi %mul3A_2, %mul3A_1148 : i32
      %multiple_of3A_1150 = tpu.assume_multiple %add3A_1149, 8 : i32
      %dma_start3A_1151 = tpu.memref_slice %arg2[%multiple_of3A_1150] : memref<3276800xi32, #tpu.memory_space<hbm>> -> memref<2560xi32, #tpu.memory_space<hbm>>
      %dma_start3A_1152 = tpu.memref_slice %arg2[%multiple_of3A_1150] : memref<3276800xi32, #tpu.memory_space<hbm>> -> memref<2560xi32, #tpu.memory_space<hbm>>
      tpu.enqueue_dma source(%dma_start3A_1152 : memref<2560xi32, #tpu.memory_space<hbm>>) target(%arg7 : memref<2560xi32, #tpu.memory_space<vmem>>) target_semaphore(%arg12 : memref<!tpu.dma_semaphore, #tpu.memory_space<semaphore_mem>>)
    }
    %scan3A_1068 = arith.constant 20 : i32
    %dma_wait3A = arith.constant 0 : i32
    %dma_wait3A_1069 = arith.constant 0 : i32
    %dma_wait3A_1070 = tpu.memref_slice %arg4[%dma_wait3A, %dma_wait3A_1069] : memref<3276800x12xf32, #tpu.memory_space<hbm>> -> memref<2560x12xf32, #tpu.memory_space<hbm>>
    %dma_wait3A_1071 = arith.constant 0 : i32
    %dma_wait3A_1072 = arith.constant 0 : i32
    %dma_wait3A_1073 = tpu.memref_slice %arg4[%dma_wait3A_1071, %dma_wait3A_1072] : memref<3276800x12xf32, #tpu.memory_space<hbm>> -> memref<2560x12xf32, #tpu.memory_space<hbm>>
    tpu.wait_dma2 semaphore(%arg13 : memref<!tpu.dma_semaphore, #tpu.memory_space<semaphore_mem>>) src(%arg8 : memref<2560x12xf32, #tpu.memory_space<vmem>>) dst(%dma_wait3A_1073 : memref<2560x12xf32, #tpu.memory_space<hbm>>)
    %dma_wait3A_1074 = arith.constant 0 : i32
    %dma_wait3A_1075 = tpu.memref_slice %arg2[%dma_wait3A_1074] : memref<3276800xi32, #tpu.memory_space<hbm>> -> memref<2560xi32, #tpu.memory_space<hbm>>
    %dma_wait3A_1076 = arith.constant 0 : i32
    %dma_wait3A_1077 = tpu.memref_slice %arg2[%dma_wait3A_1076] : memref<3276800xi32, #tpu.memory_space<hbm>> -> memref<2560xi32, #tpu.memory_space<hbm>>
    tpu.wait_dma2 semaphore(%arg11 : memref<!tpu.dma_semaphore, #tpu.memory_space<semaphore_mem>>) src(%dma_wait3A_1077 : memref<2560xi32, #tpu.memory_space<hbm>>) dst(%arg6 : memref<2560xi32, #tpu.memory_space<vmem>>)
    %dma_wait3A_1078 = arith.constant 0 : i32
    %dma_wait3A_1079 = arith.constant 0 : i32
    %dma_wait3A_1080 = tpu.memref_slice %arg4[%dma_wait3A_1078, %dma_wait3A_1079] : memref<3276800x12xf32, #tpu.memory_space<hbm>> -> memref<2560x12xf32, #tpu.memory_space<hbm>>
    %dma_wait3A_1081 = arith.constant 0 : i32
    %dma_wait3A_1082 = arith.constant 0 : i32
    %dma_wait3A_1083 = tpu.memref_slice %arg4[%dma_wait3A_1081, %dma_wait3A_1082] : memref<3276800x12xf32, #tpu.memory_space<hbm>> -> memref<2560x12xf32, #tpu.memory_space<hbm>>
    tpu.wait_dma2 semaphore(%arg14 : memref<!tpu.dma_semaphore, #tpu.memory_space<semaphore_mem>>) src(%arg9 : memref<2560x12xf32, #tpu.memory_space<vmem>>) dst(%dma_wait3A_1083 : memref<2560x12xf32, #tpu.memory_space<hbm>>)
    %dma_wait3A_1084 = arith.constant 0 : i32
    %dma_wait3A_1085 = tpu.memref_slice %arg2[%dma_wait3A_1084] : memref<3276800xi32, #tpu.memory_space<hbm>> -> memref<2560xi32, #tpu.memory_space<hbm>>
    %dma_wait3A_1086 = arith.constant 0 : i32
    %dma_wait3A_1087 = tpu.memref_slice %arg2[%dma_wait3A_1086] : memref<3276800xi32, #tpu.memory_space<hbm>> -> memref<2560xi32, #tpu.memory_space<hbm>>
    tpu.wait_dma2 semaphore(%arg12 : memref<!tpu.dma_semaphore, #tpu.memory_space<semaphore_mem>>) src(%dma_wait3A_1087 : memref<2560xi32, #tpu.memory_space<hbm>>) dst(%arg7 : memref<2560xi32, #tpu.memory_space<vmem>>)
    return
  }
}

module attributes {stable_mosaic.version = 14 : i64} {
  func.func @_linear_body(%arg0: i32, %arg1: memref<2048x5xf32, #tpu.memory_space<vmem>>, %arg2: memref<5x5xf32, #tpu.memory_space<vmem>>, %arg3: memref<1x5xf32, #tpu.memory_space<vmem>>, %arg4: memref<2048x5xf32, #tpu.memory_space<vmem>>) attributes {dimension_semantics = [#tpu.dimension_semantics<arbitrary>], iteration_bounds = array<i64: 8>, scalar_prefetch = 0 : i64, scratch_operands = 0 : i64, tpu.core_type = #tpu.core_type<tc>, window_params = [{transform_indices = @transform_0, window_bounds = array<i64: 2048, 5>}, {pipeline_mode = #tpu.pipeline_mode<synchronous>, transform_indices = @transform_1, window_bounds = array<i64: 5, 5>}, {pipeline_mode = #tpu.pipeline_mode<synchronous>, transform_indices = @transform_2, window_bounds = array<i64: 1, 5>}, {transform_indices = @transform_3, window_bounds = array<i64: 2048, 5>}]} {
    %get3A = arith.constant 0 : index
    %get3A_0 = arith.constant 0 : index
    %get3A_1 = vector.load %arg1[%get3A, %get3A_0] : memref<2048x5xf32, #tpu.memory_space<vmem>>, vector<2048x5xf32>
    %get3A_2 = arith.constant 0 : index
    %get3A_3 = arith.constant 0 : index
    %get3A_4 = vector.load %arg2[%get3A_2, %get3A_3] : memref<5x5xf32, #tpu.memory_space<vmem>>, vector<5x5xf32>
    %dot_general3A = arith.constant dense<0.000000e+00> : vector<2048x5xf32>
    %dot_general3A_5 = tpu.matmul %get3A_1, %get3A_4, %dot_general3A {dimension_numbers = #tpu.dot_dimension_numbers<[1], [0], [0], [1], [0, 0, 1, 1], [], []>, transpose_lhs_hint = false} : vector<2048x5xf32>, vector<5x5xf32>, vector<2048x5xf32> -> vector<2048x5xf32>
    %get3A_6 = arith.constant 0 : index
    %get3A_7 = arith.constant 0 : index
    %get3A_8 = vector.load %arg3[%get3A_6, %get3A_7] : memref<1x5xf32, #tpu.memory_space<vmem>>, vector<1x5xf32>
    %add3A = vector.broadcast %get3A_8 : vector<1x5xf32> to vector<2048x5xf32>
    %add3A_9 = arith.addf %dot_general3A_5, %add3A : vector<2048x5xf32>
    %swap3A = arith.constant 0 : index
    %swap3A_10 = arith.constant 0 : index
    %swap3A_11 = vector.load %arg4[%swap3A, %swap3A_10] : memref<2048x5xf32, #tpu.memory_space<vmem>>, vector<2048x5xf32>
    tpu.vector_store %arg4[%swap3A, %swap3A_10], %add3A_9 {strides = array<i32>} : memref<2048x5xf32, #tpu.memory_space<vmem>>, vector<2048x5xf32>,
    return
  }
  func.func @transform_0(%arg0: i32) -> (i32, i32) {
    %c0_i32 = arith.constant 0 : i32
    %c0_i32_0 = arith.constant 0 : i32
    return %arg0, %c0_i32 : i32, i32
  }
  func.func @transform_1(%arg0: i32) -> (i32, i32) {
    %c0_i32 = arith.constant 0 : i32
    %c0_i32_0 = arith.constant 0 : i32
    %c0_i32_1 = arith.constant 0 : i32
    return %c0_i32, %c0_i32_0 : i32, i32
  }
  func.func @transform_2(%arg0: i32) -> (i32, i32) {
    %c0_i32 = arith.constant 0 : i32
    %c0_i32_0 = arith.constant 0 : i32
    %c0_i32_1 = arith.constant 0 : i32
    return %c0_i32, %c0_i32_0 : i32, i32
  }
  func.func @transform_3(%arg0: i32) -> (i32, i32) {
    %c0_i32 = arith.constant 0 : i32
    %c0_i32_0 = arith.constant 0 : i32
    return %arg0, %c0_i32 : i32, i32
  }
}

</mosaic_0001>

<sc_bundles>
// kernel: kernel.4.cloned.1.call-start
scs
__scs_entry_jumppad:
0x0: {  	(pc) =	sbr.rel $0x88, $3  }
0x1: {  	(tag) =	ssettag $0x0;
	lr =	simm.s32 $0x1  }
0x2: {  	[smem:$0x3F9C] =	sst lr;
	_ =	strace $0xD0000000  }
0x3: {  	_ = 	snop  }
0x4: {  	_ = 	snop  }
0x5: {  	_ = 	snop  }
0x6: {  	_ = 	snop  }
0x7: {  	_ = 	snop  }
__scs_overlays_trampoline_lowered:
0x8: {  	[smem:$0x3FAB] =	sst s0  }
0x9: {  	[smem:$0x3FAC] =	sst s1  }
0xa: {  	[smem:$0x3FAD] =	sst s2  }
0xb: {  	[smem:$0x3FAE] =	sst s3  }
0xc: {  	[smem:$0x3FAF] =	sst s4  }
0xd: {  	[smem:$0x3FB0] =	sst s5  }
0xe: {  	[smem:$0x3FB1] =	sst s6  }
0xf: {  	[smem:$0x3FB2] =	sst s7  }
0x10: {  	[smem:$0x3FB3] =	sst s8  }
0x11: {  	[smem:$0x3FB4] =	sst s9;
	s0 =	simm.s32 @!p0 $0x0  }
0x12: {  	s1 =	sld [smem:$0x3F9A];
	s0 =	simm.s32 @p0 $0x1  }
0x13: {  	[smem:$0x3FB5] =	sst s0;
	s0 =	simm.s32 @!p1 $0x0  }
0x14: {  	s2 =	sld [smem:$0x3F99];
	s0 =	simm.s32 @p1 $0x1  }
0x15: {  	[smem:$0x3FB6] =	sst s0;
	s0 =	simm.s32 @!p2 $0x0  }
0x16: {  	s3 =	sld [smem:$0x3FDB];
	s0 =	simm.s32 @p2 $0x1  }
0x17: {  	s4 =	simm.s32 $0x1BF5;
	[smem:$0x3FB8] =	sst s0  }
0x18: {  	s0 =	sld [smem:$0x3F9B];
	_ =	swait.ge [sflag:s4], $0x0  }
0x19: {  	s7 =	sld [smem:$0x3F9C]  }
0x1a: {  	s8 =	sadd.s32 $0xFFFFE003, lr  }
0x1b: {  	s9 =	sadd.s32 $0xFFFFFEF7, lr;
	s5 =	simm.s32 $0xFFFFFFFF;
	p2 =	slt.u32 s8, $0xFFFFF086  }
0x1c: {  	p1 =	slt.u32 s9, $0xF7A;
	s5 =	simm.s32 @!p2 $0x0  }
0x1d: {  	s5 =	simm.s32 @p1 $0x1;
	p0 =	seq.s32 s7, s2  }
0x1e: {  	s7 =	smul.u32 @!p0 $0xF7A, s2;
	p2 =	seq.s32 @!p0 s5, $0x0  }
0x1f: {  	s9 =	smul.u32 $0xF7A, s1;
	s8 =	simm.s32 @!p0 $0x1BF5;
	p2 =	por !p2, p0  }
0x20: {  	[sflag:s8] =	ssyncset.s32 @!p0 $0xFFFFF086;
	s6 =	sadd.s32 @!p0 s3, s7;
	s7 =	simm.s32 @!p0 $0x108  }
0x21: {  	s3 =	sadd.s32 s3, s9;
	s6 =	sadd.s32 @!p0 $0x88, s6;
	s7 =	simm.s32 @p2 $0x1082  }
0x22: {  	[simem:s7], [sflag:s8] =	dma.local @!p0 [hbm:s6], $0xF7A  }
0x23: {  	s9 =	sor.u32 $0xD0000000, s2;
	s6 =	simm.s32 $0x108;
	_ =	swait.ge @!p0 [sflag:s8], $0x0  }
0x24: {  	s3 =	sadd.s32 $0x88, s3;
	s6 =	simm.s32 @!p1 $0x1082;
	[sflag:s4] =	ssyncset.s32 $0xFFFFF086  }
0x25: {  	[simem:s6], [sflag:s4] =	dma.local [hbm:s3], $0xF7A  }
0x26: {  	[smem:$0x3F9C] =	sst s1;
	(tag) =	ssettag s2;
	_ =	strace s9  }
0x27: {  	s1 =	sld [smem:$0x3FAC]  }
0x28: {  	s2 =	sld [smem:$0x3FAD]  }
0x29: {  	s4 =	sld [smem:$0x3FAF]  }
0x2a: {  	p0 =	seq.s32 s5, $0x0;
	s5 =	sld [smem:$0x3FB0]  }
0x2b: {  	s6 =	sld [smem:$0x3FB1]  }
0x2c: {  	s7 =	sld [smem:$0x3FB2]  }
0x2d: {  	s3 =	simm.s32 $0x108;
	s8 =	sld [smem:$0x3FB3]  }
0x2e: {  	s3 =	simm.s32 @!p0 $0x1082;
	s9 =	sld [smem:$0x3FB4]  }
0x2f: {  	lr =	sadd.s32 s0, s3;
	s0 =	sld [smem:$0x3FAB]  }
0x30: {  	s3 =	sld [smem:$0x3FAE]  }
0x31: {  	[smem:$0x3FB7] =	sst s10  }
0x32: {  	s10 =	sld [smem:$0x3FB5];
	_ =	sdelay $0x3  }
0x33: {  	p0 =	seq.s32 s10, $0x1;
	s10 =	sld [smem:$0x3FB7];
	_ =	sdelay $0x3  }
0x34: {  	[smem:$0x3FB7] =	sst s10  }
0x35: {  	s10 =	sld [smem:$0x3FB6];
	_ =	sdelay $0x3  }
0x36: {  	p1 =	seq.s32 s10, $0x1;
	s10 =	sld [smem:$0x3FB7];
	_ =	sdelay $0x3  }
0x37: {  	[smem:$0x3FB7] =	sst s10  }
0x38: {  	s10 =	sld [smem:$0x3FB8]  }
0x39: {  	_ = 	snop;
	(pc) =	sbr.ind lr, $3  }
0x3a: {  	_ = 	snop  }
0x3b: {  	_ = 	snop  }
0x3c: {  	p2 =	seq.s32 s10, $0x1;
	s10 =	sld [smem:$0x3FB7]  }
0x3d: {  	_ =	shalt  }
0x3e: {  	_ =	shalt  }
0x3f: {  	_ =	shalt  }
0x40: {  	_ =	shalt  }
0x41: {  	_ =	shalt  }
0x42: {  	_ =	shalt  }
0x43: {  	_ =	shalt  }
0x44: {  	_ =	shalt  }
0x45: {  	_ =	shalt  }
0x46: {  	_ =	shalt  }
0x47: {  	_ =	shalt  }
0x48: {  	_ =	shalt  }
0x49: {  	_ =	shalt  }
0x4a: {  	_ =	shalt  }
0x4b: {  	_ =	shalt  }
0x4c: {  	_ =	shalt  }
0x4d: {  	_ =	shalt  }
0x4e: {  	_ =	shalt  }
0x4f: {  	_ =	shalt  }
0x50: {  	_ =	shalt  }
0x51: {  	_ =	shalt  }
0x52: {  	_ =	shalt  }
0x53: {  	_ =	shalt  }
0x54: {  	_ =	shalt  }
0x55: {  	_ =	shalt  }
0x56: {  	_ =	shalt  }
0x57: {  	_ =	shalt  }
0x58: {  	_ =	shalt  }
0x59: {  	_ =	shalt  }
0x5a: {  	_ =	shalt  }
0x5b: {  	_ =	shalt  }
0x5c: {  	_ =	shalt  }
0x5d: {  	_ =	shalt  }
0x5e: {  	_ =	shalt  }
0x5f: {  	_ =	shalt  }
0x60: {  	_ =	shalt  }
0x61: {  	_ =	shalt  }
0x62: {  	_ =	shalt  }
0x63: {  	_ =	shalt  }
0x64: {  	_ =	shalt  }
0x65: {  	_ =	shalt  }
0x66: {  	_ =	shalt  }
0x67: {  	_ =	shalt  }
0x68: {  	_ =	shalt  }
0x69: {  	_ =	shalt  }
0x6a: {  	_ =	shalt  }
0x6b: {  	_ =	shalt  }
0x6c: {  	_ =	shalt  }
0x6d: {  	_ =	shalt  }
0x6e: {  	_ =	shalt  }
0x6f: {  	_ =	shalt  }
0x70: {  	_ =	shalt  }
0x71: {  	_ =	shalt  }
0x72: {  	_ =	shalt  }
0x73: {  	_ =	shalt  }
0x74: {  	_ =	shalt  }
0x75: {  	_ =	shalt  }
0x76: {  	_ =	shalt  }
0x77: {  	_ =	shalt  }
0x78: {  	_ =	shalt  }
0x79: {  	_ =	shalt  }
0x7a: {  	_ =	shalt  }
0x7b: {  	_ =	shalt  }
0x7c: {  	_ =	shalt  }
0x7d: {  	_ =	shalt  }
0x7e: {  	_ =	shalt  }
0x7f: {  	_ =	shalt  }
0x80: {  	_ =	shalt  }
0x81: {  	_ =	shalt  }
0x82: {  	_ =	shalt  }
0x83: {  	_ =	shalt  }
0x84: {  	_ =	shalt  }
0x85: {  	_ =	shalt  }
0x86: {  	_ =	shalt  }
0x87: {  	_ =	shalt  }
.Lfunc_end0:
.L_simem_size_0:
called_computation.1_lowered:
.L_overlay_start_0:
0x88: {  	s2 =	sld [smem:$0x3FD9]  }
0x89: {  	s3 =	sld [smem:$0x3FFE];
	_ =	sdelay $0x1  }
0x8a: {  	s1 =	srdreg.scid  }
0x8b: {  	s0 =	sand.u32 $0x1, s1  }
0x8c: {  	s14 =	sshll.u32 s0, $0xA;
	s2 =	sadd.s32 s3, s2  }
0x8d: {  	s2 =	sadd.s32 s2, s14  }
0x8e: {  	[smem:$0x3FC3] =	sst s2  }
0x8f: {  	_ = 	snop  }
0x90: {  	s2 =	sld [smem:$0x3FD0];
	_ =	sdelay $0x2  }
0x91: {  	s15 =	simm.s32 $0xA;
	s4 =	simm.s32 $0x10  }
0x92: {  	[smem:s4], [sflag:s15] =	dma.local [hbm:s2], $0x1  }
0x93: {  	_ =	swait.eq [sflag:s15], $0x1  }
0x94: {  	[sflag:s15] =	ssyncset.done $0x0  }
0x95: {  	s16 =	sld [smem:$0x10];
	[sflag:s15] =	ssyncadd.s32 $0xFFFFFFFF  }
0x96: {  	s17 =	sld [smem:$0x11];
	(tm) =	ssettm $0x1  }
0x97: {  	s18 =	sld [smem:$0x3FFB];
	_ =	sdelay $0x3  }
0x98: {  	_ =	strace s18  }
0x99: {  	s4 =	sld [smem:$0x3FFC];
	_ =	sdelay $0x3  }
0x9a: {  	_ =	strace s4  }
0x9b: {  	s4 =	sld [smem:$0x3FFD];
	_ =	sdelay $0x3  }
0x9c: {  	_ =	strace s4  }
0x9d: {  	_ =	strace $0x8FFFFFFF  }
0x9e: {  	s19 =	sld [smem:$0x3FDB];
	_ =	sdelay $0x1  }
0x9f: {  	s5 =	simm.s32 $_scs_section_size  }
0xa0: {  	s6 =	simm.s32 $_size__tile_overlayer_lowered;
	s7 =	simm.s32 $_tile_overlayer_lowered  }
0xa1: {  	s22 =	simm.s32 $0x1BFF;
	s21 =	sshll.u32 s7, $0x1;
	s4 =	sadd.s32 s5, s19  }
0xa2: {  	s8 =	simm.s32 $0x0;
	s20 =	sshll.u32 s6, $0x1;
	s6 =	sadd.s32 s21, s4  }
0xa3: {  	[timem:s8], [sflag:s22] =	dma.local [hbm:s6], s20  }
0xa4: {  	_ =	swait.ge [sflag:s22], s20  }
0xa5: {  	s5 =	ssub.s32 $0x0, s20;
	[sflag:s22] =	ssyncset.done $0x0  }
0xa6: {  	[sflag:s22] =	ssyncadd.s32 s5;
	_ =	sdelay $0x1  }
0xa7: {  	s23 =	simm.s32 $0x1B8B  }
0xa8: {  	_ =	swait.ge [sflag:s23], $0x1  }
0xa9: {  	[sflag:s23] =	ssyncset.done $0x0  }
0xaa: {  	s25 =	simm.s32 $0x1B8E;
	s24 =	sld [smem:$0x3FFE];
	[sflag:s23] =	ssyncadd.s32 $0xFFFFFFFF  }
0xab: {  	s26 =	simm.s32 $execute0_lowered;
	[smem:$0x3FD2] =	sst s25  }
0xac: {  	s6 =	sshll.u32 s26, $0x1;
	_ =	strace $0x80000046;
	[dreg:$0x1] =	wrdreg $0xFFFFFFFF  }
0xad: {  	s28 =	simm.s32 $_size_execute0_lowered;
	s4 =	sadd.s32 s4, s6;
	[dreg:$0x0] =	wrdreg $0x0  }
0xae: {  	s6 =	sshll.u32 s28, $0x1;
	[dreg:$0x2] =	wrdreg s4  }
0xaf: {  	[dreg:$0x3] =	wrdreg s6  }
0xb0: {  	[dreg:$0x4] =	wrdreg $0xC0  }
0xb1: {  	_ =	task [dreg:s8], $0x5FFFF  }
0xb2: {  	[dreg:$0x1] =	wrdreg $0xFFFFFFFF  }
0xb3: {  	[dreg:$0x0] =	wrdreg $0x60  }
0xb4: {  	[dreg:$0x2] =	wrdreg s16  }
0xb5: {  	[dreg:$0x3] =	wrdreg s17  }
0xb6: {  	[dreg:$0x4] =	wrdreg s24  }
0xb7: {  	[dreg:$0x5] =	wrdreg $0x9  }
0xb8: {  	_ =	task.clear_ibuf [dreg:s8], $0x6FFFF;
	_ =	strace $0x90000046  }
0xb9: {  	s29 =	simm.s32 $0x9;
	_ =	strace $0x80000048  }
0xba: {  	_ =	swait.ge [sflag:s29], $0x1  }
0xbb: {  	[sflag:s29] =	ssyncadd.s32 $0xFFFFFFFF  }
0xbc: {  	_ =	strace $0x90000048  }
0xbd: {  	_ =	sfence  }
0xbe: {  	s30 =	sld [smem:$0x0];
	_ =	sdelay $0x2  }
0xbf: {  	s31 =	sshll.u32 s1, $0xD;
	s1 =	sshrl.u32 s1, $0x2  }
0xc0: {  	s3 =	sand.u32 $0x4000, s31;
	s1 =	sadd.s32 s1, s30  }
0xc1: {  	s0 =	sor.u32 s3, s0;
	s1 =	sshll.u32 s1, $0x11  }
0xc2: {  	s0 =	sor.u32 s1, s0  }
0xc3: {  	s0 =	sadd.s32 $0x8F2B, s0  }
0xc4: {  	[sflag:s0] =	ssyncadd.remote.s32 $0x1  }
0xc5: {  	_ =	sfence.sel $0xFFFF  }
0xc6: {  	[dreg:$0x0] =	wrdreg $0xFFFFFFFF;
	(pc) =	sbr.abs _section_cstart, $3  }
0xc7: {  	[dreg:$0x1] =	wrdreg $0xFFFFFFFF  }
0xc8: {  	_ =	task.clear_ibuf [dreg:s8], $0x2FFFF;
	_ =	strace $0x9FFFFFFF  }
0xc9: {  	(tm) =	ssettm $0x7FFFFFFF  }
tec
execute0_lowered:
.L_overlay_start_1:
0x0: {  	(tag) =	ssettag $0x1  }
0x1: {  	v0 =	vimm.s32 $0xBBAA9988;
	v1 =	vimm.s32 $0x3F2E1D0C  }
0x2: {  	v2 =	vimm.s32 $0x33221100;
	v3 =	vimm.s32 $0x77665544;
	vm2 =	vcmask $0x1F10  }
0x3: {  	vm1 =	vcmask $0x2F00;
	v42 =	vimm.s32 $0x1;
	v0 =	vunpack.c.0.s8.s32 v0  }
0x4: {  	v1 =	vunpack.c.0.s8.s32 v1;
	v2 =	vunpack.c.0.s8.s32 v2;
	v3 =	vunpack.c.0.s8.s32 v3  }
0x5: {  	v43 =	vimm.s32 $0xF0;
	vm0 =	vcmask $0xF00;
	v45 =	vimm.s32 $0xD0  }
0x6: {  	v46 =	vimm.s32 $0xB0;
	v0 =	vsel vm2, v1, v0;
	v41 =	vsel vm2, v3, v2  }
0x7: {  	v47 =	vimm.s32 $0x90;
	v48 =	vimm.s32 $0x70;
	v0 =	vcombine.low v41, v0  }
0x8: {  	v49 =	vimm.s32 $0x76543210;
	v50 =	vimm.s32 $0x3210BA98;
	v44 =	vsel vm0, $0xE0, v43  }
0x9: {  	v4 =	vimm.s32 $0x50;
	v51 =	vlaneseq.u32;
	s0 =	rddreg [dreg:$0x0];
	[tilespmem:$0x1FE90] =	vst v44;
	v0 =	vand.u32 $0xFF, v0  }
0xa: {  	v5 =	vimm.s32 $0x10;
	s2 =	rddreg [dreg:$0x1];
	v1 =	vsel vm1, $0x0, v42;
	[tilespmem:$0x1FE80] =	vst v0;
	v0 =	vshrl.u32 v51, $0x3  }
0xb: {  	v7 =	vimm.s32 $0x73625140;
	v8 =	vimm.s32 $0xB7A69584;
	s7 =	rddreg [dreg:$0x2];
	s4 =	simm.s32 $0x0;
	[tilespmem:$0x1FE70] =	vst v1;
	v52 =	vadd.s32 $0x1, v0  }
0xc: {  	v9 =	vimm.s32 $0xBA987654;
	s3 =	srdreg.scid;
	v55 =	vimm.s32 $0x5;
	v26 =	vsel vm1, $0x0, v5;
	[smem:$0x7FF] =	sst s4;
	[tilespmem:$0x1FEA0] =	vst v52  }
0xd: {  	v10 =	vimm.s32 $0x7B6A5948;
	v33 =	vsel vm0, $0x60, v48;
	s6 =	sand.u32 $0x1, s3;
	s3 =	rddreg [dreg:$0x3];
	v48 =	vsel vm1, $0x4, v55;
	_ =	strace $0x80000047;
	[tilespmem:$0x1FEB0] =	vst v26  }
0xe: {  	v11 =	vimm.s32 $0xBFAE9D8C;
	v62 =	vimm.s32 $0xF;
	v39 =	vadd.s32 $0xD, v0;
	[tilespmem:$0x1FEE0] =	vst v48  }
0xf: {  	v58 =	vimm.s32 $0xD;
	v42 =	vsel vm1, $0xC0, v45;
	v45 =	vsel vm0, $0xE, v62;
	[tilespmem:$0x1FF10] =	vst v39  }
0x10: {  	v57 =	vimm.s32 $0x9;
	v34 =	vsel vm1, $0x80, v47;
	v47 =	vsel vm1, $0xC, v58;
	[tilespmem:$0x1FF20] =	vst v45  }
0x11: {  	v2 =	vunpack.c.l.s4.s8 v49;
	v3 =	vunpack.c.l.s4.s8 v50;
	v52 =	vadd.s32 $0x9, v0;
	[tilespmem:$0x1FF30] =	vst v47  }
0x12: {  	v12 =	vimm.s32 $0xB3A29180;
	v56 =	vimm.s32 $0x7;
	v51 =	vsel vm1, $0x8, v57;
	[tilespmem:$0x1FF50] =	vst v52  }
0x13: {  	v63 =	vsel vm0, $0x6, v56;
	v2 =	vunpack.c.0.s8.s32 v2;
	v3 =	vunpack.c.0.s8.s32 v3;
	[tilespmem:$0x1FF60] =	vst v51  }
0x14: {  	v13 =	vimm.s32 $0x37261504;
	v25 =	vsel vm1, $0x40, v4;
	v4 =	vimm.s32 $0x30;
	[tilespmem:$0x1FF80] =	vst v63  }
0x15: {  	v60 =	vimm.s32 $0xB;
	v24 =	vsel vm0, $0x20, v4;
	v4 =	vcombine.low v2, v3;
	[tilespmem:$0x1FF90] =	vst v33  }
0x16: {  	v59 =	vsel vm0, $0xA0, v46;
	v7 =	vunpack.c.0.s8.s32 v7;
	v6 =	vmul.u32 $0x10, v0;
	[tilespmem:$0x1FFA0] =	vst v34  }
0x17: {  	v8 =	vunpack.c.0.s8.s32 v8;
	v9 =	vunpack.c.l.s4.s8 v9;
	v14 =	vand.u32 $0xF, v4;
	[tilespmem:$0x1FFB0] =	vst v59  }
0x18: {  	v4 =	vimm.s32 $0x3B2A1908;
	v23 =	vadd.s32 $0xD0, v6;
	v22 =	vadd.s32 $0x90, v6;
	[tilespmem:$0x1FFC0] =	vst v42  }
0x19: {  	s1 =	stileid.u32;
	v21 =	vadd.s32 $0x50, v6;
	v61 =	vadd.s32 $0x10, v6;
	v6 =	vimm.s32 $0x7F6E5D4C;
	[tilespmem:$0x1FFE0] =	vst v25  }
0x1a: {  	s13 =	simm.s32 $0x1;
	s14 =	simm.s32 $0x2580;
	s15 =	simm.s32 $0x2F80;
	v10 =	vunpack.c.0.s8.s32 v10;
	v4 =	vunpack.c.0.s8.s32 v4;
	[tilespmem:$0x1FFF0] =	vst v24;
	v6 =	vunpack.c.0.s8.s32 v6  }
0x1b: {  	s16 =	simm.s32 $0x2;
	s17 =	simm.s32 $0x3980;
	s31 =	sshll.u32 s1, $0x1;
	v11 =	vunpack.c.0.s8.s32 v11;
	v12 =	vunpack.c.0.s8.s32 v12;
	v13 =	vunpack.c.0.s8.s32 v13;
	[tilespmem:$0x1FEC0] =	vst v23  }
0x1c: {  	s18 =	simm.s32 $0x3;
	s19 =	simm.s32 $0xD980;
	s5 =	sor.u32 s6, s31;
	[tilespmem:$0x1FF00] =	vst v61;
	v4 =	vsel vm2, v6, v4;
	v6 =	vsel vm2, v8, v7;
	v7 =	vunpack.c.0.s8.s32 v9  }
0x1d: {  	s20 =	simm.s32 $0x4;
	v5 =	vimm.s32 $0x3;
	s8 =	ssub.s32 $0x2, s6;
	s5 =	smul.u32 $0x19000, s5;
	[tilespmem:$0x1FF70] =	vst v21;
	v8 =	vsel vm2, v13, v12;
	v13 =	vadd.s32 $0x5, v0  }
0x1e: {  	s21 =	simm.s32 $0x5;
	s22 =	simm.s32 $0x0;
	s9 =	sshrl.u32 s8, $0x1;
	[tilespmem:$0x1FFD0] =	vst v22;
	v4 =	vcombine.low v6, v4;
	v6 =	vsel vm2, v11, v10;
	v53 =	vand.u32 $0xF, v7  }
0x1f: {  	s6 =	sadd.s32 $0x1000, s7;
	s12 =	ssub.s32 s8, s9;
	s10 =	sshrl.u32 s5, $0x3;
	[tilespmem:$0x1FEF0] =	vst v13;
	v6 =	vcombine.low v8, v6;
	v54 =	vcombine.low v3, v7;
	v7 =	vsel vm0, $0x2, v5  }
0x20: {  	s9 =	sadd.s32 $0x1400, s5;
	s11 =	sadd.s32 $0x1E00, s5;
	s7 =	sadd.s32 s0, s10;
	v17 =	vcombine.low v53, v2;
	v53 =	vsel vm0, $0xA, v60;
	[tilespmem:$0x1FED0] =	vst v7  }
0x21: {  	s12 =	smax.u32 s12, $0x1;
	s10 =	sor.u32 $0xA00, s5;
	s8 =	sadd.s32 $0x140, s7;
	v16 =	vand.u32 $0xFF, v4;
	v19 =	vand.u32 $0xFF, v6;
	v20 =	vand.u32 $0xF, v54;
	[tilespmem:$0x1FF40] =	vst v53  }
.LBB2_1:
0x22: {  	[tilespmem:s4], [sflag:$0x1] =	stream.linear.gather [hbm4b:s2+s4], $0x2580, $0x38;
	[tilespmem:$0x17980] =	vst v63  }
0x23: {  	_ =	swait.ge [sflag:s13], $0x2580  }
0x24: {  	[sflag:s13] =	ssyncset.done $0x0  }
0x25: {  	[sflag:s13] =	ssyncadd.s32 $0xFFFFDA80  }
0x26: {  	[tilespmem:s14], [sflag:$0x2] =	stream.linear.gather [hbm4b:s7+s4], $0xA00, $0x38;
	[tilespmem:$0x17980] =	vst v63  }
0x27: {  	s23 =	simm.s32 $0x0  }
0x28: {  	[tilespmem:s15], [sflag:$0x3] =	stream.linear.gather [hbm4b:s8+s4], $0xA00, $0x38;
	[tilespmem:$0x17980] =	vst v63  }
.LBB2_2:
0x29: {  	_ =	swait.ge [sflag:s16], $0xA00  }
0x2a: {  	p0 =	seq.s32 s23, $0x0;
	[sflag:s16] =	ssyncset.done $0x0  }
0x2b: {  	s24 =	simm.s32 @!p0 $0x4;
	[sflag:s16] =	ssyncadd.s32 $0xFFFFF600  }
0x2c: {  	_ =	swait.ge @!p0 [sflag:s24], $0xA000  }
0x2d: {  	[sflag:s24] =	ssyncset.done @!p0 $0x0  }
0x2e: {  	s31 =	simm.s32 $0x2590;
	[sflag:s24] =	ssyncadd.s32 @!p0 $0xFFFF6000  }
0x2f: {  	v0 =	vld [tilespmem:s31+$0x0];
	_ =	sdelay $0x1  }
0x30: {  	v29 =	vld [tilespmem:$0x1FE70];
	_ =	sdelay $0x1  }
0x31: {  	v1 =	vld [tilespmem:$0x1FE80]  }
0x32: {  	v31 =	vmul.u32 $0xC0, v0;
	_ =	sdelay $0x1  }
0x33: {  	v2 =	vld [tilespmem:s31+$0xFFFFFFF0];
	v0 =	vperm.xlane v31, v29  }
0x34: {  	v62 =	vld [tilespmem:$0x1FEA0]  }
0x35: {  	v0 =	vadd.s32 v1, v0  }
0x36: {  	s25 =	simm.s32 $0x10  }
0x37: {  	v3 =	vmov s25  }
0x38: {  	v32 =	vshll.u32 v3, $0x4;
	v2 =	vmul.u32 $0xC0, v2  }
0x39: {  	v3 =	vor.u32 v26, v32;
	v4 =	vperm.xlane v31, v62  }
0x3a: {  	v3 =	vor.u32 v14, v3;
	v5 =	vperm.xlane v2, v29;
	v0 =	vld.idx.msk [tilespmem:v0+s4+$0x0], $0xffff  }
0x3b: {  	v4 =	vadd.s32 v16, v4  }
0x3c: {  	v5 =	vadd.s32 v1, v5  }
0x3d: {  	s26 =	simm.s32 $0x0  }
0x3e: {  	v18 =	vmov v7;
	v6 =	vmov s26  }
0x3f: {  	v6 =	vshll.u32 v6, $0x4;
	[tilespmem:v3+s17+$0x0] =	vst.idx.msk $0xffff, v0;
	v0 =	vor.u32 v61, v32;
	v3 =	vperm.xlane v31, v7  }
0x40: {  	v8 =	vor.u32 v26, v6;
	v7 =	vperm.xlane v2, v62;
	v4 =	vld.idx.msk [tilespmem:v4+s4+$0x0], $0xffff;
	v0 =	vor.u32 v17, v0  }
0x41: {  	v8 =	vor.u32 v14, v8;
	v5 =	vld.idx.msk [tilespmem:v5+s4+$0x0], $0xffff;
	v3 =	vadd.s32 v19, v3  }
0x42: {  	v7 =	vadd.s32 v16, v7;
	_ =	sdelay $0x1  }
0x43: {  	v9 =	vor.u32 v61, v6  }
0x44: {  	[tilespmem:v0+s17+$0x0] =	vst.idx.msk $0xffff, v4;
	v0 =	vor.u32 v24, v32;
	v4 =	vperm.xlane v31, v48  }
0x45: {  	v10 =	vperm.xlane v2, v18;
	[tilespmem:v8+s17+$0x0] =	vst.idx.msk $0xffff, v5;
	v3 =	vld.idx.msk [tilespmem:v3+s4+$0x0], $0xffff;
	v0 =	vor.u32 v20, v0  }
0x46: {  	v9 =	vor.u32 v17, v9;
	v7 =	vld.idx.msk [tilespmem:v7+s4+$0x0], $0xffff;
	v4 =	vadd.s32 v1, v4  }
0x47: {  	v30 =	vperm.xlane v2, v63;
	v10 =	vadd.s32 v19, v10  }
0x48: {  	v15 =	vmov v24  }
0x49: {  	v12 =	vor.u32 v24, v6;
	v11 =	vperm.xlane v2, v48;
	v40 =	vadd.s32 v19, v30;
	v24 =	vmovc v13  }
0x4a: {  	[tilespmem:v0+s17+$0x0] =	vst.idx.msk $0xffff, v3;
	v0 =	vor.u32 v25, v32;
	v3 =	vperm.xlane v31, v24  }
0x4b: {  	v30 =	vperm.xlane v2, v51;
	[tilespmem:v9+s17+$0x0] =	vst.idx.msk $0xffff, v7;
	v4 =	vld.idx.msk [tilespmem:v4+s4+$0x0], $0xffff;
	v0 =	vor.u32 v14, v0  }
0x4c: {  	v5 =	vor.u32 v20, v12;
	v10 =	vld.idx.msk [tilespmem:v10+s4+$0x0], $0xffff;
	v3 =	vadd.s32 v16, v3  }
0x4d: {  	v8 =	vadd.s32 v1, v11;
	v9 =	vadd.s32 v1, v30;
	v30 =	vperm.xlane v2, v52  }
0x4e: {  	v27 =	vmov v25;
	s29 =	simm.s32 $0x25B0;
	v49 =	vor.u32 v33, v6;
	v38 =	vperm.xlane v2, v47  }
0x4f: {  	v37 =	vld [tilespmem:s29+$0x0];
	v12 =	vor.u32 v25, v6;
	v25 =	vmovc v33;
	v33 =	vadd.s32 v16, v30;
	v30 =	vor.u32 v59, v6  }
0x50: {  	v41 =	vld [tilespmem:s29+$0xFFFFFFF0];
	v28 =	vor.u32 v20, v30;
	[tilespmem:v0+s17+$0x0] =	vst.idx.msk $0xffff, v4;
	v0 =	vor.u32 v21, v32  }
0x51: {  	[tilespmem:v5+s17+$0x0] =	vst.idx.msk $0xffff, v10;
	v5 =	vor.u32 v42, v6;
	v3 =	vld.idx.msk [tilespmem:v3+s4+$0x0], $0xffff;
	v0 =	vor.u32 v17, v0  }
0x52: {  	v10 =	vperm.xlane v2, v39;
	v8 =	vld.idx.msk [tilespmem:v8+s4+$0x0], $0xffff;
	[tilespmem:$0x1FD60] =	vst v28;
	v28 =	vadd.s32 v1, v38  }
0x53: {  	v4 =	vperm.xlane v31, v63;
	v5 =	vor.u32 v14, v5;
	[tilespmem:$0x1FD90] =	vst v28  }
0x54: {  	v54 =	vor.u32 v22, v6;
	v44 =	vmul.u32 $0xC0, v37;
	[tilespmem:$0x1FDC0] =	vst v5;
	v5 =	vadd.s32 v16, v10  }
0x55: {  	v11 =	vperm.xlane v2, v13;
	v12 =	vor.u32 v14, v12;
	v4 =	vadd.s32 v19, v4;
	[tilespmem:$0x1FDD0] =	vst v5  }
0x56: {  	v60 =	vmov v34;
	v50 =	vor.u32 v34, v6;
	v34 =	vor.u32 v17, v54;
	[tilespmem:v0+s17+$0x0] =	vst.idx.msk $0xffff, v3  }
0x57: {  	v11 =	vadd.s32 v16, v11;
	v30 =	vmovc v22;
	v22 =	vmov v42;
	v5 =	vperm.xlane v44, v29;
	v42 =	vld [tilespmem:$0x1FE90]  }
0x58: {  	v36 =	vperm.xlane v2, v53;
	v2 =	vperm.xlane v2, v45;
	v10 =	vor.u32 v23, v6  }
0x59: {  	v5 =	vadd.s32 v1, v5;
	v0 =	vor.u32 v25, v32;
	v3 =	vperm.xlane v31, v51  }
0x5a: {  	v4 =	vld.idx.msk [tilespmem:v4+s4+$0x0], $0xffff;
	v0 =	vor.u32 v20, v0;
	[tilespmem:v12+s17+$0x0] =	vst.idx.msk $0xffff, v8;
	v8 =	vor.u32 v17, v10  }
0x5b: {  	s30 =	simm.s32 $0x30;
	v54 =	vmul.u32 $0xC0, v41;
	v13 =	vor.u32 v21, v6;
	v2 =	vadd.s32 v19, v2;
	[tilespmem:$0x1FDF0] =	vst v8  }
0x5c: {  	v3 =	vadd.s32 v1, v3;
	v8 =	vld.idx.msk [tilespmem:v11+s4+$0x0], $0xffff;
	[tilespmem:$0x1FE40] =	vst v2;
	v2 =	vmov s30;
	v6 =	vor.u32 v42, v6  }
0x5d: {  	v13 =	vor.u32 v17, v13;
	v38 =	vmovc v45;
	v45 =	vshll.u32 v2, $0x4;
	v6 =	vor.u32 v20, v6  }
0x5e: {  	v55 =	vor.u32 v60, v32;
	v11 =	vperm.xlane v44, v62;
	v10 =	vor.u32 v26, v45;
	[tilespmem:$0x1FD30] =	vst v6  }
0x5f: {  	v6 =	vperm.xlane v54, v29;
	v5 =	vld.idx.msk [tilespmem:v5+s4+$0x0], $0xffff;
	[tilespmem:v0+s17+$0x0] =	vst.idx.msk $0xffff, v4;
	v0 =	vor.u32 v14, v10  }
0x60: {  	s31 =	simm.s32 $0x20;
	v56 =	vperm.xlane v54, v18;
	v4 =	vperm.xlane v31, v52;
	v10 =	vadd.s32 v16, v11  }
0x61: {  	v37 =	vmovc v27;
	v12 =	vmov s31;
	v11 =	vor.u32 v14, v55;
	v3 =	vld.idx.msk [tilespmem:v3+s4+$0x0], $0xffff;
	v6 =	vadd.s32 v1, v6  }
0x62: {  	v43 =	vperm.xlane v54, v48;
	v12 =	vshll.u32 v12, $0x4;
	[tilespmem:v13+s17+$0x0] =	vst.idx.msk $0xffff, v8;
	v4 =	vadd.s32 v16, v4  }
0x63: {  	v7 =	vor.u32 v20, v49;
	v49 =	vadd.s32 v19, v56;
	v58 =	vor.u32 v27, v12;
	v40 =	vld.idx.msk [tilespmem:v40+s4+$0x0], $0xffff  }
0x64: {  	v27 =	vmov v52;
	v2 =	vperm.xlane v54, v62;
	[tilespmem:v0+s17+$0x0] =	vst.idx.msk $0xffff, v5;
	v0 =	vor.u32 v61, v45  }
0x65: {  	v8 =	vor.u32 v26, v12;
	v5 =	vperm.xlane v44, v18;
	v0 =	vor.u32 v17, v0;
	v10 =	vld.idx.msk [tilespmem:v10+s4+$0x0], $0xffff  }
0x66: {  	v8 =	vor.u32 v14, v8;
	[tilespmem:v11+s17+$0x0] =	vst.idx.msk $0xffff, v3;
	v3 =	vor.u32 v30, v32;
	v6 =	vld.idx.msk [tilespmem:v6+s4+$0x0], $0xffff  }
0x67: {  	v11 =	vperm.xlane v31, v53;
	v5 =	vadd.s32 v19, v5;
	v4 =	vld.idx.msk [tilespmem:v4+s4+$0x0], $0xffff;
	v3 =	vor.u32 v17, v3  }
0x68: {  	v2 =	vadd.s32 v16, v2;
	[tilespmem:v7+s17+$0x0] =	vst.idx.msk $0xffff, v40;
	v7 =	vperm.xlane v54, v27  }
0x69: {  	v56 =	vadd.s32 v1, v43;
	v13 =	vor.u32 v61, v12;
	v11 =	vadd.s32 v19, v11  }
0x6a: {  	v13 =	vor.u32 v17, v13;
	v7 =	vadd.s32 v16, v7;
	[tilespmem:v0+s17+$0x0] =	vst.idx.msk $0xffff, v10  }
0x6b: {  	v0 =	vor.u32 v15, v45;
	v10 =	vperm.xlane v44, v48;
	[tilespmem:v8+s17+$0x0] =	vst.idx.msk $0xffff, v6  }
0x6c: {  	[tilespmem:v3+s17+$0x0] =	vst.idx.msk $0xffff, v4;
	v0 =	vor.u32 v20, v0;
	v3 =	vor.u32 v59, v32;
	v4 =	vld.idx.msk [tilespmem:v5+s4+$0x0], $0xffff  }
0x6d: {  	v5 =	vperm.xlane v31, v47;
	v2 =	vld.idx.msk [tilespmem:v2+s4+$0x0], $0xffff;
	v6 =	vadd.s32 v1, v10;
	v10 =	vor.u32 v25, v12  }
0x6e: {  	v8 =	vld.idx.msk [tilespmem:v11+s4+$0x0], $0xffff;
	v3 =	vor.u32 v20, v3;
	v43 =	vor.u32 v20, v10;
	v10 =	vor.u32 v60, v12  }
0x6f: {  	v9 =	vld.idx.msk [tilespmem:v9+s4+$0x0], $0xffff;
	[tilespmem:$0x1FD80] =	vst v7;
	v10 =	vor.u32 v14, v10  }
0x70: {  	v5 =	vadd.s32 v1, v5;
	[tilespmem:$0x1FD70] =	vst v10  }
0x71: {  	v35 =	vor.u32 v14, v50;
	v11 =	vor.u32 v30, v12;
	[tilespmem:v0+s17+$0x0] =	vst.idx.msk $0xffff, v4  }
0x72: {  	v7 =	vperm.xlane v31, v39;
	v4 =	vperm.xlane v44, v24;
	[tilespmem:v13+s17+$0x0] =	vst.idx.msk $0xffff, v2  }
0x73: {  	v0 =	vor.u32 v37, v45;
	[tilespmem:v3+s17+$0x0] =	vst.idx.msk $0xffff, v8;
	v3 =	vor.u32 v22, v32  }
0x74: {  	v6 =	vld.idx.msk [tilespmem:v6+s4+$0x0], $0xffff;
	v2 =	vor.u32 v14, v3;
	v3 =	vadd.s32 v16, v4;
	v4 =	vor.u32 v17, v11  }
0x75: {  	v0 =	vor.u32 v14, v0;
	v8 =	vor.u32 v59, v12;
	v5 =	vld.idx.msk [tilespmem:v5+s4+$0x0], $0xffff;
	[tilespmem:$0x1FDB0] =	vst v4  }
0x76: {  	v8 =	vor.u32 v20, v8;
	[tilespmem:v35+s17+$0x0] =	vst.idx.msk $0xffff, v9;
	v9 =	vperm.xlane v54, v47  }
0x77: {  	s25 =	simm.s32 $0x25D0;
	v57 =	vor.u32 v15, v12;
	v4 =	vld.idx.msk [tilespmem:v49+s4+$0x0], $0xffff;
	[tilespmem:$0x1FDE0] =	vst v8  }
0x78: {  	v55 =	vor.u32 v20, v57;
	v7 =	vadd.s32 v16, v7;
	v10 =	vld [tilespmem:s25+$0x0];
	v9 =	vadd.s32 v1, v9  }
0x79: {  	v11 =	vld.idx.msk [tilespmem:v33+s4+$0x0], $0xffff;
	[tilespmem:$0x1FE30] =	vst v9  }
0x7a: {  	v57 =	vor.u32 v14, v58;
	[tilespmem:v0+s17+$0x0] =	vst.idx.msk $0xffff, v6  }
0x7b: {  	v8 =	vor.u32 v22, v12;
	v0 =	vor.u32 v21, v45;
	[tilespmem:v2+s17+$0x0] =	vst.idx.msk $0xffff, v5  }
0x7c: {  	v5 =	vperm.xlane v31, v38;
	v2 =	vld.idx.msk [tilespmem:v3+s4+$0x0], $0xffff;
	v0 =	vor.u32 v17, v0;
	v3 =	vor.u32 v23, v32  }
0x7d: {  	v6 =	vperm.xlane v44, v63;
	v7 =	vld.idx.msk [tilespmem:v7+s4+$0x0], $0xffff;
	[tilespmem:v55+s17+$0x0] =	vst.idx.msk $0xffff, v4;
	v3 =	vor.u32 v17, v3  }
0x7e: {  	v4 =	vadd.s32 v19, v5;
	v5 =	vld.idx.msk [tilespmem:v56+s4+$0x0], $0xffff;
	v33 =	vmul.u32 $0xC0, v10;
	v10 =	vor.u32 v23, v12  }
0x7f: {  	v31 =	vor.u32 v14, v8;
	v8 =	vld [tilespmem:s25+$0xFFFFFFF0];
	[tilespmem:v34+s17+$0x0] =	vst.idx.msk $0xffff, v11;
	v10 =	vor.u32 v17, v10  }
0x80: {  	v6 =	vadd.s32 v19, v6;
	[tilespmem:$0x1FD40] =	vst v10  }
0x81: {  	v41 =	vperm.xlane v54, v24;
	[tilespmem:v0+s17+$0x0] =	vst.idx.msk $0xffff, v2  }
0x82: {  	v36 =	vadd.s32 v19, v36;
	[tilespmem:v3+s17+$0x0] =	vst.idx.msk $0xffff, v7  }
0x83: {  	v58 =	vadd.s32 v16, v41;
	v11 =	vor.u32 v42, v12;
	[tilespmem:v57+s17+$0x0] =	vst.idx.msk $0xffff, v5  }
0x84: {  	v55 =	vmul.u32 $0xC0, v8;
	v8 =	vor.u32 v20, v11;
	v0 =	vor.u32 v25, v45;
	v11 =	vld [tilespmem:$0x1FD60]  }
0x85: {  	v46 =	vperm.xlane v54, v63;
	v6 =	vld.idx.msk [tilespmem:v6+s4+$0x0], $0xffff;
	v0 =	vor.u32 v20, v0;
	v3 =	vor.u32 v42, v32  }
0x86: {  	v50 =	vor.u32 v21, v12;
	v12 =	vperm.xlane v33, v29;
	v4 =	vld.idx.msk [tilespmem:v4+s4+$0x0], $0xffff;
	v3 =	vor.u32 v20, v3  }
0x87: {  	v10 =	vld.idx.msk [tilespmem:v36+s4+$0x0], $0xffff;
	v2 =	vperm.xlane v44, v51  }
0x88: {  	v52 =	vadd.s32 v19, v46;
	v9 =	vperm.xlane v54, v38;
	v7 =	vadd.s32 v1, v12  }
0x89: {  	s26 =	simm.s32 $0x50;
	v28 =	vmov v53;
	v53 =	vor.u32 v17, v50;
	v2 =	vadd.s32 v1, v2;
	v5 =	vld.idx.msk [tilespmem:v58+s4+$0x0], $0xffff;
	[tilespmem:$0x1FD50] =	vst v8  }
0x8a: {  	v41 =	vmovc v39;
	v13 =	vperm.xlane v54, v39;
	v36 =	vadd.s32 v19, v9;
	v9 =	vmov s26;
	[tilespmem:v0+s17+$0x0] =	vst.idx.msk $0xffff, v6  }
0x8b: {  	v39 =	vshll.u32 v9, $0x4;
	v9 =	vor.u32 v60, v45;
	v8 =	vperm.xlane v55, v29;
	[tilespmem:v3+s17+$0x0] =	vst.idx.msk $0xffff, v4  }
0x8c: {  	v12 =	vperm.xlane v33, v62;
	[tilespmem:v11+s17+$0x0] =	vst.idx.msk $0xffff, v10;
	v11 =	vor.u32 v26, v39  }
0x8d: {  	v6 =	vld.idx.msk [tilespmem:v7+s4+$0x0], $0xffff;
	v3 =	vadd.s32 v1, v8;
	v7 =	vor.u32 v14, v11;
	v11 =	vperm.xlane v44, v27  }
0x8e: {  	s29 =	simm.s32 $0x40;
	v50 =	vperm.xlane v54, v51;
	v2 =	vld.idx.msk [tilespmem:v2+s4+$0x0], $0xffff;
	v4 =	vadd.s32 v16, v12;
	v8 =	vor.u32 v14, v9  }
0x8f: {  	v0 =	vmov s29;
	[tilespmem:v53+s17+$0x0] =	vst.idx.msk $0xffff, v5;
	v10 =	vperm.xlane v55, v62;
	v5 =	vadd.s32 v16, v11  }
0x90: {  	v40 =	vmovc v59;
	v46 =	vadd.s32 v1, v50;
	v50 =	vperm.xlane v54, v28;
	v0 =	vshll.u32 v0, $0x4  }
0x91: {  	v34 =	vmovc v60;
	v59 =	vperm.xlane v55, v63;
	v9 =	vadd.s32 v16, v10;
	v10 =	vor.u32 v26, v0  }
0x92: {  	v3 =	vld.idx.msk [tilespmem:v3+s4+$0x0], $0xffff;
	v10 =	vor.u32 v14, v10;
	[tilespmem:v7+s17+$0x0] =	vst.idx.msk $0xffff, v6;
	v6 =	vor.u32 v61, v39  }
0x93: {  	[tilespmem:v8+s17+$0x0] =	vst.idx.msk $0xffff, v2;
	v2 =	vld.idx.msk [tilespmem:v4+s4+$0x0], $0xffff;
	v4 =	vor.u32 v17, v6;
	v6 =	vor.u32 v30, v45  }
0x94: {  	v54 =	vperm.xlane v55, v24;
	v7 =	vperm.xlane v33, v18;
	v5 =	vld.idx.msk [tilespmem:v5+s4+$0x0], $0xffff;
	v6 =	vor.u32 v17, v6  }
0x95: {  	v53 =	vmovc v24;
	v24 =	vadd.s32 v19, v59;
	v60 =	vor.u32 v15, v0;
	v8 =	vperm.xlane v44, v28  }
0x96: {  	v57 =	vor.u32 v20, v60;
	v60 =	vld.idx.msk [tilespmem:v52+s4+$0x0], $0xffff;
	v7 =	vadd.s32 v19, v7;
	[tilespmem:$0x1FE00] =	vst v24  }
0x97: {  	v8 =	vadd.s32 v19, v8;
	[tilespmem:v10+s17+$0x0] =	vst.idx.msk $0xffff, v3  }
0x98: {  	[tilespmem:v4+s17+$0x0] =	vst.idx.msk $0xffff, v2;
	v4 =	vperm.xlane v33, v48  }
0x99: {  	v32 =	vmov v15;
	v59 =	vperm.xlane v55, v51;
	[tilespmem:v6+s17+$0x0] =	vst.idx.msk $0xffff, v5;
	v6 =	vor.u32 v40, v45  }
0x9a: {  	v9 =	vld.idx.msk [tilespmem:v9+s4+$0x0], $0xffff;
	v3 =	vadd.s32 v1, v4;
	v4 =	vor.u32 v20, v6;
	v6 =	vor.u32 v25, v0  }
0x9b: {  	[tilespmem:v43+s17+$0x0] =	vst.idx.msk $0xffff, v60;
	v2 =	vor.u32 v32, v39;
	v5 =	vld.idx.msk [tilespmem:v7+s4+$0x0], $0xffff;
	v6 =	vor.u32 v20, v6  }
0x9c: {  	v2 =	vor.u32 v20, v2;
	v8 =	vld.idx.msk [tilespmem:v8+s4+$0x0], $0xffff;
	[tilespmem:$0x1FE10] =	vst v6;
	v6 =	vadd.s32 v1, v59  }
0x9d: {  	v11 =	vor.u32 v61, v0;
	v60 =	vor.u32 v34, v0;
	[tilespmem:$0x1FE20] =	vst v6;
	v6 =	vperm.xlane v55, v27  }
0x9e: {  	v11 =	vor.u32 v17, v11;
	v60 =	vor.u32 v14, v60  }
0x9f: {  	v10 =	vld.idx.msk [tilespmem:v46+s4+$0x0], $0xffff;
	[tilespmem:$0x1FE50] =	vst v60;
	v6 =	vadd.s32 v16, v6  }
0xa0: {  	[tilespmem:$0x1FE60] =	vst v6  }
0xa1: {  	[tilespmem:v2+s17+$0x0] =	vst.idx.msk $0xffff, v5  }
0xa2: {  	[tilespmem:v4+s17+$0x0] =	vst.idx.msk $0xffff, v8  }
0xa3: {  	[tilespmem:v11+s17+$0x0] =	vst.idx.msk $0xffff, v9  }
0xa4: {  	v9 =	vld [tilespmem:$0x1FD70];
	_ =	sdelay $0x6  }
0xa5: {  	v24 =	vmov v40  }
0xa6: {  	v12 =	vperm.xlane v55, v18;
	v7 =	vperm.xlane v44, v47;
	[tilespmem:v9+s17+$0x0] =	vst.idx.msk $0xffff, v10  }
0xa7: {  	v58 =	vor.u32 v21, v0;
	v15 =	vmovc v21;
	v21 =	vmov v62;
	v62 =	vadd.s32 v16, v54;
	v11 =	vld [tilespmem:$0x1FD80]  }
0xa8: {  	v54 =	vmovc v24;
	v7 =	vadd.s32 v1, v7;
	v9 =	vor.u32 v24, v0;
	v24 =	vmov v63;
	v63 =	vld [tilespmem:$0x1FD90]  }
0xa9: {  	v12 =	vadd.s32 v19, v12  }
0xaa: {  	s30 =	simm.s32 $0x25F0  }
0xab: {  	v2 =	vor.u32 v37, v39;
	v59 =	vld [tilespmem:s30+$0x0]  }
0xac: {  	v4 =	vor.u32 v22, v45;
	v3 =	vld.idx.msk [tilespmem:v3+s4+$0x0], $0xffff;
	v2 =	vor.u32 v14, v2  }
0xad: {  	v7 =	vld.idx.msk [tilespmem:v7+s4+$0x0], $0xffff;
	v4 =	vor.u32 v14, v4  }
0xae: {  	v8 =	vld.idx.msk [tilespmem:v12+s4+$0x0], $0xffff;
	v40 =	vor.u32 v20, v9;
	v9 =	vor.u32 v22, v0  }
0xaf: {  	v9 =	vor.u32 v14, v9;
	v11 =	vld.idx.msk [tilespmem:v11+s4+$0x0], $0xffff  }
0xb0: {  	v63 =	vld.idx.msk [tilespmem:v63+s4+$0x0], $0xffff;
	[tilespmem:$0x1FDA0] =	vst v9  }
0xb1: {  	[tilespmem:v2+s17+$0x0] =	vst.idx.msk $0xffff, v3  }
0xb2: {  	[tilespmem:v4+s17+$0x0] =	vst.idx.msk $0xffff, v7  }
0xb3: {  	[tilespmem:v57+s17+$0x0] =	vst.idx.msk $0xffff, v8  }
0xb4: {  	v9 =	vld [tilespmem:$0x1FDB0];
	_ =	sdelay $0x5  }
0xb5: {  	v5 =	vperm.xlane v33, v53  }
0xb6: {  	v35 =	vadd.s32 v16, v13;
	v6 =	vperm.xlane v44, v41  }
0xb7: {  	v13 =	vperm.xlane v55, v48;
	v5 =	vadd.s32 v16, v5;
	[tilespmem:v9+s17+$0x0] =	vst.idx.msk $0xffff, v11  }
0xb8: {  	v6 =	vadd.s32 v16, v6;
	v11 =	vld [tilespmem:$0x1FDC0]  }
0xb9: {  	v13 =	vadd.s32 v1, v13;
	_ =	sdelay $0x1  }
0xba: {  	v2 =	vor.u32 v15, v39  }
0xbb: {  	v49 =	vadd.s32 v19, v50;
	v4 =	vld.idx.msk [tilespmem:v5+s4+$0x0], $0xffff;
	v2 =	vor.u32 v17, v2;
	v5 =	vor.u32 v23, v45  }
0xbc: {  	v50 =	vor.u32 v37, v0;
	v10 =	vperm.xlane v55, v47;
	v6 =	vld.idx.msk [tilespmem:v6+s4+$0x0], $0xffff;
	v5 =	vor.u32 v17, v5  }
0xbd: {  	v50 =	vor.u32 v14, v50;
	v9 =	vld.idx.msk [tilespmem:v13+s4+$0x0], $0xffff  }
0xbe: {  	v43 =	vadd.s32 v1, v10  }
0xbf: {  	v10 =	vperm.xlane v55, v38;
	[tilespmem:v11+s17+$0x0] =	vst.idx.msk $0xffff, v63;
	v11 =	vor.u32 v23, v0  }
0xc0: {  	v7 =	vperm.xlane v44, v38;
	v38 =	vor.u32 v17, v11;
	v11 =	vld [tilespmem:$0x1FDD0];
	[tilespmem:v2+s17+$0x0] =	vst.idx.msk $0xffff, v4  }
0xc1: {  	[tilespmem:v5+s17+$0x0] =	vst.idx.msk $0xffff, v6  }
0xc2: {  	v56 =	vor.u32 v30, v0;
	v0 =	vor.u32 v42, v0;
	[tilespmem:v50+s17+$0x0] =	vst.idx.msk $0xffff, v9  }
0xc3: {  	v52 =	vmovc v37;
	v37 =	vmov v41;
	v5 =	vor.u32 v42, v45;
	v45 =	vor.u32 v20, v0;
	v0 =	vld [tilespmem:$0x1FDE0]  }
0xc4: {  	v12 =	vperm.xlane v55, v37;
	_ =	sdelay $0x1  }
0xc5: {  	v44 =	vadd.s32 v16, v12;
	v12 =	vld.idx.msk [tilespmem:v49+s4+$0x0], $0xffff;
	_ =	sdelay $0x2  }
0xc6: {  	v3 =	vperm.xlane v33, v24  }
0xc7: {  	v46 =	vperm.xlane v55, v28  }
0xc8: {  	v8 =	vld [tilespmem:s30+$0xFFFFFFF0];
	v3 =	vadd.s32 v19, v3;
	[tilespmem:v0+s17+$0x0] =	vst.idx.msk $0xffff, v12  }
0xc9: {  	v41 =	vadd.s32 v19, v46;
	v46 =	vmul.u32 $0xC0, v59;
	v7 =	vadd.s32 v19, v7;
	v12 =	vld [tilespmem:$0x1FDF0];
	_ =	sdelay $0x1  }
0xca: {  	v13 =	vperm.xlane v46, v29  }
0xcb: {  	v2 =	vor.u32 v25, v39;
	v4 =	vperm.xlane v33, v51;
	v11 =	vld.idx.msk [tilespmem:v11+s4+$0x0], $0xffff  }
0xcc: {  	v6 =	vadd.s32 v1, v13;
	v3 =	vld.idx.msk [tilespmem:v3+s4+$0x0], $0xffff;
	v2 =	vor.u32 v20, v2  }
0xcd: {  	s25 =	simm.s32 $0x70;
	v49 =	vmul.u32 $0xC0, v8;
	v7 =	vld.idx.msk [tilespmem:v7+s4+$0x0], $0xffff;
	v5 =	vor.u32 v20, v5;
	v4 =	vadd.s32 v1, v4  }
0xce: {  	v58 =	vor.u32 v17, v58;
	v9 =	vmov s25;
	v8 =	vld.idx.msk [tilespmem:v62+s4+$0x0], $0xffff  }
0xcf: {  	v47 =	vshll.u32 v9, $0x4;
	v9 =	vor.u32 v34, v39;
	v0 =	vperm.xlane v49, v29  }
0xd0: {  	[tilespmem:v12+s17+$0x0] =	vst.idx.msk $0xffff, v11;
	v11 =	vor.u32 v26, v47;
	v12 =	vperm.xlane v46, v21  }
0xd1: {  	[tilespmem:v2+s17+$0x0] =	vst.idx.msk $0xffff, v3;
	v3 =	vld.idx.msk [tilespmem:v6+s4+$0x0], $0xffff;
	v6 =	vor.u32 v14, v11;
	v11 =	vperm.xlane v33, v27  }
0xd2: {  	[tilespmem:v5+s17+$0x0] =	vst.idx.msk $0xffff, v7;
	v7 =	vor.u32 v14, v9;
	v4 =	vld.idx.msk [tilespmem:v4+s4+$0x0], $0xffff;
	v5 =	vadd.s32 v16, v12  }
0xd3: {  	[tilespmem:v58+s17+$0x0] =	vst.idx.msk $0xffff, v8;
	v8 =	vadd.s32 v16, v11  }
0xd4: {  	s31 =	simm.s32 $0x60;
	v0 =	vadd.s32 v1, v0  }
0xd5: {  	v2 =	vmov s31  }
0xd6: {  	v50 =	vshll.u32 v2, $0x4;
	[tilespmem:v6+s17+$0x0] =	vst.idx.msk $0xffff, v3;
	v3 =	vor.u32 v61, v47  }
0xd7: {  	[tilespmem:v7+s17+$0x0] =	vst.idx.msk $0xffff, v4;
	v4 =	vld.idx.msk [tilespmem:v5+s4+$0x0], $0xffff;
	v3 =	vor.u32 v17, v3;
	v5 =	vor.u32 v30, v39  }
0xd8: {  	v9 =	vor.u32 v26, v50;
	v8 =	vld.idx.msk [tilespmem:v8+s4+$0x0], $0xffff;
	v5 =	vor.u32 v17, v5  }
0xd9: {  	v9 =	vor.u32 v14, v9;
	v0 =	vld.idx.msk [tilespmem:v0+s4+$0x0], $0xffff  }
0xda: {  	v13 =	vld [tilespmem:$0x1FE00];
	_ =	sdelay $0x1  }
0xdb: {  	[tilespmem:v3+s17+$0x0] =	vst.idx.msk $0xffff, v4  }
0xdc: {  	v42 =	vadd.s32 v19, v10;
	v10 =	vperm.xlane v49, v21;
	[tilespmem:v5+s17+$0x0] =	vst.idx.msk $0xffff, v8  }
0xdd: {  	v11 =	vperm.xlane v49, v18;
	v6 =	vperm.xlane v46, v18;
	v18 =	vld [tilespmem:$0x1FF30];
	[tilespmem:v9+s17+$0x0] =	vst.idx.msk $0xffff, v0  }
0xde: {  	v2 =	vadd.s32 v16, v10;
	v10 =	vor.u32 v61, v50;
	v5 =	vld [tilespmem:$0x1FE10]  }
0xdf: {  	v12 =	vor.u32 v17, v10  }
0xe0: {  	v10 =	vperm.xlane v49, v48;
	v60 =	vadd.s32 v19, v11;
	v11 =	vor.u32 v32, v50  }
0xe1: {  	v29 =	vmov v52;
	v62 =	vor.u32 v20, v11;
	v11 =	vor.u32 v52, v50;
	v52 =	vld.idx.msk [tilespmem:v13+s4+$0x0], $0xffff  }
0xe2: {  	v63 =	vadd.s32 v1, v10;
	v10 =	vperm.xlane v49, v53;
	_ =	sdelay $0x1  }
0xe3: {  	v59 =	vadd.s32 v16, v10;
	v10 =	vperm.xlane v49, v51  }
0xe4: {  	v6 =	vadd.s32 v19, v6;
	v4 =	vperm.xlane v46, v48;
	v8 =	vperm.xlane v33, v18  }
0xe5: {  	[tilespmem:v5+s17+$0x0] =	vst.idx.msk $0xffff, v52  }
0xe6: {  	v51 =	vadd.s32 v1, v10;
	v0 =	vadd.s32 v1, v4;
	v13 =	vadd.s32 v1, v8;
	v1 =	vld [tilespmem:$0x1FE20];
	_ =	sdelay $0x1  }
0xe7: {  	v3 =	vor.u32 v32, v47  }
0xe8: {  	v7 =	vperm.xlane v33, v28;
	v61 =	vor.u32 v14, v11;
	v11 =	vld.idx.msk [tilespmem:v6+s4+$0x0], $0xffff;
	v3 =	vor.u32 v20, v3;
	_ =	sdelay $0x1  }
0xe9: {  	v7 =	vadd.s32 v19, v7;
	_ =	sdelay $0x2  }
0xea: {  	[tilespmem:v3+s17+$0x0] =	vst.idx.msk $0xffff, v11;
	v9 =	vld.idx.msk [tilespmem:v1+s4+$0x0], $0xffff  }
0xeb: {  	v6 =	vor.u32 v54, v39;
	v1 =	vld [tilespmem:$0x1FE30]  }
0xec: {  	v7 =	vld.idx.msk [tilespmem:v7+s4+$0x0], $0xffff;
	v6 =	vor.u32 v20, v6;
	_ =	sdelay $0x1  }
0xed: {  	v2 =	vld.idx.msk [tilespmem:v2+s4+$0x0], $0xffff;
	_ =	sdelay $0x2  }
0xee: {  	[tilespmem:v6+s17+$0x0] =	vst.idx.msk $0xffff, v7  }
0xef: {  	v6 =	vld [tilespmem:$0x1FE40]  }
0xf0: {  	v55 =	vor.u32 v15, v50;
	v15 =	vmov v54;
	[tilespmem:v12+s17+$0x0] =	vst.idx.msk $0xffff, v2;
	v54 =	vld.idx.msk [tilespmem:v1+s4+$0x0], $0xffff  }
0xf1: {  	v1 =	vld [tilespmem:$0x1FE50];
	_ =	sdelay $0x6  }
0xf2: {  	v57 =	vperm.xlane v49, v24  }
0xf3: {  	[tilespmem:v1+s17+$0x0] =	vst.idx.msk $0xffff, v9  }
0xf4: {  	v56 =	vor.u32 v17, v56;
	v57 =	vadd.s32 v19, v57;
	v1 =	vld [tilespmem:$0x1FE60]  }
0xf5: {  	v58 =	vor.u32 v17, v55;
	v10 =	vor.u32 v34, v50;
	v4 =	vor.u32 v25, v50  }
0xf6: {  	v8 =	vperm.xlane v49, v28;
	v52 =	vor.u32 v20, v4;
	v4 =	vperm.xlane v49, v27  }
0xf7: {  	v53 =	vperm.xlane v46, v53;
	v55 =	vor.u32 v14, v10;
	v5 =	vor.u32 v30, v50  }
0xf8: {  	v8 =	vadd.s32 v19, v8;
	v3 =	vor.u32 v29, v47;
	v4 =	vadd.s32 v16, v4;
	v10 =	vld.idx.msk [tilespmem:v0+s4+$0x0], $0xffff  }
0xf9: {  	v11 =	vor.u32 v14, v3;
	v3 =	vor.u32 v22, v39;
	v12 =	vadd.s32 v16, v53;
	v0 =	vld.idx.msk [tilespmem:v13+s4+$0x0], $0xffff  }
0xfa: {  	v53 =	vor.u32 v17, v5;
	v5 =	vor.u32 v15, v50;
	v48 =	vld.idx.msk [tilespmem:v6+s4+$0x0], $0xffff;
	v6 =	vperm.xlane v33, v37  }
0xfb: {  	v2 =	vor.u32 v14, v3;
	v13 =	vld.idx.msk [tilespmem:v60+s4+$0x0], $0xffff;
	v7 =	vor.u32 v20, v5;
	v60 =	vor.u32 v22, v50  }
0xfc: {  	s28 =	simm.s32 $0x2610;
	s24 =	sshll.u32 s23, $0x1;
	s26 =	simm.s32 $0x6;
	v5 =	vperm.xlane v49, v37;
	v3 =	vadd.s32 v16, v6;
	v9 =	vperm.xlane v49, v18;
	v6 =	vld.idx.msk [tilespmem:v1+s4+$0x0], $0xffff  }
.LBB2_3:
0xfd: {  	v15 =	vld [tilespmem:s28+$0x0]  }
0xfe: {  	v24 =	vld [tilespmem:$0x1FF70]  }
0xff: {  	v25 =	vld [tilespmem:$0x1FF80]  }
0x100: {  	v27 =	vld [tilespmem:$0x1FF20]  }
0x101: {  	v22 =	vld [tilespmem:$0x1FD30]  }
0x102: {  	v18 =	vor.u32 v14, v60;
	v60 =	vmov v4;
	v4 =	vmov v41;
	v28 =	vld [tilespmem:$0x1FF60];
	[tilespmem:v11+s17+$0x0] =	vst.idx.msk $0xffff, v10  }
0x103: {  	v41 =	vmov v8;
	v8 =	vmov v40;
	v40 =	vmov v7;
	v7 =	vld.idx.msk [tilespmem:v12+s4+$0x0], $0xffff  }
0x104: {  	v12 =	vld [tilespmem:s28+$0xFFFFFFF0];
	[tilespmem:v62+s17+$0x0] =	vst.idx.msk $0xffff, v13  }
0x105: {  	[tilespmem:v2+s17+$0x0] =	vst.idx.msk $0xffff, v0;
	v13 =	vld.idx.msk [tilespmem:v63+s4+$0x0], $0xffff  }
0x106: {  	[tilespmem:v56+s17+$0x0] =	vst.idx.msk $0xffff, v6;
	v2 =	vld.idx.msk [tilespmem:v3+s4+$0x0], $0xffff  }
0x107: {  	v10 =	vor.u32 v24, v47;
	v11 =	vperm.xlane v46, v25;
	v4 =	vld.idx.msk [tilespmem:v4+s4+$0x0], $0xffff;
	[tilespmem:v31+s17+$0x0] =	vst.idx.msk $0xffff, v54  }
0x108: {  	v0 =	vor.u32 v17, v10;
	v10 =	vperm.xlane v33, v27;
	v33 =	vmovc v46;
	v46 =	vmul.u32 $0xC0, v15;
	v15 =	vld [tilespmem:$0x1FDA0]  }
0x109: {  	v35 =	vld.idx.msk [tilespmem:v35+s4+$0x0], $0xffff  }
0x10a: {  	v6 =	vadd.s32 v19, v10;
	v10 =	vperm.xlane v49, v27;
	v27 =	vld [tilespmem:$0x1FE70]  }
0x10b: {  	v3 =	vor.u32 v23, v39;
	v11 =	vadd.s32 v19, v11;
	[tilespmem:v22+s17+$0x0] =	vst.idx.msk $0xffff, v48;
	v22 =	vld [tilespmem:$0x1FF90]  }
0x10c: {  	v1 =	vld [tilespmem:$0x1FE80];
	v3 =	vor.u32 v17, v3;
	[tilespmem:v61+s17+$0x0] =	vst.idx.msk $0xffff, v13  }
0x10d: {  	v49 =	vmul.u32 $0xC0, v12;
	v12 =	vld.idx.msk [tilespmem:v59+s4+$0x0], $0xffff  }
0x10e: {  	[tilespmem:v8+s17+$0x0] =	vst.idx.msk $0xffff, v4;
	v37 =	vmov v15;
	v15 =	vor.u32 v23, v50;
	v23 =	vld [tilespmem:$0x1FE90]  }
0x10f: {  	[tilespmem:v0+s17+$0x0] =	vst.idx.msk $0xffff, v7;
	v0 =	vmov v18;
	v30 =	vperm.xlane v46, v27  }
0x110: {  	[tilespmem:$0x1FDA0] =	vst v0;
	v0 =	vld.idx.msk [tilespmem:v11+s4+$0x0], $0xffff;
	v11 =	vperm.xlane v33, v28;
	v7 =	vor.u32 v22, v47  }
0x111: {  	v31 =	vld [tilespmem:$0x1FFA0];
	[tilespmem:v3+s17+$0x0] =	vst.idx.msk $0xffff, v2;
	v3 =	vor.u32 v20, v7;
	v2 =	vadd.s32 v1, v30  }
0x112: {  	s25 =	sadd.s32 $0x20, s25;
	v9 =	vadd.s32 v1, v9;
	v54 =	vld.idx.msk [tilespmem:v43+s4+$0x0], $0xffff  }
0x113: {  	v18 =	vmov s25;
	v6 =	vld.idx.msk [tilespmem:v6+s4+$0x0], $0xffff;
	v11 =	vadd.s32 v1, v11;
	v7 =	vor.u32 v23, v39  }
0x114: {  	v18 =	vshll.u32 v18, $0x4;
	v62 =	vor.u32 v23, v50;
	v23 =	vld [tilespmem:$0x1FD40];
	v7 =	vor.u32 v20, v7  }
0x115: {  	v43 =	vmov v9;
	v4 =	vperm.xlane v49, v27;
	v9 =	vor.u32 v26, v18;
	v27 =	vld [tilespmem:$0x1FF00]  }
0x116: {  	v2 =	vld.idx.msk [tilespmem:v2+s4+$0x0], $0xffff;
	[tilespmem:v3+s17+$0x0] =	vst.idx.msk $0xffff, v0;
	v0 =	vor.u32 v14, v9  }
0x117: {  	v29 =	vld [tilespmem:$0x1FF50];
	v5 =	vadd.s32 v16, v5;
	s29 =	sadd.s32 $0xFFFFFFF0, s25;
	v63 =	vperm.xlane v46, v21;
	v10 =	vadd.s32 v19, v10  }
0x118: {  	v8 =	vperm.xlane v49, v21;
	v34 =	vor.u32 v31, v47;
	v21 =	vmovc v38;
	v30 =	vmov s29;
	v3 =	vld.idx.msk [tilespmem:v11+s4+$0x0], $0xffff  }
0x119: {  	v15 =	vor.u32 v17, v15;
	v50 =	vshll.u32 v30, $0x4;
	[tilespmem:v7+s17+$0x0] =	vst.idx.msk $0xffff, v6;
	v7 =	vor.u32 v14, v34;
	v34 =	vld [tilespmem:$0x1FEE0]  }
0x11a: {  	v38 =	vmovc v15;
	v4 =	vadd.s32 v1, v4;
	v30 =	vld [tilespmem:$0x1FFD0];
	v15 =	vor.u32 v24, v50;
	v11 =	vor.u32 v27, v50  }
0x11b: {  	v6 =	vadd.s32 v16, v63;
	[tilespmem:v0+s17+$0x0] =	vst.idx.msk $0xffff, v2;
	v2 =	vor.u32 v27, v18;
	v27 =	vld [tilespmem:$0x1FEF0]  }
0x11c: {  	v9 =	vperm.xlane v33, v29;
	v56 =	vor.u32 v17, v11;
	[tilespmem:v23+s17+$0x0] =	vst.idx.msk $0xffff, v35;
	v23 =	vld [tilespmem:$0x1FED0]  }
0x11d: {  	v35 =	vmov v44;
	v44 =	vmov v5;
	v5 =	vadd.s32 v16, v8;
	v48 =	vld.idx.msk [tilespmem:v36+s4+$0x0], $0xffff;
	[tilespmem:v58+s17+$0x0] =	vst.idx.msk $0xffff, v12  }
0x11e: {  	v8 =	vadd.s32 v16, v9;
	v9 =	vor.u32 v26, v50;
	v39 =	vld.idx.msk [tilespmem:v57+s4+$0x0], $0xffff;
	v11 =	vperm.xlane v49, v34  }
0x11f: {  	v13 =	vor.u32 v20, v62;
	v9 =	vor.u32 v14, v9;
	v58 =	vor.u32 v17, v15;
	v4 =	vld.idx.msk [tilespmem:v4+s4+$0x0], $0xffff  }
0x120: {  	v57 =	vperm.xlane v49, v25;
	v0 =	vld.idx.msk [tilespmem:v6+s4+$0x0], $0xffff;
	v63 =	vadd.s32 v1, v11;
	v11 =	vperm.xlane v49, v27  }
0x121: {  	[tilespmem:$0x1FD40] =	vst v21;
	v2 =	vor.u32 v17, v2;
	v12 =	vperm.xlane v49, v23;
	v6 =	vperm.xlane v46, v23;
	v23 =	vld [tilespmem:$0x1FF40]  }
0x122: {  	v26 =	vmov v32;
	[tilespmem:v7+s17+$0x0] =	vst.idx.msk $0xffff, v3;
	v7 =	vor.u32 v30, v47;
	v59 =	vadd.s32 v16, v11;
	v11 =	vld [tilespmem:$0x1FD50]  }
0x123: {  	v36 =	vmovc v42;
	v15 =	vor.u32 v30, v50;
	v7 =	vor.u32 v17, v7;
	v57 =	vadd.s32 v19, v57  }
0x124: {  	v3 =	vld.idx.msk [tilespmem:v8+s4+$0x0], $0xffff;
	v21 =	vadd.s32 v19, v12;
	v12 =	vor.u32 v32, v50;
	v6 =	vadd.s32 v19, v6  }
0x125: {  	v42 =	vmov v10;
	v32 =	vld [tilespmem:$0x1FFE0];
	[tilespmem:v9+s17+$0x0] =	vst.idx.msk $0xffff, v4;
	v4 =	vor.u32 v22, v50;
	v62 =	vor.u32 v20, v12  }
0x126: {  	v24 =	vld [tilespmem:$0x1FFB0];
	[tilespmem:v2+s17+$0x0] =	vst.idx.msk $0xffff, v0;
	v0 =	vmov v45;
	v2 =	vor.u32 v26, v18;
	v8 =	vperm.xlane v33, v23  }
0x127: {  	v45 =	vmov v13;
	v5 =	vld.idx.msk [tilespmem:v5+s4+$0x0], $0xffff;
	[tilespmem:v52+s17+$0x0] =	vst.idx.msk $0xffff, v39;
	v52 =	vor.u32 v20, v4;
	v10 =	vmov v11  }
0x128: {  	v4 =	vperm.xlane v49, v29;
	v8 =	vadd.s32 v19, v8;
	[tilespmem:$0x1FD30] =	vst v10;
	v10 =	vperm.xlane v49, v28;
	v28 =	vld [tilespmem:$0x1FF30]  }
0x129: {  	v39 =	vmov v47;
	[tilespmem:$0x1FD50] =	vst v0;
	v2 =	vor.u32 v20, v2;
	v9 =	vld.idx.msk [tilespmem:v51+s4+$0x0], $0xffff;
	v22 =	vperm.xlane v49, v23  }
0x12a: {  	v4 =	vadd.s32 v16, v4;
	v12 =	vor.u32 v32, v50;
	v0 =	vld.idx.msk [tilespmem:v6+s4+$0x0], $0xffff;
	v6 =	vperm.xlane v46, v34  }
0x12b: {  	v25 =	vld [tilespmem:$0x1FFC0];
	[tilespmem:v7+s17+$0x0] =	vst.idx.msk $0xffff, v3;
	v7 =	vor.u32 v24, v47;
	v47 =	vmov v18;
	v61 =	vor.u32 v14, v12  }
0x12c: {  	v18 =	vld [tilespmem:$0x1FF10];
	v7 =	vor.u32 v20, v7;
	[tilespmem:v56+s17+$0x0] =	vst.idx.msk $0xffff, v5;
	v56 =	vmov v53;
	v6 =	vadd.s32 v1, v6  }
0x12d: {  	v53 =	vor.u32 v17, v15;
	v5 =	vor.u32 v24, v50;
	v3 =	vld.idx.msk [tilespmem:v8+s4+$0x0], $0xffff;
	v8 =	vperm.xlane v33, v28  }
0x12e: {  	s26 =	sadd.s32 $0x2, s26;
	v13 =	vld.idx.msk [tilespmem:v21+s4+$0x0], $0xffff;
	[tilespmem:v55+s17+$0x0] =	vst.idx.msk $0xffff, v9;
	v51 =	vadd.s32 v1, v10;
	v10 =	vor.u32 v31, v50  }
0x12f: {  	p1 =	slt.u32 s26, $0x9E;
	v21 =	vld [tilespmem:$0x1FEA0];
	[tilespmem:v2+s17+$0x0] =	vst.idx.msk $0xffff, v0;
	v2 =	vperm.xlane v46, v27;
	v8 =	vadd.s32 v1, v8  }
.Ltmp0:
0x130: {  	v31 =	vmovc v37;
	v23 =	vor.u32 v14, v10;
	v0 =	vor.u32 v32, v47;
	v32 =	vmov v26;
	v26 =	vld [tilespmem:$0x1FEB0];
	(pc) =	sbr.rel @p1 .LBB2_3-.Ltmp0, $4  }
0x131: {  	v11 =	vor.u32 v14, v0;
	v10 =	vld.idx.msk [tilespmem:v6+s4+$0x0], $0xffff;
	v6 =	vperm.xlane v33, v18;
	v12 =	vadd.s32 v16, v2  }
0x132: {  	v55 =	vmov v23;
	v23 =	vld [tilespmem:$0x1FEC0];
	v9 =	vperm.xlane v49, v28;
	[tilespmem:v7+s17+$0x0] =	vst.idx.msk $0xffff, v3;
	v3 =	vor.u32 v25, v39  }
0x133: {  	v7 =	vor.u32 v20, v5;
	v2 =	vor.u32 v14, v3;
	v3 =	vadd.s32 v16, v6;
	v6 =	vld.idx.msk [tilespmem:v60+s4+$0x0], $0xffff  }
0x134: {  	s28 =	sadd.s32 $0x20, s28;
	v5 =	vperm.xlane v49, v18;
	v60 =	vor.u32 v25, v50;
	v0 =	vld.idx.msk [tilespmem:v8+s4+$0x0], $0xffff;
	v8 =	vadd.s32 v19, v22  }
0x135: {  	_ =	sdelay $0x3  }
0x136: {  	[tilespmem:v62+s17+$0x0] =	vst.idx.msk $0xffff, v13  }
0x137: {  	[tilespmem:v11+s17+$0x0] =	vst.idx.msk $0xffff, v10  }
0x138: {  	v25 =	vld [tilespmem:$0x1FF70];
	_ =	sdelay $0x3  }
0x139: {  	v13 =	vld.idx.msk [tilespmem:v63+s4+$0x0], $0xffff  }
0x13a: {  	v28 =	vld [tilespmem:$0x1FF80];
	v10 =	vor.u32 v25, v47  }
0x13b: {  	v12 =	vld.idx.msk [tilespmem:v12+s4+$0x0], $0xffff;
	v10 =	vor.u32 v17, v10;
	_ =	sdelay $0x3  }
0x13c: {  	[tilespmem:v61+s17+$0x0] =	vst.idx.msk $0xffff, v13;
	v11 =	vperm.xlane v46, v28  }
0x13d: {  	v13 =	vld.idx.msk [tilespmem:v59+s4+$0x0], $0xffff;
	[tilespmem:v10+s17+$0x0] =	vst.idx.msk $0xffff, v12  }
0x13e: {  	v11 =	vadd.s32 v19, v11;
	v37 =	vld [tilespmem:$0x1FF90]  }
0x13f: {  	v62 =	vld [tilespmem:$0x1FF60];
	_ =	sdelay $0x1  }
0x140: {  	v34 =	vld [tilespmem:$0x1FE80];
	_ =	sdelay $0x1  }
0x141: {  	v11 =	vld.idx.msk [tilespmem:v11+s4+$0x0], $0xffff;
	[tilespmem:v58+s17+$0x0] =	vst.idx.msk $0xffff, v13;
	v10 =	vor.u32 v37, v47  }
0x142: {  	v13 =	vld.idx.msk [tilespmem:v57+s4+$0x0], $0xffff;
	v12 =	vperm.xlane v46, v62;
	v10 =	vor.u32 v20, v10  }
0x143: {  	v57 =	vld [tilespmem:$0x1FFA0]  }
0x144: {  	v12 =	vadd.s32 v34, v12;
	_ =	sdelay $0x2  }
0x145: {  	[tilespmem:v10+s17+$0x0] =	vst.idx.msk $0xffff, v11  }
0x146: {  	v15 =	vor.u32 v57, v47;
	v30 =	vld [tilespmem:$0x1FF50]  }
0x147: {  	v11 =	vld.idx.msk [tilespmem:v12+s4+$0x0], $0xffff;
	v12 =	vor.u32 v14, v15;
	_ =	sdelay $0x3  }
0x148: {  	[tilespmem:v52+s17+$0x0] =	vst.idx.msk $0xffff, v13  }
0x149: {  	v10 =	vperm.xlane v46, v30;
	[tilespmem:v12+s17+$0x0] =	vst.idx.msk $0xffff, v11  }
0x14a: {  	v24 =	vld [tilespmem:$0x1FFD0]  }
0x14b: {  	v10 =	vadd.s32 v16, v10;
	_ =	sdelay $0x2  }
0x14c: {  	v13 =	vld.idx.msk [tilespmem:v51+s4+$0x0], $0xffff  }
0x14d: {  	v63 =	vld [tilespmem:$0x1FF40];
	v11 =	vor.u32 v24, v47  }
0x14e: {  	v10 =	vld.idx.msk [tilespmem:v10+s4+$0x0], $0xffff;
	v11 =	vor.u32 v17, v11;
	_ =	sdelay $0x3  }
0x14f: {  	[tilespmem:v55+s17+$0x0] =	vst.idx.msk $0xffff, v13  }
0x150: {  	v12 =	vperm.xlane v46, v63;
	[tilespmem:v11+s17+$0x0] =	vst.idx.msk $0xffff, v10  }
0x151: {  	v1 =	vld [tilespmem:$0x1FFB0]  }
0x152: {  	v12 =	vadd.s32 v19, v12;
	_ =	sdelay $0x2  }
0x153: {  	v4 =	vld.idx.msk [tilespmem:v4+s4+$0x0], $0xffff  }
0x154: {  	v55 =	vld [tilespmem:$0x1FF30];
	v10 =	vor.u32 v1, v47  }
0x155: {  	[tilespmem:v56+s17+$0x0] =	vst.idx.msk $0xffff, v6;
	v6 =	vld.idx.msk [tilespmem:v12+s4+$0x0], $0xffff;
	v10 =	vor.u32 v20, v10;
	_ =	sdelay $0x3  }
0x156: {  	[tilespmem:v53+s17+$0x0] =	vst.idx.msk $0xffff, v4  }
0x157: {  	v11 =	vperm.xlane v46, v55;
	[tilespmem:v10+s17+$0x0] =	vst.idx.msk $0xffff, v6  }
0x158: {  	v56 =	vld [tilespmem:$0x1FFC0]  }
0x159: {  	v11 =	vadd.s32 v34, v11  }
0x15a: {  	v12 =	vld.idx.msk [tilespmem:v41+s4+$0x0], $0xffff  }
0x15b: {  	v4 =	vld.idx.msk [tilespmem:v8+s4+$0x0], $0xffff;
	_ =	sdelay $0x1  }
0x15c: {  	v6 =	vor.u32 v56, v47  }
0x15d: {  	v10 =	vld.idx.msk [tilespmem:v11+s4+$0x0], $0xffff;
	v6 =	vor.u32 v14, v6  }
0x15e: {  	v41 =	vld [tilespmem:$0x1FF10];
	[tilespmem:v40+s17+$0x0] =	vst.idx.msk $0xffff, v12  }
0x15f: {  	v8 =	vadd.s32 v34, v9;
	[tilespmem:v7+s17+$0x0] =	vst.idx.msk $0xffff, v4  }
0x160: {  	v59 =	vld [tilespmem:$0x1FF20];
	[tilespmem:v2+s17+$0x0] =	vst.idx.msk $0xffff, v0  }
0x161: {  	[tilespmem:v31+s17+$0x0] =	vst.idx.msk $0xffff, v54  }
0x162: {  	[tilespmem:v6+s17+$0x0] =	vst.idx.msk $0xffff, v10  }
0x163: {  	v13 =	vld [tilespmem:$0x1FDA0]  }
0x164: {  	v4 =	vor.u32 v14, v60;
	v8 =	vld.idx.msk [tilespmem:v8+s4+$0x0], $0xffff;
	v0 =	vor.u32 v23, v39;
	v9 =	vperm.xlane v46, v41  }
0x165: {  	v3 =	vld.idx.msk [tilespmem:v3+s4+$0x0], $0xffff;
	v0 =	vor.u32 v17, v0  }
0x166: {  	v11 =	vld.idx.msk [tilespmem:v43+s4+$0x0], $0xffff;
	v9 =	vadd.s32 v16, v9;
	_ =	sdelay $0x2  }
0x167: {  	v2 =	vadd.s32 v16, v5;
	[tilespmem:v4+s17+$0x0] =	vst.idx.msk $0xffff, v8  }
0x168: {  	[tilespmem:v0+s17+$0x0] =	vst.idx.msk $0xffff, v3  }
0x169: {  	v6 =	vor.u32 v23, v47;
	v9 =	vld.idx.msk [tilespmem:v9+s4+$0x0], $0xffff;
	[tilespmem:v13+s17+$0x0] =	vst.idx.msk $0xffff, v11  }
0x16a: {  	v6 =	vor.u32 v17, v6;
	v8 =	vld [tilespmem:$0x1FD40]  }
0x16b: {  	v7 =	vperm.xlane v33, v59;
	v11 =	vor.u32 v23, v50;
	v13 =	vld.idx.msk [tilespmem:v44+s4+$0x0], $0xffff  }
0x16c: {  	v2 =	vld.idx.msk [tilespmem:v2+s4+$0x0], $0xffff;
	v4 =	vor.u32 v17, v11  }
0x16d: {  	v5 =	vadd.s32 v19, v7;
	v7 =	vld.idx.msk [tilespmem:v35+s4+$0x0], $0xffff;
	_ =	sdelay $0x1  }
0x16e: {  	v29 =	vld [tilespmem:$0x1FE90];
	[tilespmem:v6+s17+$0x0] =	vst.idx.msk $0xffff, v9  }
0x16f: {  	[tilespmem:v38+s17+$0x0] =	vst.idx.msk $0xffff, v13  }
0x170: {  	[tilespmem:v4+s17+$0x0] =	vst.idx.msk $0xffff, v2  }
0x171: {  	[tilespmem:v8+s17+$0x0] =	vst.idx.msk $0xffff, v7  }
0x172: {  	v2 =	vld [tilespmem:$0x1FD30]  }
0x173: {  	v10 =	vperm.xlane v46, v59;
	v0 =	vor.u32 v29, v39  }
0x174: {  	v5 =	vld.idx.msk [tilespmem:v5+s4+$0x0], $0xffff;
	v0 =	vor.u32 v20, v0  }
0x175: {  	v10 =	vadd.s32 v19, v10  }
0x176: {  	v12 =	vperm.xlane v49, v59;
	_ =	sdelay $0x1  }
0x177: {  	v3 =	vadd.s32 v19, v12  }
0x178: {  	[tilespmem:v0+s17+$0x0] =	vst.idx.msk $0xffff, v5  }
0x179: {  	v6 =	vor.u32 v29, v47;
	v8 =	vld.idx.msk [tilespmem:v10+s4+$0x0], $0xffff;
	[tilespmem:v2+s17+$0x0] =	vst.idx.msk $0xffff, v48  }
0x17a: {  	v6 =	vor.u32 v20, v6;
	v0 =	vld [tilespmem:$0x1FD50]  }
0x17b: {  	v9 =	vor.u32 v29, v50;
	v10 =	vld.idx.msk [tilespmem:v42+s4+$0x0], $0xffff  }
0x17c: {  	v3 =	vld.idx.msk [tilespmem:v3+s4+$0x0], $0xffff;
	v2 =	vor.u32 v20, v9  }
0x17d: {  	v7 =	vld.idx.msk [tilespmem:v36+s4+$0x0], $0xffff  }
0x17e: {  	s25 =	smul.u32 $0x1400, s23  }
0x17f: {  	s28 =	smin.u32 s24, $0x25;
	[tilespmem:v6+s17+$0x0] =	vst.idx.msk $0xffff, v8  }
0x180: {  	s28 =	smul.u32 $0xA00, s28;
	s26 =	sadd.s32 s5, s25;
	[tilespmem:v45+s17+$0x0] =	vst.idx.msk $0xffff, v10  }
0x181: {  	s26 =	sshll.u32 s26, $0x1;
	[tilespmem:v2+s17+$0x0] =	vst.idx.msk $0xffff, v3  }
0x182: {  	s31 =	sadd.s32 s28, s9;
	s26 =	sadd.s32 s6, s26;
	[tilespmem:v0+s17+$0x0] =	vst.idx.msk $0xffff, v7  }
0x183: {  	[hbm4b:s26+s4] =	stream.linear.scatter [tilespmem:s17], [sflag:$0x4], $0xA000, $0x38;
	[tilespmem:$0x17980] =	vst v63  }
0x184: {  	s26 =	sshrl.u32 s31, $0x3  }
0x185: {  	s26 =	sadd.s32 s0, s26  }
0x186: {  	[tilespmem:s14], [sflag:$0x2] =	stream.linear.gather [hbm4b:s26+s4], $0xA00, $0x38;
	[tilespmem:$0x17980] =	vst v63  }
0x187: {  	_ =	swait.ge [sflag:s18], $0xA00  }
0x188: {  	[sflag:s18] =	ssyncset.done $0x0  }
0x189: {  	s26 =	simm.s32 @!p0 $0x5;
	[sflag:s18] =	ssyncadd.s32 $0xFFFFF600  }
0x18a: {  	_ =	swait.ge @!p0 [sflag:s26], $0xA000  }
0x18b: {  	[sflag:s26] =	ssyncset.done @!p0 $0x0  }
0x18c: {  	s30 =	simm.s32 $0x2F90;
	[sflag:s26] =	ssyncadd.s32 @!p0 $0xFFFF6000  }
0x18d: {  	v0 =	vld [tilespmem:s30+$0x0];
	_ =	sdelay $0x1  }
0x18e: {  	v61 =	vld [tilespmem:$0x1FE70];
	_ =	sdelay $0x2  }
0x18f: {  	v51 =	vmov v32;
	v32 =	vmul.u32 $0xC0, v0;
	_ =	sdelay $0x1  }
0x190: {  	v0 =	vperm.xlane v32, v61;
	_ =	sdelay $0x1  }
0x191: {  	v0 =	vadd.s32 v34, v0  }
0x192: {  	s31 =	simm.s32 $0x10  }
0x193: {  	v3 =	vmov s31  }
0x194: {  	v31 =	vshll.u32 v3, $0x4  }
0x195: {  	v3 =	vor.u32 v26, v31  }
0x196: {  	v3 =	vor.u32 v14, v3;
	v0 =	vld.idx.msk [tilespmem:v0+s4+$0x0], $0xffff;
	_ =	sdelay $0x2  }
0x197: {  	v2 =	vld [tilespmem:s30+$0xFFFFFFF0];
	_ =	sdelay $0x1  }
0x198: {  	v4 =	vperm.xlane v32, v21;
	[tilespmem:v3+s19+$0x0] =	vst.idx.msk $0xffff, v0  }
0x199: {  	v27 =	vld [tilespmem:$0x1FF00]  }
0x19a: {  	v4 =	vadd.s32 v16, v4  }
0x19b: {  	v2 =	vmul.u32 $0xC0, v2;
	_ =	sdelay $0x1  }
0x19c: {  	v5 =	vperm.xlane v2, v61;
	v58 =	vld [tilespmem:$0x1FED0]  }
0x19d: {  	v0 =	vor.u32 v27, v31  }
0x19e: {  	v5 =	vadd.s32 v34, v5;
	v4 =	vld.idx.msk [tilespmem:v4+s4+$0x0], $0xffff;
	v0 =	vor.u32 v17, v0  }
0x19f: {  	s30 =	simm.s32 $0x0  }
0x1a0: {  	v6 =	vmov s30  }
0x1a1: {  	v6 =	vshll.u32 v6, $0x4;
	v3 =	vperm.xlane v32, v58  }
0x1a2: {  	v8 =	vor.u32 v26, v6  }
0x1a3: {  	v8 =	vor.u32 v14, v8;
	v5 =	vld.idx.msk [tilespmem:v5+s4+$0x0], $0xffff;
	v3 =	vadd.s32 v19, v3;
	[tilespmem:v0+s19+$0x0] =	vst.idx.msk $0xffff, v4  }
0x1a4: {  	v7 =	vperm.xlane v2, v21;
	v48 =	vld [tilespmem:$0x1FEE0];
	_ =	sdelay $0x1  }
0x1a5: {  	v7 =	vadd.s32 v16, v7;
	_ =	sdelay $0x1  }
0x1a6: {  	v3 =	vld.idx.msk [tilespmem:v3+s4+$0x0], $0xffff;
	[tilespmem:v8+s19+$0x0] =	vst.idx.msk $0xffff, v5  }
0x1a7: {  	v0 =	vor.u32 v51, v31;
	v53 =	vld [tilespmem:$0x1FEF0];
	v4 =	vperm.xlane v32, v48  }
0x1a8: {  	v9 =	vor.u32 v27, v6;
	v10 =	vperm.xlane v2, v58;
	v0 =	vor.u32 v20, v0;
	v60 =	vld [tilespmem:$0x1FFE0]  }
0x1a9: {  	v9 =	vor.u32 v17, v9;
	v7 =	vld.idx.msk [tilespmem:v7+s4+$0x0], $0xffff;
	v4 =	vadd.s32 v34, v4  }
0x1aa: {  	v10 =	vadd.s32 v19, v10  }
0x1ab: {  	v52 =	vmov v62;
	v12 =	vor.u32 v51, v6;
	v22 =	vor.u32 v24, v6  }
0x1ac: {  	v18 =	vperm.xlane v2, v62;
	v62 =	vmovc v21;
	v21 =	vor.u32 v37, v6;
	v5 =	vor.u32 v20, v12  }
0x1ad: {  	[tilespmem:v0+s19+$0x0] =	vst.idx.msk $0xffff, v3;
	v0 =	vor.u32 v60, v31;
	v3 =	vperm.xlane v32, v53  }
0x1ae: {  	v11 =	vperm.xlane v2, v48;
	[tilespmem:v9+s19+$0x0] =	vst.idx.msk $0xffff, v7;
	v0 =	vor.u32 v14, v0;
	v4 =	vld.idx.msk [tilespmem:v4+s4+$0x0], $0xffff  }
0x1af: {  	v7 =	vor.u32 v20, v21;
	v9 =	vadd.s32 v34, v18;
	v10 =	vld.idx.msk [tilespmem:v10+s4+$0x0], $0xffff;
	v3 =	vadd.s32 v16, v3  }
0x1b0: {  	v18 =	vperm.xlane v2, v30;
	v21 =	vor.u32 v57, v6;
	v8 =	vadd.s32 v34, v11  }
0x1b1: {  	s31 =	simm.s32 $0x2FB0;
	v49 =	vor.u32 v17, v22;
	v35 =	vor.u32 v14, v21  }
0x1b2: {  	v54 =	vld [tilespmem:s31+$0x0];
	v21 =	vperm.xlane v2, v55;
	v33 =	vadd.s32 v16, v18;
	v18 =	vor.u32 v1, v6  }
0x1b3: {  	v22 =	vld [tilespmem:s31+$0xFFFFFFF0];
	v18 =	vor.u32 v20, v18;
	[tilespmem:v0+s19+$0x0] =	vst.idx.msk $0xffff, v4;
	v0 =	vor.u32 v25, v31  }
0x1b4: {  	[tilespmem:v5+s19+$0x0] =	vst.idx.msk $0xffff, v10;
	v5 =	vor.u32 v56, v6;
	v3 =	vld.idx.msk [tilespmem:v3+s4+$0x0], $0xffff;
	v0 =	vor.u32 v17, v0  }
0x1b5: {  	v10 =	vperm.xlane v2, v41;
	v8 =	vld.idx.msk [tilespmem:v8+s4+$0x0], $0xffff;
	v5 =	vor.u32 v14, v5;
	[tilespmem:$0x1FC10] =	vst v18  }
0x1b6: {  	v18 =	vadd.s32 v34, v21;
	[tilespmem:$0x1FC60] =	vst v5  }
0x1b7: {  	v5 =	vadd.s32 v16, v10;
	[tilespmem:$0x1FC40] =	vst v18  }
0x1b8: {  	v4 =	vperm.xlane v32, v28;
	[tilespmem:$0x1FC90] =	vst v5  }
0x1b9: {  	[tilespmem:v0+s19+$0x0] =	vst.idx.msk $0xffff, v3  }
0x1ba: {  	v12 =	vor.u32 v60, v6;
	v4 =	vadd.s32 v19, v4;
	v10 =	vld [tilespmem:$0x1FEC0]  }
0x1bb: {  	v13 =	vor.u32 v25, v6;
	v11 =	vperm.xlane v2, v53;
	v12 =	vor.u32 v14, v12  }
0x1bc: {  	v13 =	vor.u32 v17, v13;
	v43 =	vmul.u32 $0xC0, v54  }
0x1bd: {  	v42 =	vmovc v37;
	v15 =	vperm.xlane v2, v28;
	v23 =	vperm.xlane v2, v63;
	v11 =	vadd.s32 v16, v11  }
0x1be: {  	v2 =	vperm.xlane v2, v59;
	v5 =	vperm.xlane v43, v61;
	v0 =	vor.u32 v42, v31  }
0x1bf: {  	v3 =	vperm.xlane v32, v52;
	v4 =	vld.idx.msk [tilespmem:v4+s4+$0x0], $0xffff;
	v0 =	vor.u32 v20, v0;
	v10 =	vor.u32 v10, v6  }
0x1c0: {  	v54 =	vmul.u32 $0xC0, v22;
	v5 =	vadd.s32 v34, v5;
	[tilespmem:v12+s19+$0x0] =	vst.idx.msk $0xffff, v8;
	v8 =	vor.u32 v17, v10  }
0x1c1: {  	s30 =	simm.s32 $0x30;
	v2 =	vadd.s32 v19, v2;
	v3 =	vadd.s32 v34, v3;
	v6 =	vor.u32 v29, v6;
	[tilespmem:$0x1FCB0] =	vst v8  }
0x1c2: {  	v15 =	vadd.s32 v19, v15;
	v6 =	vor.u32 v20, v6;
	v8 =	vld.idx.msk [tilespmem:v11+s4+$0x0], $0xffff;
	[tilespmem:$0x1FD00] =	vst v2;
	v2 =	vmov s30  }
0x1c3: {  	v18 =	vor.u32 v57, v31;
	[tilespmem:$0x1FBD0] =	vst v6;
	v6 =	vperm.xlane v54, v61;
	v46 =	vshll.u32 v2, $0x4  }
0x1c4: {  	v40 =	vmov v30;
	v11 =	vperm.xlane v43, v62;
	[tilespmem:v0+s19+$0x0] =	vst.idx.msk $0xffff, v4;
	v10 =	vor.u32 v26, v46  }
0x1c5: {  	s31 =	simm.s32 $0x20;
	v5 =	vld.idx.msk [tilespmem:v5+s4+$0x0], $0xffff;
	v4 =	vperm.xlane v32, v40;
	v6 =	vadd.s32 v34, v6;
	v0 =	vor.u32 v14, v10  }
0x1c6: {  	v12 =	vmov s31;
	v3 =	vld.idx.msk [tilespmem:v3+s4+$0x0], $0xffff;
	v10 =	vadd.s32 v16, v11;
	v11 =	vor.u32 v14, v18  }
0x1c7: {  	v12 =	vshll.u32 v12, $0x4;
	v4 =	vadd.s32 v16, v4  }
0x1c8: {  	[tilespmem:v13+s19+$0x0] =	vst.idx.msk $0xffff, v8;
	v8 =	vor.u32 v26, v12  }
0x1c9: {  	v2 =	vperm.xlane v54, v62;
	v8 =	vor.u32 v14, v8;
	v15 =	vld.idx.msk [tilespmem:v15+s4+$0x0], $0xffff  }
0x1ca: {  	v6 =	vld.idx.msk [tilespmem:v6+s4+$0x0], $0xffff;
	[tilespmem:v0+s19+$0x0] =	vst.idx.msk $0xffff, v5;
	v0 =	vor.u32 v27, v46;
	v5 =	vperm.xlane v43, v58  }
0x1cb: {  	[tilespmem:v11+s19+$0x0] =	vst.idx.msk $0xffff, v3;
	v3 =	vor.u32 v24, v31;
	v0 =	vor.u32 v17, v0;
	v10 =	vld.idx.msk [tilespmem:v10+s4+$0x0], $0xffff  }
0x1cc: {  	v11 =	vperm.xlane v32, v63;
	v4 =	vld.idx.msk [tilespmem:v4+s4+$0x0], $0xffff;
	v3 =	vor.u32 v17, v3  }
0x1cd: {  	v2 =	vadd.s32 v16, v2;
	v18 =	vperm.xlane v54, v58;
	v5 =	vadd.s32 v19, v5  }
0x1ce: {  	v13 =	vor.u32 v27, v12;
	v11 =	vadd.s32 v19, v11;
	[tilespmem:v7+s19+$0x0] =	vst.idx.msk $0xffff, v15  }
0x1cf: {  	v13 =	vor.u32 v17, v13;
	v7 =	vperm.xlane v54, v40;
	[tilespmem:v8+s19+$0x0] =	vst.idx.msk $0xffff, v6  }
0x1d0: {  	[tilespmem:v0+s19+$0x0] =	vst.idx.msk $0xffff, v10;
	v0 =	vor.u32 v51, v46;
	v10 =	vperm.xlane v43, v48  }
0x1d1: {  	v36 =	vmov v28;
	[tilespmem:v3+s19+$0x0] =	vst.idx.msk $0xffff, v4;
	v3 =	vor.u32 v1, v31;
	v0 =	vor.u32 v20, v0  }
0x1d2: {  	v4 =	vld.idx.msk [tilespmem:v5+s4+$0x0], $0xffff;
	v5 =	vperm.xlane v32, v55;
	v6 =	vadd.s32 v34, v10;
	v10 =	vor.u32 v42, v12  }
0x1d3: {  	v8 =	vld.idx.msk [tilespmem:v11+s4+$0x0], $0xffff;
	v3 =	vor.u32 v20, v3;
	v45 =	vor.u32 v20, v10;
	v10 =	vor.u32 v57, v12  }
0x1d4: {  	v28 =	vmovc v24;
	v24 =	vmov v1;
	v15 =	vperm.xlane v54, v63;
	v2 =	vld.idx.msk [tilespmem:v2+s4+$0x0], $0xffff;
	v1 =	vor.u32 v14, v10  }
0x1d5: {  	v9 =	vld.idx.msk [tilespmem:v9+s4+$0x0], $0xffff;
	v5 =	vadd.s32 v34, v5;
	[tilespmem:$0x1FC20] =	vst v1;
	v1 =	vadd.s32 v16, v7  }
0x1d6: {  	v18 =	vadd.s32 v19, v18;
	[tilespmem:$0x1FC30] =	vst v1  }
0x1d7: {  	v11 =	vor.u32 v28, v12;
	v10 =	vadd.s32 v19, v15;
	[tilespmem:v0+s19+$0x0] =	vst.idx.msk $0xffff, v4  }
0x1d8: {  	v37 =	vmov v56;
	v1 =	vor.u32 v17, v11;
	v0 =	vor.u32 v60, v46;
	[tilespmem:v3+s19+$0x0] =	vst.idx.msk $0xffff, v8  }
0x1d9: {  	v4 =	vperm.xlane v43, v53;
	v3 =	vor.u32 v37, v31;
	[tilespmem:v13+s19+$0x0] =	vst.idx.msk $0xffff, v2;
	v6 =	vld.idx.msk [tilespmem:v6+s4+$0x0], $0xffff  }
0x1da: {  	v8 =	vor.u32 v24, v12;
	v0 =	vor.u32 v14, v0;
	v5 =	vld.idx.msk [tilespmem:v5+s4+$0x0], $0xffff;
	[tilespmem:$0x1FC50] =	vst v1  }
0x1db: {  	v2 =	vor.u32 v14, v3;
	v8 =	vor.u32 v20, v8;
	[tilespmem:v35+s19+$0x0] =	vst.idx.msk $0xffff, v9  }
0x1dc: {  	v3 =	vadd.s32 v16, v4;
	v4 =	vld.idx.msk [tilespmem:v18+s4+$0x0], $0xffff;
	v9 =	vperm.xlane v54, v55;
	[tilespmem:$0x1FC70] =	vst v10  }
0x1dd: {  	v22 =	vor.u32 v51, v12;
	s30 =	simm.s32 $0x2FD0;
	[tilespmem:$0x1FCA0] =	vst v8  }
0x1de: {  	v22 =	vor.u32 v20, v22;
	v10 =	vld [tilespmem:s30+$0x0];
	v9 =	vadd.s32 v34, v9  }
0x1df: {  	v11 =	vld.idx.msk [tilespmem:v33+s4+$0x0], $0xffff;
	[tilespmem:$0x1FCF0] =	vst v9  }
0x1e0: {  	v8 =	vor.u32 v37, v12;
	[tilespmem:v0+s19+$0x0] =	vst.idx.msk $0xffff, v6  }
0x1e1: {  	v38 =	vmov v41;
	v8 =	vor.u32 v14, v8;
	[tilespmem:v2+s19+$0x0] =	vst.idx.msk $0xffff, v5  }
0x1e2: {  	v7 =	vperm.xlane v32, v38;
	v2 =	vld.idx.msk [tilespmem:v3+s4+$0x0], $0xffff;
	[tilespmem:$0x1FBE0] =	vst v8  }
0x1e3: {  	v21 =	vperm.xlane v54, v48;
	v3 =	vld [tilespmem:$0x1FEC0];
	[tilespmem:v22+s19+$0x0] =	vst.idx.msk $0xffff, v4  }
0x1e4: {  	v7 =	vadd.s32 v16, v7;
	[tilespmem:v49+s19+$0x0] =	vst.idx.msk $0xffff, v11  }
0x1e5: {  	v21 =	vadd.s32 v34, v21;
	v33 =	vmul.u32 $0xC0, v10;
	v10 =	vld [tilespmem:$0x1FEC0];
	_ =	sdelay $0x1  }
0x1e6: {  	v56 =	vor.u32 v60, v12;
	v0 =	vor.u32 v25, v46  }
0x1e7: {  	v5 =	vperm.xlane v32, v59;
	v0 =	vor.u32 v17, v0;
	v3 =	vor.u32 v3, v31  }
0x1e8: {  	v56 =	vor.u32 v14, v56;
	v7 =	vld.idx.msk [tilespmem:v7+s4+$0x0], $0xffff;
	v3 =	vor.u32 v17, v3  }
0x1e9: {  	v6 =	vperm.xlane v43, v36;
	v4 =	vadd.s32 v19, v5;
	v5 =	vld.idx.msk [tilespmem:v21+s4+$0x0], $0xffff;
	v10 =	vor.u32 v10, v12  }
0x1ea: {  	v8 =	vld [tilespmem:s30+$0xFFFFFFF0];
	v10 =	vor.u32 v17, v10  }
0x1eb: {  	v50 =	vadd.s32 v19, v23;
	v23 =	vperm.xlane v54, v53;
	v6 =	vadd.s32 v19, v6;
	[tilespmem:$0x1FBF0] =	vst v10  }
0x1ec: {  	[tilespmem:v0+s19+$0x0] =	vst.idx.msk $0xffff, v2  }
0x1ed: {  	v23 =	vadd.s32 v16, v23;
	[tilespmem:v3+s19+$0x0] =	vst.idx.msk $0xffff, v7  }
0x1ee: {  	v30 =	vor.u32 v25, v12;
	v11 =	vor.u32 v29, v12;
	[tilespmem:v56+s19+$0x0] =	vst.idx.msk $0xffff, v5  }
0x1ef: {  	v1 =	vmovc v55;
	v55 =	vmul.u32 $0xC0, v8;
	v8 =	vor.u32 v20, v11;
	v0 =	vor.u32 v42, v46;
	v11 =	vld [tilespmem:$0x1FC10]  }
0x1f0: {  	v44 =	vor.u32 v17, v30;
	v3 =	vor.u32 v29, v31;
	v6 =	vld.idx.msk [tilespmem:v6+s4+$0x0], $0xffff;
	v0 =	vor.u32 v20, v0  }
0x1f1: {  	v30 =	vperm.xlane v54, v52;
	v12 =	vperm.xlane v33, v61;
	v4 =	vld.idx.msk [tilespmem:v4+s4+$0x0], $0xffff;
	v3 =	vor.u32 v20, v3  }
0x1f2: {  	v10 =	vld.idx.msk [tilespmem:v50+s4+$0x0], $0xffff;
	v2 =	vperm.xlane v43, v52  }
0x1f3: {  	v41 =	vperm.xlane v54, v36;
	v9 =	vperm.xlane v54, v59;
	v7 =	vadd.s32 v34, v12  }
0x1f4: {  	v39 =	vmov v28;
	s31 =	simm.s32 $0x50;
	v47 =	vadd.s32 v34, v30;
	v5 =	vld.idx.msk [tilespmem:v23+s4+$0x0], $0xffff;
	[tilespmem:$0x1FC00] =	vst v8;
	v2 =	vadd.s32 v34, v2  }
0x1f5: {  	v30 =	vmovc v36;
	v28 =	vmovc v24;
	v24 =	vmov v37;
	v36 =	vadd.s32 v19, v9;
	v9 =	vmov s31;
	[tilespmem:v0+s19+$0x0] =	vst.idx.msk $0xffff, v6  }
0x1f6: {  	v37 =	vshll.u32 v9, $0x4;
	v9 =	vor.u32 v57, v46;
	v8 =	vperm.xlane v55, v61;
	[tilespmem:v3+s19+$0x0] =	vst.idx.msk $0xffff, v4  }
0x1f7: {  	v12 =	vperm.xlane v33, v62;
	[tilespmem:v11+s19+$0x0] =	vst.idx.msk $0xffff, v10;
	v11 =	vor.u32 v26, v37  }
0x1f8: {  	v6 =	vld.idx.msk [tilespmem:v7+s4+$0x0], $0xffff;
	v3 =	vadd.s32 v34, v8;
	v7 =	vor.u32 v14, v11;
	v11 =	vperm.xlane v43, v40  }
0x1f9: {  	s30 =	simm.s32 $0x40;
	v4 =	vadd.s32 v16, v12;
	v8 =	vor.u32 v14, v9;
	v2 =	vld.idx.msk [tilespmem:v2+s4+$0x0], $0xffff  }
0x1fa: {  	v0 =	vmov s30;
	[tilespmem:v44+s19+$0x0] =	vst.idx.msk $0xffff, v5;
	v10 =	vperm.xlane v55, v62;
	v5 =	vadd.s32 v16, v11  }
0x1fb: {  	v41 =	vadd.s32 v19, v41;
	v18 =	vperm.xlane v55, v53;
	v0 =	vshll.u32 v0, $0x4  }
0x1fc: {  	v23 =	vperm.xlane v55, v30;
	v9 =	vadd.s32 v16, v10;
	v10 =	vor.u32 v26, v0  }
0x1fd: {  	v3 =	vld.idx.msk [tilespmem:v3+s4+$0x0], $0xffff;
	v10 =	vor.u32 v14, v10;
	[tilespmem:v7+s19+$0x0] =	vst.idx.msk $0xffff, v6;
	v6 =	vor.u32 v27, v37  }
0x1fe: {  	[tilespmem:v8+s19+$0x0] =	vst.idx.msk $0xffff, v2;
	v2 =	vld.idx.msk [tilespmem:v4+s4+$0x0], $0xffff;
	v4 =	vor.u32 v17, v6;
	v6 =	vor.u32 v39, v46  }
0x1ff: {  	v7 =	vperm.xlane v33, v58;
	v5 =	vld.idx.msk [tilespmem:v5+s4+$0x0], $0xffff;
	v6 =	vor.u32 v17, v6  }
0x200: {  	v50 =	vadd.s32 v16, v18;
	v18 =	vadd.s32 v19, v23;
	v8 =	vperm.xlane v43, v63  }
0x201: {  	v32 =	vld.idx.msk [tilespmem:v41+s4+$0x0], $0xffff;
	v7 =	vadd.s32 v19, v7;
	[tilespmem:$0x1FCC0] =	vst v18  }
0x202: {  	v8 =	vadd.s32 v19, v8;
	[tilespmem:v10+s19+$0x0] =	vst.idx.msk $0xffff, v3  }
0x203: {  	[tilespmem:v4+s19+$0x0] =	vst.idx.msk $0xffff, v2;
	v4 =	vperm.xlane v33, v48  }
0x204: {  	v23 =	vperm.xlane v55, v52;
	[tilespmem:v6+s19+$0x0] =	vst.idx.msk $0xffff, v5;
	v6 =	vor.u32 v28, v46  }
0x205: {  	v9 =	vld.idx.msk [tilespmem:v9+s4+$0x0], $0xffff;
	v3 =	vadd.s32 v34, v4;
	v4 =	vor.u32 v20, v6;
	v6 =	vor.u32 v42, v0  }
0x206: {  	[tilespmem:v45+s19+$0x0] =	vst.idx.msk $0xffff, v32;
	v2 =	vor.u32 v51, v37;
	v5 =	vld.idx.msk [tilespmem:v7+s4+$0x0], $0xffff;
	v6 =	vor.u32 v20, v6  }
0x207: {  	v2 =	vor.u32 v20, v2;
	v8 =	vld.idx.msk [tilespmem:v8+s4+$0x0], $0xffff;
	[tilespmem:$0x1FCD0] =	vst v6;
	v6 =	vadd.s32 v34, v23  }
0x208: {  	v11 =	vor.u32 v27, v0;
	v23 =	vor.u32 v57, v0;
	[tilespmem:$0x1FCE0] =	vst v6;
	v6 =	vperm.xlane v55, v40  }
0x209: {  	v11 =	vor.u32 v17, v11;
	v18 =	vor.u32 v14, v23  }
0x20a: {  	v10 =	vld.idx.msk [tilespmem:v47+s4+$0x0], $0xffff;
	[tilespmem:$0x1FD10] =	vst v18;
	v6 =	vadd.s32 v16, v6  }
0x20b: {  	[tilespmem:$0x1FD20] =	vst v6  }
0x20c: {  	[tilespmem:v2+s19+$0x0] =	vst.idx.msk $0xffff, v5  }
0x20d: {  	[tilespmem:v4+s19+$0x0] =	vst.idx.msk $0xffff, v8  }
0x20e: {  	[tilespmem:v11+s19+$0x0] =	vst.idx.msk $0xffff, v9  }
0x20f: {  	v9 =	vld [tilespmem:$0x1FC20];
	_ =	sdelay $0x5  }
0x210: {  	v22 =	vor.u32 v25, v0  }
0x211: {  	v13 =	vperm.xlane v54, v38  }
0x212: {  	v31 =	vmov v63;
	v63 =	vor.u32 v17, v22;
	v7 =	vperm.xlane v43, v1;
	[tilespmem:v9+s19+$0x0] =	vst.idx.msk $0xffff, v10  }
0x213: {  	v22 =	vmovc v38;
	v6 =	vperm.xlane v43, v38;
	v38 =	vmov v1;
	v10 =	vperm.xlane v55, v1;
	v1 =	vld [tilespmem:$0x1FC30];
	_ =	sdelay $0x4  }
0x214: {  	v12 =	vperm.xlane v55, v58;
	v7 =	vadd.s32 v34, v7;
	_ =	sdelay $0x1  }
0x215: {  	v12 =	vadd.s32 v19, v12;
	v3 =	vld.idx.msk [tilespmem:v3+s4+$0x0], $0xffff  }
0x216: {  	v2 =	vor.u32 v60, v37;
	v5 =	vperm.xlane v33, v53;
	v11 =	vld.idx.msk [tilespmem:v1+s4+$0x0], $0xffff  }
0x217: {  	v4 =	vor.u32 v24, v46;
	v2 =	vor.u32 v14, v2;
	v1 =	vld [tilespmem:$0x1FC40]  }
0x218: {  	v7 =	vld.idx.msk [tilespmem:v7+s4+$0x0], $0xffff;
	v4 =	vor.u32 v14, v4;
	v5 =	vadd.s32 v16, v5  }
0x219: {  	v15 =	vor.u32 v51, v0  }
0x21a: {  	v15 =	vor.u32 v20, v15;
	v8 =	vld.idx.msk [tilespmem:v12+s4+$0x0], $0xffff;
	_ =	sdelay $0x1  }
0x21b: {  	[tilespmem:v2+s19+$0x0] =	vst.idx.msk $0xffff, v3  }
0x21c: {  	[tilespmem:v4+s19+$0x0] =	vst.idx.msk $0xffff, v7;
	v4 =	vld.idx.msk [tilespmem:v5+s4+$0x0], $0xffff  }
0x21d: {  	v5 =	vld [tilespmem:$0x1FEC0]  }
0x21e: {  	v49 =	vmov v25;
	v25 =	vmov v57;
	[tilespmem:v15+s19+$0x0] =	vst.idx.msk $0xffff, v8;
	v57 =	vld.idx.msk [tilespmem:v1+s4+$0x0], $0xffff  }
0x21f: {  	v1 =	vld [tilespmem:$0x1FC50];
	_ =	sdelay $0x7  }
0x220: {  	[tilespmem:v1+s19+$0x0] =	vst.idx.msk $0xffff, v11  }
0x221: {  	v1 =	vld [tilespmem:$0x1FC60];
	_ =	sdelay $0x1  }
0x222: {  	s31 =	simm.s32 $0x2FF0  }
0x223: {  	v23 =	vld [tilespmem:s31+$0x0];
	_ =	sdelay $0x4  }
0x224: {  	v45 =	vmul.u32 $0xC0, v23;
	v23 =	vld [tilespmem:$0x1FEC0];
	[tilespmem:v1+s19+$0x0] =	vst.idx.msk $0xffff, v57  }
0x225: {  	v35 =	vadd.s32 v16, v13;
	v13 =	vperm.xlane v55, v48;
	v1 =	vld [tilespmem:$0x1FC70]  }
0x226: {  	v6 =	vadd.s32 v16, v6  }
0x227: {  	v13 =	vadd.s32 v34, v13  }
0x228: {  	v21 =	vor.u32 v60, v0  }
0x229: {  	v54 =	vmovc v40;
	v41 =	vor.u32 v39, v0;
	v12 =	vperm.xlane v55, v22;
	v2 =	vor.u32 v49, v37  }
0x22a: {  	v32 =	vmovc v39;
	v9 =	vor.u32 v28, v0;
	v2 =	vor.u32 v17, v2;
	v5 =	vor.u32 v5, v46  }
0x22b: {  	v39 =	vor.u32 v20, v9;
	v9 =	vor.u32 v24, v0;
	v6 =	vld.idx.msk [tilespmem:v6+s4+$0x0], $0xffff;
	v5 =	vor.u32 v17, v5  }
0x22c: {  	v21 =	vor.u32 v14, v21;
	v40 =	vor.u32 v14, v9;
	v9 =	vld.idx.msk [tilespmem:v13+s4+$0x0], $0xffff;
	v11 =	vor.u32 v23, v0  }
0x22d: {  	v7 =	vperm.xlane v43, v59;
	v43 =	vadd.s32 v16, v12;
	v12 =	vld.idx.msk [tilespmem:v1+s4+$0x0], $0xffff;
	v1 =	vor.u32 v17, v11  }
0x22e: {  	v8 =	vld [tilespmem:s31+$0xFFFFFFF0];
	[tilespmem:$0x1FC80] =	vst v1  }
0x22f: {  	v1 =	vld [tilespmem:$0x1FC90];
	[tilespmem:v2+s19+$0x0] =	vst.idx.msk $0xffff, v4  }
0x230: {  	[tilespmem:v5+s19+$0x0] =	vst.idx.msk $0xffff, v6  }
0x231: {  	v0 =	vor.u32 v29, v0;
	[tilespmem:v21+s19+$0x0] =	vst.idx.msk $0xffff, v9  }
0x232: {  	v5 =	vor.u32 v29, v46;
	v46 =	vor.u32 v20, v0;
	v0 =	vld [tilespmem:$0x1FCA0];
	_ =	sdelay $0x2  }
0x233: {  	v3 =	vperm.xlane v33, v30;
	_ =	sdelay $0x1  }
0x234: {  	v3 =	vadd.s32 v19, v3  }
0x235: {  	v7 =	vadd.s32 v19, v7;
	_ =	sdelay $0x1  }
0x236: {  	v11 =	vld.idx.msk [tilespmem:v1+s4+$0x0], $0xffff;
	[tilespmem:v0+s19+$0x0] =	vst.idx.msk $0xffff, v12  }
0x237: {  	v2 =	vor.u32 v42, v37;
	v1 =	vld [tilespmem:$0x1FCB0]  }
0x238: {  	v4 =	vperm.xlane v33, v52;
	v3 =	vld.idx.msk [tilespmem:v3+s4+$0x0], $0xffff;
	v2 =	vor.u32 v20, v2  }
0x239: {  	v13 =	vperm.xlane v45, v61;
	v7 =	vld.idx.msk [tilespmem:v7+s4+$0x0], $0xffff;
	v5 =	vor.u32 v20, v5  }
0x23a: {  	v4 =	vadd.s32 v34, v4  }
0x23b: {  	v47 =	vperm.xlane v55, v31;
	v6 =	vadd.s32 v34, v13  }
0x23c: {  	s26 =	simm.s32 $0x70  }
0x23d: {  	v56 =	vor.u32 v17, v41;
	v41 =	vadd.s32 v19, v47;
	v18 =	vmovc v49;
	v9 =	vmov s26;
	[tilespmem:v2+s19+$0x0] =	vst.idx.msk $0xffff, v3  }
0x23e: {  	v49 =	vmul.u32 $0xC0, v8;
	v8 =	vld.idx.msk [tilespmem:v50+s4+$0x0], $0xffff;
	v47 =	vshll.u32 v9, $0x4;
	v9 =	vor.u32 v25, v37;
	[tilespmem:v5+s19+$0x0] =	vst.idx.msk $0xffff, v7  }
0x23f: {  	v7 =	vor.u32 v14, v9;
	v4 =	vld.idx.msk [tilespmem:v4+s4+$0x0], $0xffff;
	[tilespmem:v1+s19+$0x0] =	vst.idx.msk $0xffff, v11;
	v11 =	vor.u32 v26, v47  }
0x240: {  	v0 =	vperm.xlane v49, v61;
	v3 =	vld.idx.msk [tilespmem:v6+s4+$0x0], $0xffff;
	v6 =	vor.u32 v14, v11  }
0x241: {  	v12 =	vperm.xlane v45, v62  }
0x242: {  	v0 =	vadd.s32 v34, v0;
	v11 =	vperm.xlane v33, v54  }
0x243: {  	s28 =	simm.s32 $0x60;
	[tilespmem:v63+s19+$0x0] =	vst.idx.msk $0xffff, v8;
	v5 =	vadd.s32 v16, v12  }
0x244: {  	v2 =	vmov s28;
	[tilespmem:v7+s19+$0x0] =	vst.idx.msk $0xffff, v4;
	v8 =	vadd.s32 v16, v11  }
0x245: {  	v50 =	vshll.u32 v2, $0x4;
	[tilespmem:v6+s19+$0x0] =	vst.idx.msk $0xffff, v3  }
0x246: {  	v9 =	vor.u32 v26, v50;
	v1 =	vld [tilespmem:$0x1FCC0]  }
0x247: {  	v9 =	vor.u32 v14, v9;
	v0 =	vld.idx.msk [tilespmem:v0+s4+$0x0], $0xffff;
	v3 =	vor.u32 v27, v47  }
0x248: {  	v4 =	vld.idx.msk [tilespmem:v5+s4+$0x0], $0xffff;
	v3 =	vor.u32 v17, v3;
	v5 =	vor.u32 v32, v37  }
0x249: {  	v8 =	vld.idx.msk [tilespmem:v8+s4+$0x0], $0xffff;
	v5 =	vor.u32 v17, v5;
	_ =	sdelay $0x2  }
0x24a: {  	[tilespmem:v9+s19+$0x0] =	vst.idx.msk $0xffff, v0  }
0x24b: {  	[tilespmem:v3+s19+$0x0] =	vst.idx.msk $0xffff, v4  }
0x24c: {  	[tilespmem:v5+s19+$0x0] =	vst.idx.msk $0xffff, v8;
	v21 =	vld.idx.msk [tilespmem:v1+s4+$0x0], $0xffff  }
0x24d: {  	v1 =	vld [tilespmem:$0x1FCD0]  }
0x24e: {  	v44 =	vadd.s32 v34, v10;
	v10 =	vperm.xlane v55, v59;
	_ =	sdelay $0x1  }
0x24f: {  	v55 =	vmovc v42;
	v42 =	vadd.s32 v19, v10;
	v10 =	vperm.xlane v49, v62;
	v6 =	vperm.xlane v45, v58;
	_ =	sdelay $0x1  }
0x250: {  	v2 =	vadd.s32 v16, v10;
	v10 =	vor.u32 v27, v50;
	v6 =	vadd.s32 v19, v6  }
0x251: {  	v12 =	vor.u32 v17, v10;
	v10 =	vperm.xlane v49, v48;
	v7 =	vperm.xlane v33, v31;
	_ =	sdelay $0x1  }
0x252: {  	v63 =	vadd.s32 v34, v10;
	v7 =	vadd.s32 v19, v7;
	[tilespmem:v1+s19+$0x0] =	vst.idx.msk $0xffff, v21  }
0x253: {  	v10 =	vperm.xlane v49, v53;
	v3 =	vor.u32 v51, v47;
	v4 =	vperm.xlane v45, v48;
	v1 =	vld [tilespmem:$0x1FCE0]  }
0x254: {  	v5 =	vld.idx.msk [tilespmem:v6+s4+$0x0], $0xffff;
	v6 =	vor.u32 v20, v3  }
0x255: {  	v59 =	vadd.s32 v16, v10;
	v0 =	vadd.s32 v34, v4  }
0x256: {  	v10 =	vperm.xlane v49, v52;
	v11 =	vperm.xlane v49, v58;
	v3 =	vor.u32 v28, v37  }
0x257: {  	v7 =	vld.idx.msk [tilespmem:v7+s4+$0x0], $0xffff;
	v4 =	vor.u32 v20, v3  }
0x258: {  	v13 =	vadd.s32 v19, v11;
	v11 =	vor.u32 v51, v50;
	v2 =	vld.idx.msk [tilespmem:v2+s4+$0x0], $0xffff;
	v51 =	vadd.s32 v34, v10  }
0x259: {  	v10 =	vor.u32 v25, v50;
	v3 =	vor.u32 v55, v50;
	[tilespmem:v6+s19+$0x0] =	vst.idx.msk $0xffff, v5  }
0x25a: {  	v52 =	vor.u32 v20, v3;
	v3 =	vperm.xlane v49, v54;
	v54 =	vor.u32 v14, v10;
	v10 =	vld.idx.msk [tilespmem:v0+s4+$0x0], $0xffff  }
0x25b: {  	v9 =	vld.idx.msk [tilespmem:v1+s4+$0x0], $0xffff  }
0x25c: {  	v1 =	vld [tilespmem:$0x1FCF0];
	[tilespmem:v4+s19+$0x0] =	vst.idx.msk $0xffff, v7  }
0x25d: {  	v4 =	vld [tilespmem:$0x1FD00];
	[tilespmem:v12+s19+$0x0] =	vst.idx.msk $0xffff, v2  }
0x25e: {  	v0 =	vld [tilespmem:$0x1FD10];
	_ =	sdelay $0x6  }
0x25f: {  	v8 =	vperm.xlane v33, v38  }
0x260: {  	v15 =	vor.u32 v18, v50;
	v18 =	vperm.xlane v49, v30;
	v55 =	vld.idx.msk [tilespmem:v1+s4+$0x0], $0xffff;
	[tilespmem:v0+s19+$0x0] =	vst.idx.msk $0xffff, v9  }
0x261: {  	v8 =	vadd.s32 v34, v8;
	v1 =	vld [tilespmem:$0x1FD20]  }
0x262: {  	v57 =	vadd.s32 v19, v18;
	v18 =	vperm.xlane v49, v31  }
0x263: {  	v62 =	vor.u32 v20, v11;
	v11 =	vor.u32 v60, v50;
	v58 =	vor.u32 v17, v15  }
0x264: {  	v15 =	vor.u32 v32, v50;
	v61 =	vor.u32 v14, v11;
	v3 =	vadd.s32 v16, v3  }
0x265: {  	v5 =	vor.u32 v60, v47;
	v6 =	vperm.xlane v45, v53;
	v53 =	vor.u32 v17, v15  }
0x266: {  	v60 =	vor.u32 v24, v50;
	v11 =	vor.u32 v14, v5;
	v5 =	vperm.xlane v33, v22;
	v2 =	vld.idx.msk [tilespmem:v8+s4+$0x0], $0xffff  }
0x267: {  	v12 =	vadd.s32 v16, v6;
	v8 =	vadd.s32 v19, v18;
	v48 =	vld.idx.msk [tilespmem:v4+s4+$0x0], $0xffff;
	v4 =	vor.u32 v24, v37  }
0x268: {  	v13 =	vld.idx.msk [tilespmem:v13+s4+$0x0], $0xffff;
	v4 =	vor.u32 v14, v4;
	v0 =	vadd.s32 v16, v5;
	v5 =	vor.u32 v28, v50  }
0x269: {  	s29 =	simm.s32 $0x3010;
	s28 =	simm.s32 $0x6;
	v9 =	vperm.xlane v49, v38;
	v7 =	vor.u32 v20, v5;
	v5 =	vperm.xlane v49, v22;
	v6 =	vld.idx.msk [tilespmem:v1+s4+$0x0], $0xffff  }
.LBB2_5:
0x26a: {  	v15 =	vld [tilespmem:s29+$0x0]  }
0x26b: {  	v25 =	vld [tilespmem:$0x1FF70]  }
0x26c: {  	v30 =	vld [tilespmem:$0x1FF80]  }
0x26d: {  	v21 =	vld [tilespmem:$0x1FF20];
	_ =	sdelay $0x1  }
0x26e: {  	v18 =	vor.u32 v14, v60  }
0x26f: {  	v60 =	vmovc v3;
	v3 =	vmovc v41;
	v41 =	vmov v8;
	v8 =	vmov v39;
	v39 =	vmov v7;
	[tilespmem:v11+s19+$0x0] =	vst.idx.msk $0xffff, v10  }
0x270: {  	v7 =	vld.idx.msk [tilespmem:v12+s4+$0x0], $0xffff;
	[tilespmem:v4+s19+$0x0] =	vst.idx.msk $0xffff, v2;
	v10 =	vor.u32 v25, v47;
	v11 =	vperm.xlane v45, v30  }
0x271: {  	v2 =	vor.u32 v17, v10;
	v10 =	vperm.xlane v33, v21;
	v33 =	vmovc v45;
	v45 =	vmul.u32 $0xC0, v15;
	v15 =	vld [tilespmem:$0x1FBE0];
	_ =	sdelay $0x3  }
0x272: {  	v1 =	vld [tilespmem:$0x1FE80]  }
0x273: {  	v27 =	vld [tilespmem:$0x1FE90]  }
0x274: {  	v12 =	vld [tilespmem:s29+$0xFFFFFFF0];
	[tilespmem:v62+s19+$0x0] =	vst.idx.msk $0xffff, v13  }
0x275: {  	v13 =	vld.idx.msk [tilespmem:v63+s4+$0x0], $0xffff;
	[tilespmem:v56+s19+$0x0] =	vst.idx.msk $0xffff, v6  }
0x276: {  	v3 =	vld.idx.msk [tilespmem:v3+s4+$0x0], $0xffff;
	[tilespmem:v15+s19+$0x0] =	vst.idx.msk $0xffff, v55;
	v15 =	vmov v40  }
0x277: {  	v4 =	vor.u32 v23, v37;
	[tilespmem:$0x1FBE0] =	vst v15;
	v15 =	vor.u32 v23, v50;
	v23 =	vld [tilespmem:$0x1FBD0]  }
0x278: {  	v24 =	vld [tilespmem:$0x1FE70]  }
0x279: {  	v0 =	vld.idx.msk [tilespmem:v0+s4+$0x0], $0xffff;
	v4 =	vor.u32 v17, v4;
	v11 =	vadd.s32 v19, v11  }
0x27a: {  	v34 =	vld [tilespmem:$0x1FF90]  }
0x27b: {  	v28 =	vld [tilespmem:$0x1FF60];
	v6 =	vadd.s32 v19, v10  }
0x27c: {  	v29 =	vld [tilespmem:$0x1FF00]  }
0x27d: {  	v56 =	vld [tilespmem:$0x1FEE0];
	[tilespmem:v2+s19+$0x0] =	vst.idx.msk $0xffff, v7  }
0x27e: {  	v10 =	vperm.xlane v49, v21;
	v2 =	vld.idx.msk [tilespmem:v11+s4+$0x0], $0xffff;
	[tilespmem:v4+s19+$0x0] =	vst.idx.msk $0xffff, v0  }
0x27f: {  	v7 =	vor.u32 v34, v47;
	v22 =	vld.idx.msk [tilespmem:v35+s4+$0x0], $0xffff;
	[tilespmem:v23+s19+$0x0] =	vst.idx.msk $0xffff, v48;
	v23 =	vperm.xlane v45, v24  }
0x280: {  	v21 =	vor.u32 v27, v50;
	v11 =	vperm.xlane v33, v28;
	v4 =	vor.u32 v20, v7;
	v6 =	vld.idx.msk [tilespmem:v6+s4+$0x0], $0xffff  }
0x281: {  	[tilespmem:v61+s19+$0x0] =	vst.idx.msk $0xffff, v13;
	v13 =	vor.u32 v20, v21;
	v21 =	vld [tilespmem:$0x1FBF0];
	v0 =	vadd.s32 v1, v23  }
0x282: {  	s26 =	sadd.s32 $0x20, s26;
	v49 =	vmul.u32 $0xC0, v12;
	v7 =	vor.u32 v27, v37;
	v12 =	vld.idx.msk [tilespmem:v59+s4+$0x0], $0xffff  }
0x283: {  	v7 =	vor.u32 v20, v7;
	v40 =	vmovc v18;
	v11 =	vadd.s32 v1, v11;
	v18 =	vmov s26;
	v23 =	vld [tilespmem:$0x1FEA0]  }
0x284: {  	v9 =	vadd.s32 v1, v9;
	v18 =	vshll.u32 v18, $0x4;
	[tilespmem:v8+s19+$0x0] =	vst.idx.msk $0xffff, v3;
	v3 =	vperm.xlane v49, v24;
	v24 =	vld [tilespmem:$0x1FF50]  }
0x285: {  	v55 =	vld.idx.msk [tilespmem:v44+s4+$0x0], $0xffff;
	v44 =	vmov v9;
	v9 =	vor.u32 v26, v18  }
0x286: {  	v0 =	vld.idx.msk [tilespmem:v0+s4+$0x0], $0xffff;
	[tilespmem:v4+s19+$0x0] =	vst.idx.msk $0xffff, v2;
	v2 =	vor.u32 v14, v9  }
0x287: {  	v5 =	vadd.s32 v16, v5;
	v35 =	vld [tilespmem:$0x1FFA0]  }
0x288: {  	s30 =	sadd.s32 $0xFFFFFFF0, s26;
	v8 =	vperm.xlane v49, v23;
	v23 =	vperm.xlane v45, v23;
	v4 =	vld.idx.msk [tilespmem:v11+s4+$0x0], $0xffff;
	[tilespmem:v7+s19+$0x0] =	vst.idx.msk $0xffff, v6  }
0x289: {  	v38 =	vmovc v43;
	v27 =	vld [tilespmem:$0x1FC80];
	v3 =	vadd.s32 v1, v3;
	v9 =	vperm.xlane v33, v24;
	[tilespmem:v21+s19+$0x0] =	vst.idx.msk $0xffff, v22;
	v21 =	vmov s30  }
0x28a: {  	v43 =	vmovc v5;
	v6 =	vadd.s32 v16, v23;
	v5 =	vadd.s32 v16, v8;
	v48 =	vld.idx.msk [tilespmem:v36+s4+$0x0], $0xffff;
	v50 =	vshll.u32 v21, $0x4  }
0x28b: {  	v11 =	vor.u32 v29, v50;
	[tilespmem:v2+s19+$0x0] =	vst.idx.msk $0xffff, v0;
	v2 =	vor.u32 v29, v18;
	v29 =	vld [tilespmem:$0x1FEF0]  }
0x28c: {  	v8 =	vadd.s32 v16, v9;
	[tilespmem:v58+s19+$0x0] =	vst.idx.msk $0xffff, v12;
	v9 =	vor.u32 v26, v50;
	v26 =	vld [tilespmem:$0x1FED0]  }
0x28d: {  	v15 =	vor.u32 v17, v15;
	v22 =	vor.u32 v35, v47;
	v21 =	vld.idx.msk [tilespmem:v57+s4+$0x0], $0xffff  }
0x28e: {  	v7 =	vor.u32 v14, v22;
	v23 =	vmovc v27;
	v27 =	vld [tilespmem:$0x1FFD0];
	v22 =	vor.u32 v17, v11;
	v11 =	vperm.xlane v49, v56  }
0x28f: {  	v3 =	vld.idx.msk [tilespmem:v3+s4+$0x0], $0xffff;
	v0 =	vmov v15  }
0x290: {  	[tilespmem:$0x1FC80] =	vst v0;
	v0 =	vld.idx.msk [tilespmem:v6+s4+$0x0], $0xffff;
	v63 =	vadd.s32 v1, v11;
	v11 =	vperm.xlane v49, v29  }
0x291: {  	v9 =	vor.u32 v14, v9;
	v12 =	vperm.xlane v49, v26;
	v6 =	vperm.xlane v45, v26;
	v26 =	vld [tilespmem:$0x1FF40]  }
0x292: {  	v30 =	vperm.xlane v49, v30;
	v59 =	vadd.s32 v16, v11;
	v11 =	vld [tilespmem:$0x1FC00]  }
0x293: {  	v10 =	vadd.s32 v19, v10;
	v15 =	vor.u32 v25, v50  }
0x294: {  	v32 =	vld [tilespmem:$0x1FFF0];
	v57 =	vadd.s32 v19, v30;
	[tilespmem:$0x1FBF0] =	vst v23;
	v2 =	vor.u32 v17, v2;
	v58 =	vor.u32 v17, v15  }
0x295: {  	v31 =	vld [tilespmem:$0x1FFE0];
	v36 =	vmov v42;
	[tilespmem:v7+s19+$0x0] =	vst.idx.msk $0xffff, v4;
	v7 =	vor.u32 v27, v47;
	v6 =	vadd.s32 v19, v6  }
0x296: {  	v4 =	vld.idx.msk [tilespmem:v8+s4+$0x0], $0xffff;
	v7 =	vor.u32 v17, v7;
	[tilespmem:v9+s19+$0x0] =	vst.idx.msk $0xffff, v3;
	v8 =	vperm.xlane v33, v26  }
0x297: {  	v42 =	vmov v10;
	v3 =	vor.u32 v34, v50;
	v5 =	vld.idx.msk [tilespmem:v5+s4+$0x0], $0xffff;
	[tilespmem:v52+s19+$0x0] =	vst.idx.msk $0xffff, v21;
	v10 =	vmov v11  }
0x298: {  	v23 =	vadd.s32 v19, v12;
	v8 =	vadd.s32 v19, v8;
	[tilespmem:$0x1FBD0] =	vst v10;
	v10 =	vperm.xlane v49, v28;
	v28 =	vld [tilespmem:$0x1FF30]  }
0x299: {  	v25 =	vld [tilespmem:$0x1FFB0];
	v12 =	vor.u32 v32, v50;
	v52 =	vor.u32 v20, v3;
	[tilespmem:v2+s19+$0x0] =	vst.idx.msk $0xffff, v0;
	v0 =	vmov v46  }
0x29a: {  	v2 =	vor.u32 v32, v18;
	[tilespmem:$0x1FC00] =	vst v0;
	v0 =	vld.idx.msk [tilespmem:v6+s4+$0x0], $0xffff;
	v6 =	vperm.xlane v45, v56  }
0x29b: {  	v37 =	vmovc v47;
	v3 =	vperm.xlane v49, v24;
	v62 =	vor.u32 v20, v12;
	v2 =	vor.u32 v20, v2  }
0x29c: {  	v12 =	vor.u32 v31, v50;
	v9 =	vld.idx.msk [tilespmem:v51+s4+$0x0], $0xffff;
	[tilespmem:v7+s19+$0x0] =	vst.idx.msk $0xffff, v4;
	v6 =	vadd.s32 v1, v6  }
0x29d: {  	v15 =	vor.u32 v27, v50;
	v61 =	vor.u32 v14, v12;
	v4 =	vld.idx.msk [tilespmem:v8+s4+$0x0], $0xffff;
	v8 =	vperm.xlane v33, v28  }
0x29e: {  	v3 =	vadd.s32 v16, v3;
	v7 =	vor.u32 v25, v47;
	v47 =	vmov v18;
	v18 =	vld [tilespmem:$0x1FF10];
	[tilespmem:v22+s19+$0x0] =	vst.idx.msk $0xffff, v5  }
0x29f: {  	v46 =	vmovc v13;
	v7 =	vor.u32 v20, v7;
	v51 =	vadd.s32 v1, v10;
	v8 =	vadd.s32 v1, v8;
	v1 =	vld [tilespmem:$0x1FFC0]  }
0x2a0: {  	s28 =	sadd.s32 $0x2, s28;
	v21 =	vperm.xlane v49, v26;
	v56 =	vmov v53;
	v10 =	vor.u32 v35, v50;
	[tilespmem:v2+s19+$0x0] =	vst.idx.msk $0xffff, v0  }
0x2a1: {  	p0 =	slt.u32 s28, $0x9E;
	v53 =	vor.u32 v17, v15;
	v24 =	vor.u32 v14, v10;
	v10 =	vld.idx.msk [tilespmem:v6+s4+$0x0], $0xffff;
	v6 =	vperm.xlane v45, v29  }
.Ltmp1:
0x2a2: {  	v5 =	vor.u32 v25, v50;
	v13 =	vld.idx.msk [tilespmem:v23+s4+$0x0], $0xffff;
	[tilespmem:v54+s19+$0x0] =	vst.idx.msk $0xffff, v9;
	v0 =	vor.u32 v31, v47;
	(pc) =	sbr.rel @p0 .LBB2_5-.Ltmp1, $4  }
0x2a3: {  	v26 =	vld [tilespmem:$0x1FEB0];
	v35 =	vmovc v38;
	v11 =	vor.u32 v14, v0;
	v9 =	vperm.xlane v49, v28;
	v12 =	vadd.s32 v16, v6  }
0x2a4: {  	v6 =	vld.idx.msk [tilespmem:v60+s4+$0x0], $0xffff;
	[tilespmem:v7+s19+$0x0] =	vst.idx.msk $0xffff, v4;
	v7 =	vperm.xlane v33, v18;
	v0 =	vor.u32 v1, v37  }
0x2a5: {  	v2 =	vld.idx.msk [tilespmem:v8+s4+$0x0], $0xffff;
	v8 =	vadd.s32 v19, v21;
	v60 =	vor.u32 v1, v50;
	v4 =	vor.u32 v14, v0  }
0x2a6: {  	s29 =	sadd.s32 $0x20, s29;
	v23 =	vld [tilespmem:$0x1FEC0];
	v54 =	vmovc v24;
	v0 =	vadd.s32 v16, v7;
	v7 =	vor.u32 v20, v5;
	v5 =	vperm.xlane v49, v18  }
0x2a7: {  	_ =	sdelay $0x3  }
0x2a8: {  	[tilespmem:v62+s19+$0x0] =	vst.idx.msk $0xffff, v13  }
0x2a9: {  	[tilespmem:v11+s19+$0x0] =	vst.idx.msk $0xffff, v10  }
0x2aa: {  	v21 =	vld [tilespmem:$0x1FF70];
	_ =	sdelay $0x3  }
0x2ab: {  	v13 =	vld.idx.msk [tilespmem:v63+s4+$0x0], $0xffff  }
0x2ac: {  	v63 =	vld [tilespmem:$0x1FF80];
	v34 =	vor.u32 v21, v47  }
0x2ad: {  	v12 =	vld.idx.msk [tilespmem:v12+s4+$0x0], $0xffff;
	v10 =	vor.u32 v17, v34;
	_ =	sdelay $0x3  }
0x2ae: {  	[tilespmem:v61+s19+$0x0] =	vst.idx.msk $0xffff, v13  }
0x2af: {  	v38 =	vperm.xlane v45, v63;
	[tilespmem:v10+s19+$0x0] =	vst.idx.msk $0xffff, v12  }
0x2b0: {  	v24 =	vld [tilespmem:$0x1FF90]  }
0x2b1: {  	v11 =	vadd.s32 v19, v38;
	_ =	sdelay $0x2  }
0x2b2: {  	v13 =	vld.idx.msk [tilespmem:v59+s4+$0x0], $0xffff  }
0x2b3: {  	v27 =	vld [tilespmem:$0x1FF60];
	v61 =	vor.u32 v24, v47  }
0x2b4: {  	v11 =	vld.idx.msk [tilespmem:v11+s4+$0x0], $0xffff;
	v10 =	vor.u32 v20, v61;
	_ =	sdelay $0x1  }
0x2b5: {  	v1 =	vld [tilespmem:$0x1FE80];
	_ =	sdelay $0x1  }
0x2b6: {  	[tilespmem:v58+s19+$0x0] =	vst.idx.msk $0xffff, v13  }
0x2b7: {  	v12 =	vperm.xlane v45, v27;
	[tilespmem:v10+s19+$0x0] =	vst.idx.msk $0xffff, v11  }
0x2b8: {  	v34 =	vld [tilespmem:$0x1FFA0]  }
0x2b9: {  	v12 =	vadd.s32 v1, v12;
	_ =	sdelay $0x2  }
0x2ba: {  	v13 =	vld.idx.msk [tilespmem:v57+s4+$0x0], $0xffff  }
0x2bb: {  	v28 =	vld [tilespmem:$0x1FF50];
	v62 =	vor.u32 v34, v47  }
0x2bc: {  	v12 =	vld.idx.msk [tilespmem:v12+s4+$0x0], $0xffff;
	v10 =	vor.u32 v14, v62;
	_ =	sdelay $0x3  }
0x2bd: {  	[tilespmem:v52+s19+$0x0] =	vst.idx.msk $0xffff, v13  }
0x2be: {  	v29 =	vperm.xlane v45, v28;
	[tilespmem:v10+s19+$0x0] =	vst.idx.msk $0xffff, v12  }
0x2bf: {  	v22 =	vld [tilespmem:$0x1FFD0]  }
0x2c0: {  	v11 =	vadd.s32 v16, v29;
	_ =	sdelay $0x2  }
0x2c1: {  	v13 =	vld.idx.msk [tilespmem:v51+s4+$0x0], $0xffff  }
0x2c2: {  	v18 =	vld [tilespmem:$0x1FF40];
	v30 =	vor.u32 v22, v47  }
0x2c3: {  	v11 =	vld.idx.msk [tilespmem:v11+s4+$0x0], $0xffff;
	v10 =	vor.u32 v17, v30;
	_ =	sdelay $0x3  }
0x2c4: {  	[tilespmem:v54+s19+$0x0] =	vst.idx.msk $0xffff, v13  }
0x2c5: {  	v12 =	vperm.xlane v45, v18;
	[tilespmem:v10+s19+$0x0] =	vst.idx.msk $0xffff, v11  }
0x2c6: {  	v59 =	vld [tilespmem:$0x1FFB0]  }
0x2c7: {  	v12 =	vadd.s32 v19, v12;
	_ =	sdelay $0x1  }
0x2c8: {  	v3 =	vld.idx.msk [tilespmem:v3+s4+$0x0], $0xffff;
	_ =	sdelay $0x1  }
0x2c9: {  	v15 =	vld [tilespmem:$0x1FF30];
	v31 =	vor.u32 v59, v47  }
0x2ca: {  	v12 =	vld.idx.msk [tilespmem:v12+s4+$0x0], $0xffff;
	[tilespmem:v56+s19+$0x0] =	vst.idx.msk $0xffff, v6;
	v10 =	vor.u32 v20, v31  }
0x2cb: {  	v38 =	vld.idx.msk [tilespmem:v41+s4+$0x0], $0xffff  }
0x2cc: {  	[tilespmem:v53+s19+$0x0] =	vst.idx.msk $0xffff, v3  }
0x2cd: {  	v3 =	vld.idx.msk [tilespmem:v8+s4+$0x0], $0xffff;
	_ =	sdelay $0x1  }
0x2ce: {  	[tilespmem:v10+s19+$0x0] =	vst.idx.msk $0xffff, v12  }
0x2cf: {  	v32 =	vperm.xlane v45, v15;
	v25 =	vld [tilespmem:$0x1FFC0];
	[tilespmem:v39+s19+$0x0] =	vst.idx.msk $0xffff, v38  }
0x2d0: {  	[tilespmem:v4+s19+$0x0] =	vst.idx.msk $0xffff, v2  }
0x2d1: {  	v6 =	vadd.s32 v1, v32;
	v39 =	vld [tilespmem:$0x1FF10];
	[tilespmem:v7+s19+$0x0] =	vst.idx.msk $0xffff, v3  }
0x2d2: {  	v3 =	vld [tilespmem:$0x1FBE0];
	_ =	sdelay $0x2  }
0x2d3: {  	v41 =	vor.u32 v25, v47  }
0x2d4: {  	v8 =	vadd.s32 v1, v9;
	v6 =	vld.idx.msk [tilespmem:v6+s4+$0x0], $0xffff;
	v9 =	vor.u32 v14, v41;
	_ =	sdelay $0x3  }
0x2d5: {  	v51 =	vld.idx.msk [tilespmem:v44+s4+$0x0], $0xffff;
	[tilespmem:v3+s19+$0x0] =	vst.idx.msk $0xffff, v55  }
0x2d6: {  	v7 =	vld.idx.msk [tilespmem:v8+s4+$0x0], $0xffff;
	[tilespmem:v9+s19+$0x0] =	vst.idx.msk $0xffff, v6  }
0x2d7: {  	v52 =	vor.u32 v14, v60;
	v6 =	vor.u32 v23, v37;
	v12 =	vld [tilespmem:$0x1FF20]  }
0x2d8: {  	v0 =	vld.idx.msk [tilespmem:v0+s4+$0x0], $0xffff;
	v53 =	vor.u32 v17, v6  }
0x2d9: {  	v4 =	vperm.xlane v45, v39;
	_ =	sdelay $0x1  }
0x2da: {  	v4 =	vadd.s32 v16, v4;
	[tilespmem:v40+s19+$0x0] =	vst.idx.msk $0xffff, v51  }
0x2db: {  	[tilespmem:v52+s19+$0x0] =	vst.idx.msk $0xffff, v7;
	v7 =	vperm.xlane v49, v12  }
0x2dc: {  	[tilespmem:v53+s19+$0x0] =	vst.idx.msk $0xffff, v0  }
0x2dd: {  	v60 =	vadd.s32 v19, v7;
	v7 =	vld [tilespmem:$0x1FBF0]  }
0x2de: {  	v54 =	vor.u32 v23, v47;
	v8 =	vperm.xlane v33, v12  }
0x2df: {  	v56 =	vld.idx.msk [tilespmem:v4+s4+$0x0], $0xffff;
	v4 =	vor.u32 v17, v54  }
0x2e0: {  	v6 =	vadd.s32 v19, v8;
	v8 =	vld.idx.msk [tilespmem:v35+s4+$0x0], $0xffff;
	_ =	sdelay $0x2  }
0x2e1: {  	v5 =	vadd.s32 v16, v5  }
0x2e2: {  	v13 =	vld [tilespmem:$0x1FE90];
	[tilespmem:v4+s19+$0x0] =	vst.idx.msk $0xffff, v56  }
0x2e3: {  	[tilespmem:v7+s19+$0x0] =	vst.idx.msk $0xffff, v8  }
0x2e4: {  	v62 =	vld [tilespmem:$0x1FC80]  }
0x2e5: {  	v57 =	vor.u32 v23, v50  }
0x2e6: {  	v9 =	vor.u32 v17, v57;
	v5 =	vld.idx.msk [tilespmem:v5+s4+$0x0], $0xffff  }
0x2e7: {  	v11 =	vld.idx.msk [tilespmem:v43+s4+$0x0], $0xffff;
	_ =	sdelay $0x3  }
0x2e8: {  	[tilespmem:v9+s19+$0x0] =	vst.idx.msk $0xffff, v5  }
0x2e9: {  	[tilespmem:v62+s19+$0x0] =	vst.idx.msk $0xffff, v11  }
0x2ea: {  	v9 =	vld [tilespmem:$0x1FBD0]  }
0x2eb: {  	v55 =	vperm.xlane v45, v12;
	v58 =	vor.u32 v13, v37  }
0x2ec: {  	v6 =	vld.idx.msk [tilespmem:v6+s4+$0x0], $0xffff;
	v0 =	vor.u32 v20, v58  }
0x2ed: {  	v10 =	vadd.s32 v19, v55;
	_ =	sdelay $0x3  }
0x2ee: {  	[tilespmem:v0+s19+$0x0] =	vst.idx.msk $0xffff, v6  }
0x2ef: {  	v4 =	vor.u32 v13, v47;
	v7 =	vld.idx.msk [tilespmem:v10+s4+$0x0], $0xffff;
	[tilespmem:v9+s19+$0x0] =	vst.idx.msk $0xffff, v48  }
0x2f0: {  	v4 =	vor.u32 v20, v4;
	v0 =	vld [tilespmem:$0x1FC00]  }
0x2f1: {  	v5 =	vor.u32 v13, v50;
	v8 =	vld.idx.msk [tilespmem:v42+s4+$0x0], $0xffff  }
0x2f2: {  	v5 =	vor.u32 v20, v5;
	v2 =	vld.idx.msk [tilespmem:v60+s4+$0x0], $0xffff  }
0x2f3: {  	v61 =	vld.idx.msk [tilespmem:v36+s4+$0x0], $0xffff;
	_ =	sdelay $0x1  }
0x2f4: {  	[tilespmem:v4+s19+$0x0] =	vst.idx.msk $0xffff, v7  }
0x2f5: {  	[tilespmem:v46+s19+$0x0] =	vst.idx.msk $0xffff, v8  }
0x2f6: {  	s24 =	smin.u32 s24, $0x24;
	[tilespmem:v5+s19+$0x0] =	vst.idx.msk $0xffff, v2  }
0x2f7: {  	s25 =	sadd.s32 s25, s10;
	s23 =	sadd.s32 $0x1, s23;
	s24 =	smul.u32 $0xA00, s24;
	[tilespmem:v0+s19+$0x0] =	vst.idx.msk $0xffff, v61  }
0x2f8: {  	s25 =	sshll.u32 s25, $0x1;
	p0 =	sne.s32 s23, $0x14;
	v42 =	vmov v25;
	v25 =	vld [tilespmem:$0x1FFE0]  }
.Ltmp2:
0x2f9: {  	s25 =	sand.u32 $0x1FFFFC00, s25;
	s24 =	sadd.s32 s24, s11;
	v33 =	vmov v24;
	v24 =	vld [tilespmem:$0x1FFF0];
	(pc) =	sbr.rel @p0 .LBB2_2-.Ltmp2, $4  }
0x2fa: {  	s25 =	sadd.s32 s6, s25;
	s24 =	sshrl.u32 s24, $0x3;
	v61 =	vld [tilespmem:$0x1FF00]  }
0x2fb: {  	[hbm4b:s25+s4] =	stream.linear.scatter [tilespmem:s19], [sflag:$0x5], $0xA000, $0x38;
	v7 =	vld [tilespmem:$0x1FED0]  }
0x2fc: {  	s24 =	sadd.s32 s0, s24;
	v48 =	vld [tilespmem:$0x1FEE0]  }
0x2fd: {  	v51 =	vmovc v27;
	v52 =	vmovc v28;
	v53 =	vmov v18;
	v45 =	vmov v12;
	v47 =	vmov v15;
	v13 =	vld [tilespmem:$0x1FEF0];
	[tilespmem:s15], [sflag:$0x3] =	stream.linear.gather [hbm4b:s24+s4], $0xA00, $0x38  }
0x2fe: {  	_ =	swait.ge [sflag:s20], $0xA000  }
0x2ff: {  	[sflag:s20] =	ssyncset.done $0x0  }
0x300: {  	[sflag:s20] =	ssyncadd.s32 $0xFFFF6000  }
0x301: {  	_ =	swait.ge [sflag:s16], $0xA00  }
0x302: {  	[sflag:s16] =	ssyncset.done $0x0  }
0x303: {  	s22 =	sadd.s32 $0x1, s22;
	[sflag:s16] =	ssyncadd.s32 $0xFFFFF600  }
0x304: {  	p0 =	sne.s32 s22, s12;
	_ =	swait.ge [sflag:s21], $0xA000  }
.Ltmp3:
0x305: {  	[sflag:s21] =	ssyncset.done $0x0;
	(pc) =	sbr.rel @p0 .LBB2_1-.Ltmp3, $4  }
0x306: {  	[sflag:s21] =	ssyncadd.s32 $0xFFFF6000  }
0x307: {  	_ =	swait.ge [sflag:s18], $0xA00  }
0x308: {  	[sflag:s18] =	ssyncset.done $0x0  }
0x309: {  	[sflag:s18] =	ssyncadd.s32 $0xFFFFF600  }
0x30a: {  	_ =	sfence.sel $0x180000  }
0x30b: {  	[bflag:$0x0] =	sbarrier.arrive $0xFFFF  }
0x30c: {  	p0 =	sne.s32 s1, $0x0;
	_ =	strace $0x90000047  }
0x30d: {  	s0 =	sadd.s32 @!p0 $0x100000, s3;
	[bflag:$0x2] =	sbarrier.arrive $0xFFFF  }
0x30e: {  	[sflag:s0] =	ssyncadd.tile.s32 @!p0 $0x1;
	_ =	shalt  }
.Lfunc_end2:
_tile_overlayer_lowered:
.L_overlay_start_2:
0x30f: {  	(tag) =	ssettag $0x2  }
0x310: {  	s0 =	rddreg [dreg:$0x0];
	s2 =	stileid.u32  }
0x311: {  	s1 =	rddreg [dreg:$0x1];
	p0 =	sne.s32 s2, $0x0  }
0x312: {  	s3 =	rddreg [dreg:$0x2];
	[bflag:$0x3] =	sbarrier.arrive $0xFFFF;
	s2 =	simm.s32 @!p0 $0x1C06  }
0x313: {  	[timem:s3], [sflag:s2] =	dma.local @!p0 [hbm:s0], s1  }
0x314: {  	s0 =	simm.s32 @!p0 $0x6  }
0x315: {  	_ =	swait.ge @!p0 [sflag:s0], s1  }
0x316: {  	s1 =	ssub.s32 @!p0 $0x0, s1;
	[sflag:s0] =	ssyncset.done @!p0 $0x0  }
0x317: {  	[sflag:s0] =	ssyncadd.s32 @!p0 s1  }
0x318: {  	[bflag:$0x3] =	sbarrier.arrive $0xFFFF  }
0x319: {  	_ =	shalt  }

// kernel: sparse-core-data-format-call.cloned.1.call-start
scs
called_computation_lowered:
.L_overlay_start_0:
0x0: {  	s2 =	sld [smem:$0x3FD9]  }
0x1: {  	s3 =	sld [smem:$0x3FFE];
	_ =	sdelay $0x1  }
0x2: {  	s1 =	srdreg.scid  }
0x3: {  	s0 =	sand.u32 $0x1, s1  }
0x4: {  	s15 =	sshll.u32 s0, $0xA;
	s2 =	sadd.s32 s3, s2  }
0x5: {  	s2 =	sadd.s32 s2, s15  }
0x6: {  	[smem:$0x3FC3] =	sst s2  }
0x7: {  	_ = 	snop  }
0x8: {  	s2 =	sld [smem:$0x3FD0];
	_ =	sdelay $0x2  }
0x9: {  	s16 =	simm.s32 $0xA;
	s4 =	simm.s32 $0x10  }
0xa: {  	[smem:s4], [sflag:s16] =	dma.local [hbm:s2], $0x1  }
0xb: {  	_ =	swait.eq [sflag:s16], $0x1  }
0xc: {  	[sflag:s16] =	ssyncset.done $0x0  }
0xd: {  	[sflag:s16] =	ssyncadd.s32 $0xFFFFFFFF  }
0xe: {  	s17 =	sld [smem:$0x10];
	(tm) =	ssettm $0x1  }
0xf: {  	s18 =	sld [smem:$0x3FFB];
	_ =	sdelay $0x3  }
0x10: {  	_ =	strace s18  }
0x11: {  	s3 =	sld [smem:$0x3FFC];
	_ =	sdelay $0x3  }
0x12: {  	_ =	strace s3  }
0x13: {  	s3 =	sld [smem:$0x3FFD];
	_ =	sdelay $0x3  }
0x14: {  	_ =	strace s3  }
0x15: {  	_ =	strace $0x8FFFFFFF  }
0x16: {  	s19 =	sld [smem:$0x3FDB];
	_ =	sdelay $0x1  }
0x17: {  	s20 =	simm.s32 $_scs_section_size  }
0x18: {  	s5 =	simm.s32 $_size__tile_overlayer_lowered;
	s6 =	simm.s32 $_tile_overlayer_lowered  }
0x19: {  	s23 =	simm.s32 $0x1BFF;
	s22 =	sshll.u32 s6, $0x1;
	s3 =	sadd.s32 s20, s19  }
0x1a: {  	s7 =	simm.s32 $0x0;
	s21 =	sshll.u32 s5, $0x1;
	s5 =	sadd.s32 s22, s3  }
0x1b: {  	[timem:s7], [sflag:s23] =	dma.local [hbm:s5], s21  }
0x1c: {  	_ =	swait.ge [sflag:s23], s21  }
0x1d: {  	s4 =	ssub.s32 $0x0, s21;
	[sflag:s23] =	ssyncset.done $0x0  }
0x1e: {  	[sflag:s23] =	ssyncadd.s32 s4;
	_ =	sdelay $0x1  }
0x1f: {  	s24 =	simm.s32 $0x1B8B  }
0x20: {  	_ =	swait.ge [sflag:s24], $0x1  }
0x21: {  	[sflag:s24] =	ssyncset.done $0x0  }
0x22: {  	s26 =	simm.s32 $0x1B8E;
	s25 =	sld [smem:$0x3FFE];
	[sflag:s24] =	ssyncadd.s32 $0xFFFFFFFF  }
0x23: {  	s27 =	simm.s32 $execute0_lowered;
	[smem:$0x3FD2] =	sst s26  }
0x24: {  	s5 =	sshll.u32 s27, $0x1;
	_ =	strace $0x80000049;
	[dreg:$0x1] =	wrdreg $0xFFFFFFFF  }
0x25: {  	s28 =	simm.s32 $_size_execute0_lowered;
	s3 =	sadd.s32 s3, s5;
	[dreg:$0x0] =	wrdreg $0x0  }
0x26: {  	s5 =	sshll.u32 s28, $0x1;
	[dreg:$0x2] =	wrdreg s3  }
0x27: {  	[dreg:$0x3] =	wrdreg s5  }
0x28: {  	[dreg:$0x4] =	wrdreg $0xC0  }
0x29: {  	_ =	task [dreg:s7], $0x5FFFF  }
0x2a: {  	[dreg:$0x1] =	wrdreg $0xFFFFFFFF  }
0x2b: {  	[dreg:$0x0] =	wrdreg $0x60  }
0x2c: {  	[dreg:$0x2] =	wrdreg s25  }
0x2d: {  	[dreg:$0x3] =	wrdreg s17  }
0x2e: {  	[dreg:$0x4] =	wrdreg $0x9  }
0x2f: {  	_ =	task.clear_ibuf [dreg:s7], $0x5FFFF;
	_ =	strace $0x90000049  }
0x30: {  	s29 =	simm.s32 $0x9;
	_ =	strace $0x8000004B  }
0x31: {  	_ =	swait.ge [sflag:s29], $0x1  }
0x32: {  	[sflag:s29] =	ssyncadd.s32 $0xFFFFFFFF  }
0x33: {  	_ =	strace $0x9000004B  }
0x34: {  	_ =	sfence  }
0x35: {  	s30 =	sld [smem:$0x0];
	_ =	sdelay $0x2  }
0x36: {  	s31 =	sshll.u32 s1, $0xD;
	s1 =	sshrl.u32 s1, $0x2  }
0x37: {  	s3 =	sand.u32 $0x4000, s31;
	s1 =	sadd.s32 s1, s30  }
0x38: {  	s0 =	sor.u32 s3, s0;
	s1 =	sshll.u32 s1, $0x11  }
0x39: {  	s0 =	sor.u32 s1, s0  }
0x3a: {  	s0 =	sadd.s32 $0x8F2B, s0  }
0x3b: {  	[sflag:s0] =	ssyncadd.remote.s32 $0x1  }
0x3c: {  	_ =	sfence.sel $0xFFFF  }
0x3d: {  	[dreg:$0x0] =	wrdreg $0xFFFFFFFF;
	(pc) =	sbr.abs _section_cstart, $3  }
0x3e: {  	[dreg:$0x1] =	wrdreg $0xFFFFFFFF  }
0x3f: {  	_ =	task.clear_ibuf [dreg:s7], $0x2FFFF;
	_ =	strace $0x9FFFFFFF  }
0x40: {  	(tm) =	ssettm $0x7FFFFFFF  }
0x41: {  	_ =	shalt  }
tec
execute0_lowered:
.L_overlay_start_1:
0x0: {  	(tag) =	ssettag $0x1  }
0x1: {  	s0 =	srdreg.scid  }
0x2: {  	s1 =	sshll.u32 s0, $0x4  }
0x3: {  	s6 =	rddreg [dreg:$0x0];
	s0 =	stileid.u32;
	s1 =	sand.u32 $0x10, s1  }
0x4: {  	s3 =	rddreg [dreg:$0x1];
	s1 =	sor.u32 s0, s1  }
0x5: {  	s5 =	simm.s32 $0x1;
	s31 =	simm.s32 $0x2;
	s2 =	sshll.u32 s1, $0x7  }
0x6: {  	s15 =	simm.s32 $0x0;
	s8 =	simm.s32 $0x320000;
	s4 =	ssub.s32 $0x4000, s2  }
0x7: {  	s14 =	simm.s32 $0x0;
	s9 =	simm.s32 $0x0;
	s30 =	sand.u32 $0xF80, s4  }
0x8: {  	s10 =	simm.s32 $0x0;
	s11 =	simm.s32 $0x0;
	p0 =	sne.s32 s30, $0x0  }
.Ltmp0:
0x9: {  	s7 =	sshrl.u32 s4, $0xC;
	s5 =	simm.s32 @!p0 $0x0;
	(pc) =	sbr.rel .LBB1_1-.Ltmp0, $4  }
0xa: {  	s13 =	simm.s32 $0x0;
	s1 =	rddreg [dreg:$0x2];
	s5 =	sadd.s32 s5, s7  }
0xb: {  	_ =	strace $0x8000004A;
	s4 =	simm.s32 $0x1;
	s5 =	smul.u32 $0xC8, s5  }
0xc: {  	s6 =	sadd.s32 $0x641000, s6;
	s12 =	smov.u32 s2;
	[sflag:s4] =	ssyncpa.u1 $0x0  }
0xd: {  	[sflag:s31] =	ssyncpa.u1 $0x0;
	p0 =	por $0x0, $0x0;
	s7 =	sor.u32 $0x1, s5  }
.LBB1_4:
0xe: {  	s18 =	sshll.u32 s9, $0xE;
	s19 =	sand.u32 $0x78, s10;
	s20 =	sshll.u32 s10, $0x3  }
0xf: {  	s22 =	sshll.u32 s9, $0x7;
	p1 =	sgt.s32 s9, $0xC7;
	s25 =	sshra.s32 s9, $0x1F  }
0x10: {  	s23 =	smov.u32 s10;
	s24 =	sshra.s32 s10, $0x1F;
	s29 =	sand.u32 $0x7, s10  }
0x11: {  	s18 =	sand.u32 $0xFFFE0000, s18;
	s21 =	sand.u32 $0xFFFFFC00, s20;
	s20 =	sand.u32 $0x3C00, s20  }
0x12: {  	s30 =	sand.u32 $0x380, s22;
	s22 =	sand.u32 s25, s9;
	s18 =	sadd.s32 s21, s18  }
0x13: {  	s19 =	sor.u32 s19, s20;
	s20 =	smov.u32 s9;
	s18 =	sshrl.u32 s18, $0xE  }
0x14: {  	s20 =	simm.s32 @!p1 $0xC7;
	p1 =	sgt.s32 s10, $0x3F80;
	s31 =	smulhi.u32 $0x147AE15, s18  }
0x15: {  	s26 =	sand.u32 s24, s10;
	s20 =	ssub.s32 s20, s22;
	s23 =	simm.s32 @!p1 $0x3F80  }
0x16: {  	s27 =	ssub.s32 $0xC8, s20;
	s22 =	ssub.s32 s23, s26;
	s21 =	smul.u32 $0xC8, s31  }
0x17: {  	s20 =	sadd.s32 $0xFFFFFF39, s20;
	s23 =	smul.u32 $0xC, s27;
	s28 =	sadd.s32 $0xFFFFC080, s22  }
0x18: {  	p1 =	sgt.s32 s20, $0x0;
	s20 =	ssub.s32 $0x4000, s22;
	p2 =	sgt.s32 s28, $0x7F  }
0x19: {  	s19 =	sor.u32 s30, s19;
	s23 =	simm.s32 @p1 $0x0;
	s20 =	simm.s32 @p2 $0x0  }
0x1a: {  	s19 =	sshrl.u32 s19, $0x3;
	s18 =	ssub.s32 s18, s21;
	s20 =	smul.u32 s20, s23  }
0x1b: {  	s19 =	sadd.s32 s3, s19;
	s21 =	sshll.u32 s29, $0x12;
	s18 =	sshll.u32 s18, $0xB  }
0x1c: {  	[tilespmem:s17+$0x0 ss:$0x81] =	vst.msk $0xffff, v0;
	s31 =	sor.u32 $0x80, s21;
	s18 =	sadd.s32 s18, s19;
	s30 =	sand.u32 $0x3FFFFFFC, s20  }
0x1d: {  	[hbm4b:s18+s31] =	stream.strided.scatter [tilespmem:s16], [sflag:$0x2], s30, s8, s31, $0x20;
	[tilespmem:$0x2020] =	vst v63  }
.LBB1_5:
0x1e: {  	p1 =	slt.u32 s13, $0x2  }
0x1f: {  	s17 =	smov.u32 s15;
	p2 =	sgt.s32 @!p1 s15, $0xC7;
	s16 =	sshra.s32 @!p1 s15, $0x1F  }
0x20: {  	p3 =	sgt.s32 @!p1 s14, $0x3F80;
	s18 =	sshra.s32 @!p1 s14, $0x1F;
	p2 =	por !p2, p1  }
0x21: {  	s15 =	sand.u32 @!p1 s16, s15;
	p3 =	por !p3, p1;
	s16 =	smov.u32 s14  }
0x22: {  	s14 =	sand.u32 @!p1 s18, s14;
	s17 =	simm.s32 @p2 $0xC7;
	s16 =	simm.s32 @p3 $0x3F80  }
0x23: {  	s18 =	smov.u32 s12;
	s15 =	ssub.s32 @!p1 s17, s15;
	s14 =	ssub.s32 @!p1 s16, s14  }
0x24: {  	s16 =	sadd.s32 @!p1 $0xFFFFFF39, s15;
	s15 =	ssub.s32 @!p1 $0xC8, s15;
	s17 =	sadd.s32 @!p1 $0xFFFFC080, s14  }
0x25: {  	p2 =	sgt.s32 @!p1 s16, $0x0;
	s15 =	smul.u32 @!p1 $0xC, s15;
	p3 =	sgt.s32 @!p1 s17, $0x7F  }
0x26: {  	s14 =	ssub.s32 @!p1 $0x4000, s14;
	p2 =	por !p2, p1;
	p3 =	por !p3, p1  }
0x27: {  	s16 =	sadd.s32 $0x1, s11;
	s15 =	simm.s32 @!p2 $0x0;
	s14 =	simm.s32 @!p3 $0x0  }
0x28: {  	p2 =	sgt.s32 s16, $0xC7;
	s14 =	smul.u32 @!p1 s14, s15;
	s15 =	sadd.s32 $0x1000, s12  }
0x29: {  	s18 =	smov.u32 @p2 s15  }
0x2a: {  	s16 =	simm.s32 @p2 $0x0;
	p2 =	sgt.s32 s18, $0x3FFF  }
0x2b: {  	s18 =	smov.u32 @p2 s2;
	p2 =	sne.s32 s13, s7  }
.Ltmp1:
0x2c: {  	p0 =	por !p0, !p0;
	s17 =	simm.s32 @!p1 $0x2;
	(pc) =	sbr.rel @!p2 .LBB1_6-.Ltmp1, $4  }
0x2d: {  	s15 =	smov.u32 s9;
	s9 =	smov.u32 s11;
	s14 =	sand.u32 @!p1 $0x3FFFFFFC, s14  }
0x2e: {  	s11 =	smov.u32 s16;
	_ =	swait.ge @!p1 [sflag:s17], s14;
	s19 =	ssub.s32 @!p1 $0x0, s14  }
0x2f: {  	s14 =	smov.u32 s10;
	s13 =	sadd.s32 $0x1, s13;
	[sflag:s17] =	ssyncset.done @!p1 $0x0  }
0x30: {  	s10 =	smov.u32 s12;
	s12 =	smov.u32 s18;
	[sflag:s17] =	ssyncadd.s32 @!p1 s19  }
.LBB1_1:
0x31: {  	p1 =	sge.u32 s13, s5  }
0x32: {  	s16 =	sand.u32 @!p1 $0x1FFFFFF, s11  }
0x33: {  	s17 =	smulhi.u32 @!p1 $0x147AE15, s16;
	_ =	sdelay $0x1  }
0x34: {  	s17 =	smul.u32 @!p1 $0xC8, s17  }
0x35: {  	s18 =	sxor.u32 @!p1 $0xFFFFFFFF, s13;
	s19 =	smul.u32 @!p1 $0xC80, s12  }
0x36: {  	s31 =	sadd.s32 $0xFFFFFFFF, s13;
	s18 =	sshll.u32 @!p1 s18, $0xB;
	s16 =	ssub.s32 @!p1 s16, s17  }
0x37: {  	s17 =	sand.u32 @!p1 $0x800, s18;
	s18 =	sadd.s32 @!p1 s6, s19;
	s16 =	sshll.u32 @!p1 s16, $0x4  }
0x38: {  	s19 =	simm.s32 @!p1 $0x6400;
	s16 =	sadd.s32 @!p1 s16, s18;
	s18 =	simm.s32 @!p1 $0x10  }
0x39: {  	[tilespmem:s17], [sflag:$0x1] =	stream.strided.gather @!p1 [hbm4b:s16+s18], $0x800, s19, s18, $0x38;
	[tilespmem:$0x2020] =	vst v63  }
0x3a: {  	p1 =	sge.u32 s31, s5  }
.Ltmp2:
0x3b: {  	_ = 	snop;
	(pc) =	sbr.rel @p1 .LBB1_5-.Ltmp2, $1  }
0x3c: {  	_ =	sdelay $0x3  }
0x3d: {  	s16 =	simm.s32 $0x1  }
0x3e: {  	s16 =	simm.s32 @!p0 $0x0  }
0x3f: {  	s17 =	sshll.u32 s16, $0xB  }
0x40: {  	v1 =	vmov s17;
	_ =	sdelay $0x1  }
0x41: {  	_ =	swait.ge [sflag:s4], $0x800  }
0x42: {  	s31 =	sand.u32 $0x1, s13;
	[sflag:s4] =	ssyncset.done $0x0  }
0x43: {  	s19 =	simm.s32 $0x0;
	s16 =	smul.u32 $0x2040, s16;
	[sflag:s4] =	ssyncadd.s32 $0xFFFFF800  }
0x44: {  	s17 =	smul.u32 $0x2040, s31;
	v0 =	vld.idx.msk [tilespmem:v1+s19+$0x0 ss:$0x1], $0xffff;
	_ =	sdelay $0x1  }
0x45: {  	s16 =	sshrl.u32 s16, $0x2;
	s18 =	sshrl.u32 s17, $0x2  }
0x46: {  	s17 =	sor.u32 $0x1000, s16;
	s16 =	sor.u32 $0x1000, s18;
	s18 =	simm.s32 $0x40  }
.LBB1_3:
0x47: {  	s19 =	sshra.s32 s18, $0x2;
	p1 =	sne.s32 s18, $0x1FC0;
	s18 =	sadd.s32 $0x40, s18  }
.Ltmp3:
0x48: {  	[tilespmem:s17+$0x0 ss:$0x81] =	vst.msk $0xffff, v0;
	v0 =	vld.idx.msk [tilespmem:v1+s19+$0x0 ss:$0x1], $0xffff;
	(pc) =	sbr.rel @p1 .LBB1_3-.Ltmp3, $2  }
0x49: {  	_ =	sdelay $0x2  }
0x4a: {  	s17 =	sadd.s32 $0x1, s17  }
.Ltmp4:
0x4b: {  	_ = 	snop;
	(pc) =	sbr.rel .LBB1_4-.Ltmp4, $1  }
0x4c: {  	_ =	sdelay $0x3  }
.LBB1_6:
0x4d: {  	_ =	sfence.sel $0x180000  }
0x4e: {  	s2 =	simm.s32 $0x1;
	[bflag:$0x0] =	sbarrier.arrive $0xFFFF  }
0x4f: {  	s31 =	simm.s32 $0x2;
	[sflag:s2] =	ssyncpa.u1 $0x1  }
0x50: {  	[sflag:s31] =	ssyncpa.u1 $0x1  }
0x51: {  	p0 =	sne.s32 s0, $0x0;
	_ =	strace $0x9000004A  }
0x52: {  	s0 =	sadd.s32 @!p0 $0x100000, s1;
	[bflag:$0x2] =	sbarrier.arrive $0xFFFF  }
0x53: {  	[sflag:s0] =	ssyncadd.tile.s32 @!p0 $0x1;
	_ =	shalt  }
.Lfunc_end1:
_tile_overlayer_lowered:
.L_overlay_start_2:
0x54: {  	(tag) =	ssettag $0x2  }
0x55: {  	s0 =	rddreg [dreg:$0x0];
	s2 =	stileid.u32  }
0x56: {  	s1 =	rddreg [dreg:$0x1];
	p0 =	sne.s32 s2, $0x0  }
0x57: {  	s3 =	rddreg [dreg:$0x2];
	[bflag:$0x3] =	sbarrier.arrive $0xFFFF;
	s2 =	simm.s32 @!p0 $0x1C01  }
0x58: {  	[timem:s3], [sflag:s2] =	dma.local @!p0 [hbm:s0], s1  }
0x59: {  	s0 =	simm.s32 @!p0 $0x1  }
0x5a: {  	_ =	swait.ge @!p0 [sflag:s0], s1  }
0x5b: {  	s1 =	ssub.s32 @!p0 $0x0, s1;
	[sflag:s0] =	ssyncset.done @!p0 $0x0  }
0x5c: {  	[sflag:s0] =	ssyncadd.s32 @!p0 s1  }
0x5d: {  	[bflag:$0x3] =	sbarrier.arrive $0xFFFF  }
0x5e: {  	_ =	shalt  }

</sc_bundles>
